<compile_context>
chip_gen: v7x
topology: tpu7x:2x2x1
jax: 0.10.2.dev20260603
libtpu: 0.0.44.dev20260713+nightly
codegen_flags: <defaults>
</compile_context>

<pallas_src>
import functools

import jax
import jax.numpy as jnp
from jax import lax
from jax.experimental import pallas as pl
from jax.experimental.pallas import tpu as pltpu
from jax.experimental.pallas import tpu_sc as plsc

N = 10000
E = 320000
D = 128
NC, NS = 2, 16
NW = NC * NS
CHUNK = 128
EPW = 10240
EPAD = EPW * NW
NCH = EPW // CHUNK
NCHB = 8
NBLK = NCH // NCHB
ROWS = 10240
RPT = ROWS // NS


def _scatter_loop(with_gather, table, srcs, dsts, src_v, dst_v, rows, sems,
                  ssems, isem, acc_sh, wid):
  def _wait_gather(p):
    pltpu.make_async_copy(table.at[pl.ds(0, CHUNK)], rows[p], sems[p]).wait()

  def _wait_scatter(p):
    pltpu.make_async_copy(table.at[pl.ds(0, CHUNK)], rows[p], ssems[p]).wait()

  def run():
    pltpu.sync_copy(dsts.at[wid, pl.ds(0, NCHB)], dst_v.at[pl.ds(0, NCHB)])
    if with_gather:
      pltpu.sync_copy(srcs.at[wid, pl.ds(0, NCHB)], src_v.at[pl.ds(0, NCHB)])
      pltpu.async_copy(table.at[src_v.at[0]], rows[0], sems[0])

    def block(b, carry):
      half = (b % 2) * NCHB
      nxt = ((b + 1) % 2) * NCHB

      if not with_gather:
        @pl.when(b > 0)
        def _drain_prev():
          for _ in range(NCHB):
            _wait_scatter(0)
      else:
        @pl.when(b > 0)
        def _drain_prev_g():
          _wait_scatter(1)

      @pl.when(b + 1 < NBLK)
      def _prefetch():
        pltpu.async_copy(dsts.at[wid, pl.ds((b + 1) * NCHB, NCHB)],
                         dst_v.at[pl.ds(nxt, NCHB)], isem)
        if with_gather:
          pltpu.async_copy(srcs.at[wid, pl.ds((b + 1) * NCHB, NCHB)],
                           src_v.at[pl.ds(nxt, NCHB)], isem)

      if with_gather:
        for j in range(NCHB):
          p = j % 2
          q = 1 - p
          if j > 0:
            _wait_scatter(q)
          if j == NCHB - 1:
            @pl.when(b + 1 < NBLK)
            def _drain_i():
              pltpu.make_async_copy(
                  dsts.at[wid, pl.ds((b + 1) * NCHB, NCHB)],
                  dst_v.at[pl.ds(nxt, NCHB)], isem).wait()
              pltpu.make_async_copy(
                  srcs.at[wid, pl.ds((b + 1) * NCHB, NCHB)],
                  src_v.at[pl.ds(nxt, NCHB)], isem).wait()
            pltpu.async_copy(table.at[src_v.at[nxt]], rows[q], sems[q])
          else:
            pltpu.async_copy(table.at[src_v.at[half + j + 1]], rows[q],
                             sems[q])
          _wait_gather(p)
          pltpu.async_copy(rows[p], acc_sh.at[dst_v.at[half + j]], ssems[p],
                           add=True)
      else:
        for j in range(NCHB):
          pltpu.async_copy(rows[0], acc_sh.at[dst_v.at[half + j]], ssems[0],
                           add=True)

        @pl.when(b + 1 < NBLK)
        def _drain_i2():
          pltpu.make_async_copy(dsts.at[wid, pl.ds((b + 1) * NCHB, NCHB)],
                                dst_v.at[pl.ds(nxt, NCHB)], isem).wait()

      return carry

    lax.fori_loop(0, NBLK, block, 0)
    if with_gather:
      _wait_gather(0)
      _wait_scatter(1)
    else:
      for _ in range(NCHB):
        _wait_scatter(0)

  return run


_SC_SCRATCH = lambda: [
    pltpu.VMEM((2 * NCHB, CHUNK), jnp.int32),
    pltpu.VMEM((2 * NCHB, CHUNK), jnp.int32),
    pltpu.VMEM((CHUNK, D), jnp.float32),
    pltpu.VMEM((CHUNK, D), jnp.float32),
    pltpu.SemaphoreType.DMA,
    pltpu.SemaphoreType.DMA,
    pltpu.SemaphoreType.DMA,
    pltpu.SemaphoreType.DMA,
    pltpu.SemaphoreType.DMA,
    pltpu.VMEM_SHARED((ROWS, D), jnp.float32),
]


def _mesh():
  return plsc.VectorSubcoreMesh(
      core_axis_name="c", subcore_axis_name="s", num_cores=NC, num_subcores=NS
  )


@functools.lru_cache(maxsize=None)
def _make_deg_s1():

  def body(table, ones, srcs, dsts, zrows, s1_out, deg_out, src_v, dst_v,
           rows_a, rows_b, sem_a, sem_b, ssem_a, ssem_b, isem, acc_sh):
    cid = lax.axis_index("c")
    sid = lax.axis_index("s")
    wid = cid * NS + sid
    rows = (rows_a, rows_b)
    sems = (sem_a, sem_b)
    ssems = (ssem_a, ssem_b)
    my = pl.ds(sid * RPT, RPT)

    pltpu.sync_copy(zrows, acc_sh.at[my])
    pltpu.sync_copy(ones, rows_a)
    plsc.subcore_barrier()
    _scatter_loop(False, table, srcs, dsts, src_v, dst_v, rows, sems, ssems,
                  isem, acc_sh, wid)()
    plsc.subcore_barrier()
    pltpu.sync_copy(acc_sh.at[my], deg_out.at[cid, my])
    pltpu.sync_copy(zrows, acc_sh.at[my])
    plsc.subcore_barrier()
    _scatter_loop(True, table, srcs, dsts, src_v, dst_v, rows, sems, ssems,
                  isem, acc_sh, wid)()
    plsc.subcore_barrier()
    pltpu.sync_copy(acc_sh.at[my], s1_out.at[cid, my])

  return pl.kernel(
      body,
      out_type=(jax.ShapeDtypeStruct((NC, ROWS, D), jnp.float32),
                jax.ShapeDtypeStruct((NC, ROWS, D), jnp.float32)),
      mesh=_mesh(),
      scratch_types=_SC_SCRATCH(),
  )


@functools.lru_cache(maxsize=None)
def _make_s_pass():

  def body(table, srcs, dsts, zrows, acc_out, src_v, dst_v, rows_a, rows_b,
           sem_a, sem_b, ssem_a, ssem_b, isem, acc_sh):
    cid = lax.axis_index("c")
    sid = lax.axis_index("s")
    wid = cid * NS + sid
    my = pl.ds(sid * RPT, RPT)

    pltpu.sync_copy(zrows, acc_sh.at[my])
    plsc.subcore_barrier()
    _scatter_loop(True, table, srcs, dsts, src_v, dst_v, (rows_a, rows_b),
                  (sem_a, sem_b), (ssem_a, ssem_b), isem, acc_sh, wid)()
    plsc.subcore_barrier()
    pltpu.sync_copy(acc_sh.at[my], acc_out.at[cid, my])

  return pl.kernel(
      body,
      out_type=jax.ShapeDtypeStruct((NC, ROWS, D), jnp.float32),
      mesh=_mesh(),
      scratch_types=_SC_SCRATCH(),
  )


def _combine_body(s_ref, g_ref, x_ref, h1_ref):
  s = s_ref[0] + s_ref[1]
  deg = g_ref[0, :, 0:1] + g_ref[1, :, 0:1]
  h1_ref[...] = s / jnp.maximum(deg, 1.0) - x_ref[...] * jnp.minimum(deg, 1.0)


def _final_body(s_ref, g_ref, x_ref, h1_ref, w1x_ref, w1a_ref, w1b_ref,
                b1_ref, w2_ref, b2_ref, out_ref):
  s = s_ref[0] + s_ref[1]
  deg = g_ref[0, :, 0:1] + g_ref[1, :, 0:1]
  x = x_ref[...]
  h1 = h1_ref[...]
  h2 = s / jnp.maximum(deg, 1.0) - h1 * jnp.minimum(deg, 1.0)
  hid = (jnp.dot(x, w1x_ref[...], preferred_element_type=jnp.float32)
         + jnp.dot(h1, w1a_ref[...], preferred_element_type=jnp.float32)
         + jnp.dot(h2, w1b_ref[...], preferred_element_type=jnp.float32)
         + b1_ref[...])
  hid = jnp.maximum(hid, 0.0)
  out_ref[...] = (jnp.dot(hid, w2_ref[...], preferred_element_type=jnp.float32)
                  + b2_ref[...])


_BLK = 1000


def _full(shape):
  return pl.BlockSpec(shape, lambda i: (0,) * len(shape))


_combine = pl.pallas_call(
    _combine_body,
    grid=(N // _BLK,),
    in_specs=[
        pl.BlockSpec((NC, _BLK, D), lambda i: (0, i, 0)),
        pl.BlockSpec((NC, _BLK, D), lambda i: (0, i, 0)),
        pl.BlockSpec((_BLK, D), lambda i: (i, 0)),
    ],
    out_specs=pl.BlockSpec((_BLK, D), lambda i: (i, 0)),
    out_shape=jax.ShapeDtypeStruct((N, D), jnp.float32),
)

_final = pl.pallas_call(
    _final_body,
    grid=(N // _BLK,),
    in_specs=[
        pl.BlockSpec((NC, _BLK, D), lambda i: (0, i, 0)),
        pl.BlockSpec((NC, _BLK, D), lambda i: (0, i, 0)),
        pl.BlockSpec((_BLK, D), lambda i: (i, 0)),
        pl.BlockSpec((_BLK, D), lambda i: (i, 0)),
        _full((D, 16)),
        _full((D, 16)),
        _full((D, 16)),
        _full((1, 16)),
        _full((16, 3)),
        _full((1, 3)),
    ],
    out_specs=pl.BlockSpec((_BLK, 3), lambda i: (i, 0)),
    out_shape=jax.ShapeDtypeStruct((N, 3), jnp.float32),
)


def kernel(x, edge_index, W1, b1, W2, b2):
  x = x.astype(jnp.float32)
  ei = edge_index.astype(jnp.int32)
  npad = EPAD - E
  pad = jnp.arange(npad, dtype=jnp.int32)
  src = jnp.concatenate([ei[0], pad % N]).reshape(NW, NCH, CHUNK)
  dst = jnp.concatenate([ei[1], N + pad % (ROWS - N)]).reshape(NW, NCH, CHUNK)
  zrows = jnp.zeros((RPT, D), jnp.float32)
  ones = jnp.ones((CHUNK, D), jnp.float32)

  s1, degp = _make_deg_s1()(x, ones, src, dst, zrows)
  h1 = _combine(s1, degp, x)
  s2 = _make_s_pass()(h1, src, dst, zrows)
  out = _final(s2, degp, x, h1,
               W1[:D], W1[D:2 * D], W1[2 * D:],
               b1.reshape(1, 16), W2, b2.reshape(1, 3))
  return out

# --- scband reference (transcript-rebuilt; emitter-appended) ---
"""Pipeline reference for scband-net-84172769067022 (READ-ONLY COPY).

The authoritative reference and input builder live on the scoring server;
editing this copy changes nothing except your own understanding.
"""

import jax, jax.numpy as jnp
import numpy as np

N_NODES = 10000
N_EDGES = 320000
D_FEAT = 128
HIDDEN = 16
OUT_CH = 3
ORDER = 2


def setup_inputs(seed: int = 0) -> dict:
    key = jax.random.key(seed)
    k1, k2, k3, k4 = jax.random.split(key, 4)
    x = jax.random.normal(k1, (N_NODES, D_FEAT), dtype=jnp.float32)
    edge_index = jax.random.randint(k2, (2, N_EDGES), 0, N_NODES, dtype=jnp.int64)
    in_dim = (ORDER + 1) * D_FEAT
    W1 = jax.random.normal(k3, (in_dim, HIDDEN), dtype=jnp.float32) / np.sqrt(in_dim)
    b1 = jnp.zeros((HIDDEN,), dtype=jnp.float32)
    W2 = jax.random.normal(k4, (HIDDEN, OUT_CH), dtype=jnp.float32) / np.sqrt(HIDDEN)
    b2 = jnp.zeros((OUT_CH,), dtype=jnp.float32)
    return {"x": x, "edge_index": edge_index, "W1": W1, "b1": b1, "W2": W2, "b2": b2}


def _grad_op(h, src, dst):
    # anisotropic directional-derivative features via message passing:
    # message m_e = h[src_e] - h[dst_e], mean-aggregated at dst node
    msg = jnp.take(h, src, axis=0) - jnp.take(h, dst, axis=0)
    s = jax.ops.segment_sum(msg, dst, num_segments=N_NODES)
    deg = jnp.zeros((N_NODES,), dtype=jnp.float32).at[dst].add(1.0)
    return s / jnp.clip(deg, 1.0)[:, None]


def reference(x, edge_index, W1, b1, W2, b2):
    src = edge_index[0]
    dst = edge_index[1]
    feats = [x]
    h = x
    for _ in range(ORDER):
        h = _grad_op(h, src, dst)
        feats.append(h)
    feat = jnp.concatenate(feats, axis=1)
    hid = jax.nn.relu(feat @ W1 + b1)
    out = hid @ W2 + b2
    return out

if __name__ == "__main__":
    import jax
    _d = setup_inputs()
    print(jax.jit(kernel)(*tuple(_d.values())))

</pallas_src>

<mosaic_0001>
#map = affine_map<(d0, d1) -> (0, 0)>
#map1 = affine_map<(d0, d1) -> (0, 0, 0)>
module attributes {stable_mosaic.version = 14 : i64} {
  func.func @body(%arg0: i32, %arg1: i32, %arg2: memref<10000x128xf32, #tpu.memory_space<hbm>>, %arg3: memref<128x128xf32, #tpu.memory_space<hbm>>, %arg4: memref<32x80x128xi32, #tpu.memory_space<hbm>>, %arg5: memref<32x80x128xi32, #tpu.memory_space<hbm>>, %arg6: memref<640x128xf32, #tpu.memory_space<hbm>>, %arg7: memref<2x10240x128xf32, #tpu.memory_space<hbm>>, %arg8: memref<2x10240x128xf32, #tpu.memory_space<hbm>>, %arg9: memref<16x128xi32, #tpu.memory_space<vmem>>, %arg10: memref<16x128xi32, #tpu.memory_space<vmem>>, %arg11: memref<128x128xf32, #tpu.memory_space<vmem>>, %arg12: memref<128x128xf32, #tpu.memory_space<vmem>>, %arg13: memref<!tpu.dma_semaphore, #tpu.memory_space<semaphore_mem>>, %arg14: memref<!tpu.dma_semaphore, #tpu.memory_space<semaphore_mem>>, %arg15: memref<!tpu.dma_semaphore, #tpu.memory_space<semaphore_mem>>, %arg16: memref<!tpu.dma_semaphore, #tpu.memory_space<semaphore_mem>>, %arg17: memref<!tpu.dma_semaphore, #tpu.memory_space<semaphore_mem>>, %arg18: memref<10240x128xf32, #tpu.memory_space<vmem_shared>>) attributes {dimension_semantics = [#tpu.dimension_semantics<core_parallel>, #tpu.dimension_semantics<subcore_parallel>], iteration_bounds = array<i64: 2, 16>, scalar_prefetch = 0 : i64, scratch_operands = 10 : i64, tpu.core_type = #tpu.core_type<sc_vector_subcore>, window_params = [{transform_indices = #map}, {transform_indices = #map}, {transform_indices = #map1}, {transform_indices = #map1}, {transform_indices = #map}, {transform_indices = #map1}, {transform_indices = #map1}]} {
    %mul3A = arith.constant 16 : i32
    %mul3A_0 = arith.muli %arg0, %mul3A : i32
    %add3A = arith.addi %mul3A_0, %arg1 : i32
    %mul3A_1 = arith.constant 640 : i32
    %mul3A_2 = arith.muli %arg1, %mul3A_1 : i32
    "tpu.region"() ({
      %run_scoped3A = tpu.sem_alloc : memref<!tpu.dma_semaphore, #tpu.memory_space<semaphore_mem>>
      %dma_start3A_82 = arith.constant 0 : i32
      %dma_start3A_83 = tpu.memref_slice %arg18[%mul3A_2, %dma_start3A_82] : memref<10240x128xf32, #tpu.memory_space<vmem_shared>> -> memref<640x128xf32, #tpu.memory_space<vmem_shared>>
      tpu.enqueue_dma source(%arg6 : memref<640x128xf32, #tpu.memory_space<hbm>>) target(%dma_start3A_83 : memref<640x128xf32, #tpu.memory_space<vmem_shared>>) target_semaphore(%run_scoped3A : memref<!tpu.dma_semaphore, #tpu.memory_space<semaphore_mem>>)
      %dma_wait3A_84 = arith.constant 0 : i32
      %dma_wait3A_85 = tpu.memref_slice %arg18[%mul3A_2, %dma_wait3A_84] : memref<10240x128xf32, #tpu.memory_space<vmem_shared>> -> memref<640x128xf32, #tpu.memory_space<vmem_shared>>
      tpu.wait_dma2 semaphore(%run_scoped3A : memref<!tpu.dma_semaphore, #tpu.memory_space<semaphore_mem>>) src(%arg6 : memref<640x128xf32, #tpu.memory_space<hbm>>) dst(%dma_wait3A_85 : memref<640x128xf32, #tpu.memory_space<vmem_shared>>)
      tpu.yield
    }) : () -> ()
    "tpu.region"() ({
      %run_scoped3A = tpu.sem_alloc : memref<!tpu.dma_semaphore, #tpu.memory_space<semaphore_mem>>
      tpu.enqueue_dma source(%arg3 : memref<128x128xf32, #tpu.memory_space<hbm>>) target(%arg11 : memref<128x128xf32, #tpu.memory_space<vmem>>) target_semaphore(%run_scoped3A : memref<!tpu.dma_semaphore, #tpu.memory_space<semaphore_mem>>)
      tpu.wait_dma2 semaphore(%run_scoped3A : memref<!tpu.dma_semaphore, #tpu.memory_space<semaphore_mem>>) src(%arg3 : memref<128x128xf32, #tpu.memory_space<hbm>>) dst(%arg11 : memref<128x128xf32, #tpu.memory_space<vmem>>)
      tpu.yield
    }) : () -> ()
    %barrier3A = arith.constant 0 : index
    tpu.barrier barrier_id(%barrier3A)
    "tpu.region"() ({
      %run_scoped3A = tpu.sem_alloc : memref<!tpu.dma_semaphore, #tpu.memory_space<semaphore_mem>>
      %dma_start3A_82 = arith.constant 0 : i32
      %dma_start3A_83 = arith.constant 0 : i32
      %dma_start3A_84 = tpu.memref_slice %arg10[%dma_start3A_82, %dma_start3A_83] : memref<16x128xi32, #tpu.memory_space<vmem>> -> memref<8x128xi32, #tpu.memory_space<vmem>>
      %dma_start3A_85 = arith.constant 0 : i32
      %dma_start3A_86 = arith.constant 0 : i32
      %dma_start3A_87 = tpu.memref_slice %arg5[%add3A, %dma_start3A_85, %dma_start3A_86] : memref<32x80x128xi32, #tpu.memory_space<hbm>> -> memref<1x8x128xi32, #tpu.memory_space<hbm>>
      %dma_start3A_88 = tpu.memref_squeeze %dma_start3A_87 : memref<1x8x128xi32, #tpu.memory_space<hbm>> -> memref<8x128xi32, #tpu.memory_space<hbm>>
      %dma_start3A_89 = arith.constant 0 : i32
      %dma_start3A_90 = arith.constant 0 : i32
      %dma_start3A_91 = tpu.memref_slice %arg10[%dma_start3A_89, %dma_start3A_90] : memref<16x128xi32, #tpu.memory_space<vmem>> -> memref<8x128xi32, #tpu.memory_space<vmem>>
      %dma_start3A_92 = arith.constant 0 : i32
      %dma_start3A_93 = arith.constant 0 : i32
      %dma_start3A_94 = tpu.memref_slice %arg5[%add3A, %dma_start3A_92, %dma_start3A_93] : memref<32x80x128xi32, #tpu.memory_space<hbm>> -> memref<1x8x128xi32, #tpu.memory_space<hbm>>
      %dma_start3A_95 = tpu.memref_squeeze %dma_start3A_94 : memref<1x8x128xi32, #tpu.memory_space<hbm>> -> memref<8x128xi32, #tpu.memory_space<hbm>>
      tpu.enqueue_dma source(%dma_start3A_95 : memref<8x128xi32, #tpu.memory_space<hbm>>) target(%dma_start3A_91 : memref<8x128xi32, #tpu.memory_space<vmem>>) target_semaphore(%run_scoped3A : memref<!tpu.dma_semaphore, #tpu.memory_space<semaphore_mem>>)
      %dma_wait3A_96 = arith.constant 0 : i32
      %dma_wait3A_97 = arith.constant 0 : i32
      %dma_wait3A_98 = tpu.memref_slice %arg10[%dma_wait3A_96, %dma_wait3A_97] : memref<16x128xi32, #tpu.memory_space<vmem>> -> memref<8x128xi32, #tpu.memory_space<vmem>>
      %dma_wait3A_99 = arith.constant 0 : i32
      %dma_wait3A_100 = arith.constant 0 : i32
      %dma_wait3A_101 = tpu.memref_slice %arg5[%add3A, %dma_wait3A_99, %dma_wait3A_100] : memref<32x80x128xi32, #tpu.memory_space<hbm>> -> memref<1x8x128xi32, #tpu.memory_space<hbm>>
      %dma_wait3A_102 = tpu.memref_squeeze %dma_wait3A_101 : memref<1x8x128xi32, #tpu.memory_space<hbm>> -> memref<8x128xi32, #tpu.memory_space<hbm>>
      %dma_wait3A_103 = arith.constant 0 : i32
      %dma_wait3A_104 = arith.constant 0 : i32
      %dma_wait3A_105 = tpu.memref_slice %arg10[%dma_wait3A_103, %dma_wait3A_104] : memref<16x128xi32, #tpu.memory_space<vmem>> -> memref<8x128xi32, #tpu.memory_space<vmem>>
      %dma_wait3A_106 = arith.constant 0 : i32
      %dma_wait3A_107 = arith.constant 0 : i32
      %dma_wait3A_108 = tpu.memref_slice %arg5[%add3A, %dma_wait3A_106, %dma_wait3A_107] : memref<32x80x128xi32, #tpu.memory_space<hbm>> -> memref<1x8x128xi32, #tpu.memory_space<hbm>>
      %dma_wait3A_109 = tpu.memref_squeeze %dma_wait3A_108 : memref<1x8x128xi32, #tpu.memory_space<hbm>> -> memref<8x128xi32, #tpu.memory_space<hbm>>
      tpu.wait_dma2 semaphore(%run_scoped3A : memref<!tpu.dma_semaphore, #tpu.memory_space<semaphore_mem>>) src(%dma_wait3A_109 : memref<8x128xi32, #tpu.memory_space<hbm>>) dst(%dma_wait3A_105 : memref<8x128xi32, #tpu.memory_space<vmem>>)
      tpu.yield
    }) : () -> ()
    %scan3A = arith.constant 0 : i32
    %scan3A_3 = arith.constant 0 : i32
    %scan3A_4 = arith.constant 10 : i32
    %scan3A_5 = arith.addi %scan3A_3, %scan3A_4 : i32
    %scan3A_6 = arith.constant 1 : i32
    scf.for %scan3A_82 = %scan3A_3 to %scan3A_5 step %scan3A_6  : i32 {
      %jit3A = arith.constant 2 : i32
      %eq3A = arith.constant 0 : i32
      %eq3A_83 = arith.cmpi eq, %jit3A, %eq3A : i32
      %jit3A_84 = arith.constant 1 : i32
      %select_n3A = arith.select %eq3A_83, %jit3A_84, %jit3A : i32
      %rem3A = arith.remsi %scan3A_82, %select_n3A : i32
      %ne3A = arith.constant 0 : i32
      %ne3A_85 = arith.cmpi ne, %rem3A, %ne3A : i32
      %lt3A = arith.constant 0 : i32
      %lt3A_86 = arith.cmpi slt, %rem3A, %lt3A : i32
      %lt3A_87 = arith.constant 0 : i32
      %lt3A_88 = arith.cmpi slt, %select_n3A, %lt3A_87 : i32
      %ne3A_89 = arith.xori %lt3A_86, %lt3A_88 : i1
      %and3A = arith.andi %ne3A_89, %ne3A_85 : i1
      %add3A_90 = arith.addi %rem3A, %select_n3A : i32
      %select_n3A_91 = arith.select %and3A, %add3A_90, %rem3A : i32
      %mul3A_92 = arith.constant 8 : i32
      %mul3A_93 = arith.muli %select_n3A_91, %mul3A_92 : i32
      %add3A_94 = arith.constant 1 : i32
      %add3A_95 = arith.addi %scan3A_82, %add3A_94 : i32
      %jit3A_96 = arith.constant 2 : i32
      %eq3A_97 = arith.constant 0 : i32
      %eq3A_98 = arith.cmpi eq, %jit3A_96, %eq3A_97 : i32
      %jit3A_99 = arith.constant 1 : i32
      %select_n3A_100 = arith.select %eq3A_98, %jit3A_99, %jit3A_96 : i32
      %rem3A_101 = arith.remsi %add3A_95, %select_n3A_100 : i32
      %ne3A_102 = arith.constant 0 : i32
      %ne3A_103 = arith.cmpi ne, %rem3A_101, %ne3A_102 : i32
      %lt3A_104 = arith.constant 0 : i32
      %lt3A_105 = arith.cmpi slt, %rem3A_101, %lt3A_104 : i32
      %lt3A_106 = arith.constant 0 : i32
      %lt3A_107 = arith.cmpi slt, %select_n3A_100, %lt3A_106 : i32
      %ne3A_108 = arith.xori %lt3A_105, %lt3A_107 : i1
      %and3A_109 = arith.andi %ne3A_108, %ne3A_103 : i1
      %add3A_110 = arith.addi %rem3A_101, %select_n3A_100 : i32
      %select_n3A_111 = arith.select %and3A_109, %add3A_110, %rem3A_101 : i32
      %mul3A_112 = arith.constant 8 : i32
      %mul3A_113 = arith.muli %select_n3A_111, %mul3A_112 : i32
      %gt3A = arith.constant 0 : i32
      %gt3A_114 = arith.cmpi sgt, %scan3A_82, %gt3A : i32
      %convert_element_type3A = arith.extui %gt3A_114 : i1 to i32
      %cond3A = arith.constant 0 : i32
      %cond3A_115 = arith.cmpi ne, %convert_element_type3A, %cond3A : i32
      scf.if %cond3A_115 {
        %dma_wait3A_194 = arith.constant 0 : i32
        %dma_wait3A_195 = arith.constant 0 : i32
        %dma_wait3A_196 = tpu.memref_slice %arg2[%dma_wait3A_194, %dma_wait3A_195] : memref<10000x128xf32, #tpu.memory_space<hbm>> -> memref<128x128xf32, #tpu.memory_space<hbm>>
        %dma_wait3A_197 = arith.constant 0 : i32
        %dma_wait3A_198 = arith.constant 0 : i32
        %dma_wait3A_199 = tpu.memref_slice %arg2[%dma_wait3A_197, %dma_wait3A_198] : memref<10000x128xf32, #tpu.memory_space<hbm>> -> memref<128x128xf32, #tpu.memory_space<hbm>>
        tpu.wait_dma2 semaphore(%arg15 : memref<!tpu.dma_semaphore, #tpu.memory_space<semaphore_mem>>) src(%dma_wait3A_199 : memref<128x128xf32, #tpu.memory_space<hbm>>) dst(%arg11 : memref<128x128xf32, #tpu.memory_space<vmem>>)
        %dma_wait3A_200 = arith.constant 0 : i32
        %dma_wait3A_201 = arith.constant 0 : i32
        %dma_wait3A_202 = tpu.memref_slice %arg2[%dma_wait3A_200, %dma_wait3A_201] : memref<10000x128xf32, #tpu.memory_space<hbm>> -> memref<128x128xf32, #tpu.memory_space<hbm>>
        %dma_wait3A_203 = arith.constant 0 : i32
        %dma_wait3A_204 = arith.constant 0 : i32
        %dma_wait3A_205 = tpu.memref_slice %arg2[%dma_wait3A_203, %dma_wait3A_204] : memref<10000x128xf32, #tpu.memory_space<hbm>> -> memref<128x128xf32, #tpu.memory_space<hbm>>
        tpu.wait_dma2 semaphore(%arg15 : memref<!tpu.dma_semaphore, #tpu.memory_space<semaphore_mem>>) src(%dma_wait3A_205 : memref<128x128xf32, #tpu.memory_space<hbm>>) dst(%arg11 : memref<128x128xf32, #tpu.memory_space<vmem>>)
        %dma_wait3A_206 = arith.constant 0 : i32
        %dma_wait3A_207 = arith.constant 0 : i32
        %dma_wait3A_208 = tpu.memref_slice %arg2[%dma_wait3A_206, %dma_wait3A_207] : memref<10000x128xf32, #tpu.memory_space<hbm>> -> memref<128x128xf32, #tpu.memory_space<hbm>>
        %dma_wait3A_209 = arith.constant 0 : i32
        %dma_wait3A_210 = arith.constant 0 : i32
        %dma_wait3A_211 = tpu.memref_slice %arg2[%dma_wait3A_209, %dma_wait3A_210] : memref<10000x128xf32, #tpu.memory_space<hbm>> -> memref<128x128xf32, #tpu.memory_space<hbm>>
        tpu.wait_dma2 semaphore(%arg15 : memref<!tpu.dma_semaphore, #tpu.memory_space<semaphore_mem>>) src(%dma_wait3A_211 : memref<128x128xf32, #tpu.memory_space<hbm>>) dst(%arg11 : memref<128x128xf32, #tpu.memory_space<vmem>>)
        %dma_wait3A_212 = arith.constant 0 : i32
        %dma_wait3A_213 = arith.constant 0 : i32
        %dma_wait3A_214 = tpu.memref_slice %arg2[%dma_wait3A_212, %dma_wait3A_213] : memref<10000x128xf32, #tpu.memory_space<hbm>> -> memref<128x128xf32, #tpu.memory_space<hbm>>
        %dma_wait3A_215 = arith.constant 0 : i32
        %dma_wait3A_216 = arith.constant 0 : i32
        %dma_wait3A_217 = tpu.memref_slice %arg2[%dma_wait3A_215, %dma_wait3A_216] : memref<10000x128xf32, #tpu.memory_space<hbm>> -> memref<128x128xf32, #tpu.memory_space<hbm>>
        tpu.wait_dma2 semaphore(%arg15 : memref<!tpu.dma_semaphore, #tpu.memory_space<semaphore_mem>>) src(%dma_wait3A_217 : memref<128x128xf32, #tpu.memory_space<hbm>>) dst(%arg11 : memref<128x128xf32, #tpu.memory_space<vmem>>)
        %dma_wait3A_218 = arith.constant 0 : i32
        %dma_wait3A_219 = arith.constant 0 : i32
        %dma_wait3A_220 = tpu.memref_slice %arg2[%dma_wait3A_218, %dma_wait3A_219] : memref<10000x128xf32, #tpu.memory_space<hbm>> -> memref<128x128xf32, #tpu.memory_space<hbm>>
        %dma_wait3A_221 = arith.constant 0 : i32
        %dma_wait3A_222 = arith.constant 0 : i32
        %dma_wait3A_223 = tpu.memref_slice %arg2[%dma_wait3A_221, %dma_wait3A_222] : memref<10000x128xf32, #tpu.memory_space<hbm>> -> memref<128x128xf32, #tpu.memory_space<hbm>>
        tpu.wait_dma2 semaphore(%arg15 : memref<!tpu.dma_semaphore, #tpu.memory_space<semaphore_mem>>) src(%dma_wait3A_223 : memref<128x128xf32, #tpu.memory_space<hbm>>) dst(%arg11 : memref<128x128xf32, #tpu.memory_space<vmem>>)
        %dma_wait3A_224 = arith.constant 0 : i32
        %dma_wait3A_225 = arith.constant 0 : i32
        %dma_wait3A_226 = tpu.memref_slice %arg2[%dma_wait3A_224, %dma_wait3A_225] : memref<10000x128xf32, #tpu.memory_space<hbm>> -> memref<128x128xf32, #tpu.memory_space<hbm>>
        %dma_wait3A_227 = arith.constant 0 : i32
        %dma_wait3A_228 = arith.constant 0 : i32
        %dma_wait3A_229 = tpu.memref_slice %arg2[%dma_wait3A_227, %dma_wait3A_228] : memref<10000x128xf32, #tpu.memory_space<hbm>> -> memref<128x128xf32, #tpu.memory_space<hbm>>
        tpu.wait_dma2 semaphore(%arg15 : memref<!tpu.dma_semaphore, #tpu.memory_space<semaphore_mem>>) src(%dma_wait3A_229 : memref<128x128xf32, #tpu.memory_space<hbm>>) dst(%arg11 : memref<128x128xf32, #tpu.memory_space<vmem>>)
        %dma_wait3A_230 = arith.constant 0 : i32
        %dma_wait3A_231 = arith.constant 0 : i32
        %dma_wait3A_232 = tpu.memref_slice %arg2[%dma_wait3A_230, %dma_wait3A_231] : memref<10000x128xf32, #tpu.memory_space<hbm>> -> memref<128x128xf32, #tpu.memory_space<hbm>>
        %dma_wait3A_233 = arith.constant 0 : i32
        %dma_wait3A_234 = arith.constant 0 : i32
        %dma_wait3A_235 = tpu.memref_slice %arg2[%dma_wait3A_233, %dma_wait3A_234] : memref<10000x128xf32, #tpu.memory_space<hbm>> -> memref<128x128xf32, #tpu.memory_space<hbm>>
        tpu.wait_dma2 semaphore(%arg15 : memref<!tpu.dma_semaphore, #tpu.memory_space<semaphore_mem>>) src(%dma_wait3A_235 : memref<128x128xf32, #tpu.memory_space<hbm>>) dst(%arg11 : memref<128x128xf32, #tpu.memory_space<vmem>>)
        %dma_wait3A_236 = arith.constant 0 : i32
        %dma_wait3A_237 = arith.constant 0 : i32
        %dma_wait3A_238 = tpu.memref_slice %arg2[%dma_wait3A_236, %dma_wait3A_237] : memref<10000x128xf32, #tpu.memory_space<hbm>> -> memref<128x128xf32, #tpu.memory_space<hbm>>
        %dma_wait3A_239 = arith.constant 0 : i32
        %dma_wait3A_240 = arith.constant 0 : i32
        %dma_wait3A_241 = tpu.memref_slice %arg2[%dma_wait3A_239, %dma_wait3A_240] : memref<10000x128xf32, #tpu.memory_space<hbm>> -> memref<128x128xf32, #tpu.memory_space<hbm>>
        tpu.wait_dma2 semaphore(%arg15 : memref<!tpu.dma_semaphore, #tpu.memory_space<semaphore_mem>>) src(%dma_wait3A_241 : memref<128x128xf32, #tpu.memory_space<hbm>>) dst(%arg11 : memref<128x128xf32, #tpu.memory_space<vmem>>)
      } else {
      }
      %add3A_116 = arith.constant 1 : i32
      %add3A_117 = arith.addi %scan3A_82, %add3A_116 : i32
      %lt3A_118 = arith.constant 10 : i32
      %lt3A_119 = arith.cmpi slt, %add3A_117, %lt3A_118 : i32
      %convert_element_type3A_120 = arith.extui %lt3A_119 : i1 to i32
      %cond3A_121 = arith.constant 0 : i32
      %cond3A_122 = arith.cmpi ne, %convert_element_type3A_120, %cond3A_121 : i32
      scf.if %cond3A_122 {
        %add3A_194 = arith.constant 1 : i32
        %add3A_195 = arith.addi %scan3A_82, %add3A_194 : i32
        %mul3A_196 = arith.constant 8 : i32
        %mul3A_197 = arith.muli %add3A_195, %mul3A_196 : i32
        %dma_start3A_198 = arith.constant 0 : i32
        %dma_start3A_199 = tpu.memref_slice %arg10[%mul3A_113, %dma_start3A_198] : memref<16x128xi32, #tpu.memory_space<vmem>> -> memref<8x128xi32, #tpu.memory_space<vmem>>
        %dma_start3A_200 = arith.constant 0 : i32
        %dma_start3A_201 = tpu.memref_slice %arg5[%add3A, %mul3A_197, %dma_start3A_200] : memref<32x80x128xi32, #tpu.memory_space<hbm>> -> memref<1x8x128xi32, #tpu.memory_space<hbm>>
        %dma_start3A_202 = tpu.memref_squeeze %dma_start3A_201 : memref<1x8x128xi32, #tpu.memory_space<hbm>> -> memref<8x128xi32, #tpu.memory_space<hbm>>
        %dma_start3A_203 = arith.constant 0 : i32
        %dma_start3A_204 = tpu.memref_slice %arg10[%mul3A_113, %dma_start3A_203] : memref<16x128xi32, #tpu.memory_space<vmem>> -> memref<8x128xi32, #tpu.memory_space<vmem>>
        %dma_start3A_205 = arith.constant 0 : i32
        %dma_start3A_206 = tpu.memref_slice %arg5[%add3A, %mul3A_197, %dma_start3A_205] : memref<32x80x128xi32, #tpu.memory_space<hbm>> -> memref<1x8x128xi32, #tpu.memory_space<hbm>>
        %dma_start3A_207 = tpu.memref_squeeze %dma_start3A_206 : memref<1x8x128xi32, #tpu.memory_space<hbm>> -> memref<8x128xi32, #tpu.memory_space<hbm>>
        tpu.enqueue_dma source(%dma_start3A_207 : memref<8x128xi32, #tpu.memory_space<hbm>>) target(%dma_start3A_204 : memref<8x128xi32, #tpu.memory_space<vmem>>) target_semaphore(%arg17 : memref<!tpu.dma_semaphore, #tpu.memory_space<semaphore_mem>>)
      } else {
      }
      %add3A_123 = arith.constant 0 : i32
      %add3A_124 = arith.addi %mul3A_93, %add3A_123 : i32
      %dma_start3A_125 = arith.constant 0 : i32
      %dma_start3A_126 = tpu.memref_slice %arg10[%add3A_124, %dma_start3A_125] : memref<16x128xi32, #tpu.memory_space<vmem>> -> memref<1x128xi32, #tpu.memory_space<vmem>>
      %dma_start3A_127 = tpu.memref_squeeze %dma_start3A_126 : memref<1x128xi32, #tpu.memory_space<vmem>> -> memref<128xi32, #tpu.memory_space<vmem>>
      %dma_start3A_128 = arith.constant 0 : i32
      %dma_start3A_129 = arith.constant 0 : i32
      %dma_start3A_130 = tpu.memref_slice %arg18[%dma_start3A_128, %dma_start3A_129] : memref<10240x128xf32, #tpu.memory_space<vmem_shared>> -> memref<10240x128xf32, #tpu.memory_space<vmem_shared>>
      tpu.enqueue_indirect_dma source(%arg11 : memref<128x128xf32, #tpu.memory_space<vmem>>) target(%dma_start3A_130 : memref<10240x128xf32, #tpu.memory_space<vmem_shared>>) offsets(%dma_start3A_127 : memref<128xi32, #tpu.memory_space<vmem>>) semaphore(%arg15 : memref<!tpu.dma_semaphore, #tpu.memory_space<semaphore_mem>>) {add = true}
      %add3A_131 = arith.constant 1 : i32
      %add3A_132 = arith.addi %mul3A_93, %add3A_131 : i32
      %dma_start3A_133 = arith.constant 0 : i32
      %dma_start3A_134 = tpu.memref_slice %arg10[%add3A_132, %dma_start3A_133] : memref<16x128xi32, #tpu.memory_space<vmem>> -> memref<1x128xi32, #tpu.memory_space<vmem>>
      %dma_start3A_135 = tpu.memref_squeeze %dma_start3A_134 : memref<1x128xi32, #tpu.memory_space<vmem>> -> memref<128xi32, #tpu.memory_space<vmem>>
      %dma_start3A_136 = arith.constant 0 : i32
      %dma_start3A_137 = arith.constant 0 : i32
      %dma_start3A_138 = tpu.memref_slice %arg18[%dma_start3A_136, %dma_start3A_137] : memref<10240x128xf32, #tpu.memory_space<vmem_shared>> -> memref<10240x128xf32, #tpu.memory_space<vmem_shared>>
      tpu.enqueue_indirect_dma source(%arg11 : memref<128x128xf32, #tpu.memory_space<vmem>>) target(%dma_start3A_138 : memref<10240x128xf32, #tpu.memory_space<vmem_shared>>) offsets(%dma_start3A_135 : memref<128xi32, #tpu.memory_space<vmem>>) semaphore(%arg15 : memref<!tpu.dma_semaphore, #tpu.memory_space<semaphore_mem>>) {add = true}
      %add3A_139 = arith.constant 2 : i32
      %add3A_140 = arith.addi %mul3A_93, %add3A_139 : i32
      %dma_start3A_141 = arith.constant 0 : i32
      %dma_start3A_142 = tpu.memref_slice %arg10[%add3A_140, %dma_start3A_141] : memref<16x128xi32, #tpu.memory_space<vmem>> -> memref<1x128xi32, #tpu.memory_space<vmem>>
      %dma_start3A_143 = tpu.memref_squeeze %dma_start3A_142 : memref<1x128xi32, #tpu.memory_space<vmem>> -> memref<128xi32, #tpu.memory_space<vmem>>
      %dma_start3A_144 = arith.constant 0 : i32
      %dma_start3A_145 = arith.constant 0 : i32
      %dma_start3A_146 = tpu.memref_slice %arg18[%dma_start3A_144, %dma_start3A_145] : memref<10240x128xf32, #tpu.memory_space<vmem_shared>> -> memref<10240x128xf32, #tpu.memory_space<vmem_shared>>
      tpu.enqueue_indirect_dma source(%arg11 : memref<128x128xf32, #tpu.memory_space<vmem>>) target(%dma_start3A_146 : memref<10240x128xf32, #tpu.memory_space<vmem_shared>>) offsets(%dma_start3A_143 : memref<128xi32, #tpu.memory_space<vmem>>) semaphore(%arg15 : memref<!tpu.dma_semaphore, #tpu.memory_space<semaphore_mem>>) {add = true}
      %add3A_147 = arith.constant 3 : i32
      %add3A_148 = arith.addi %mul3A_93, %add3A_147 : i32
      %dma_start3A_149 = arith.constant 0 : i32
      %dma_start3A_150 = tpu.memref_slice %arg10[%add3A_148, %dma_start3A_149] : memref<16x128xi32, #tpu.memory_space<vmem>> -> memref<1x128xi32, #tpu.memory_space<vmem>>
      %dma_start3A_151 = tpu.memref_squeeze %dma_start3A_150 : memref<1x128xi32, #tpu.memory_space<vmem>> -> memref<128xi32, #tpu.memory_space<vmem>>
      %dma_start3A_152 = arith.constant 0 : i32
      %dma_start3A_153 = arith.constant 0 : i32
      %dma_start3A_154 = tpu.memref_slice %arg18[%dma_start3A_152, %dma_start3A_153] : memref<10240x128xf32, #tpu.memory_space<vmem_shared>> -> memref<10240x128xf32, #tpu.memory_space<vmem_shared>>
      tpu.enqueue_indirect_dma source(%arg11 : memref<128x128xf32, #tpu.memory_space<vmem>>) target(%dma_start3A_154 : memref<10240x128xf32, #tpu.memory_space<vmem_shared>>) offsets(%dma_start3A_151 : memref<128xi32, #tpu.memory_space<vmem>>) semaphore(%arg15 : memref<!tpu.dma_semaphore, #tpu.memory_space<semaphore_mem>>) {add = true}
      %add3A_155 = arith.constant 4 : i32
      %add3A_156 = arith.addi %mul3A_93, %add3A_155 : i32
      %dma_start3A_157 = arith.constant 0 : i32
      %dma_start3A_158 = tpu.memref_slice %arg10[%add3A_156, %dma_start3A_157] : memref<16x128xi32, #tpu.memory_space<vmem>> -> memref<1x128xi32, #tpu.memory_space<vmem>>
      %dma_start3A_159 = tpu.memref_squeeze %dma_start3A_158 : memref<1x128xi32, #tpu.memory_space<vmem>> -> memref<128xi32, #tpu.memory_space<vmem>>
      %dma_start3A_160 = arith.constant 0 : i32
      %dma_start3A_161 = arith.constant 0 : i32
      %dma_start3A_162 = tpu.memref_slice %arg18[%dma_start3A_160, %dma_start3A_161] : memref<10240x128xf32, #tpu.memory_space<vmem_shared>> -> memref<10240x128xf32, #tpu.memory_space<vmem_shared>>
      tpu.enqueue_indirect_dma source(%arg11 : memref<128x128xf32, #tpu.memory_space<vmem>>) target(%dma_start3A_162 : memref<10240x128xf32, #tpu.memory_space<vmem_shared>>) offsets(%dma_start3A_159 : memref<128xi32, #tpu.memory_space<vmem>>) semaphore(%arg15 : memref<!tpu.dma_semaphore, #tpu.memory_space<semaphore_mem>>) {add = true}
      %add3A_163 = arith.constant 5 : i32
      %add3A_164 = arith.addi %mul3A_93, %add3A_163 : i32
      %dma_start3A_165 = arith.constant 0 : i32
      %dma_start3A_166 = tpu.memref_slice %arg10[%add3A_164, %dma_start3A_165] : memref<16x128xi32, #tpu.memory_space<vmem>> -> memref<1x128xi32, #tpu.memory_space<vmem>>
      %dma_start3A_167 = tpu.memref_squeeze %dma_start3A_166 : memref<1x128xi32, #tpu.memory_space<vmem>> -> memref<128xi32, #tpu.memory_space<vmem>>
      %dma_start3A_168 = arith.constant 0 : i32
      %dma_start3A_169 = arith.constant 0 : i32
      %dma_start3A_170 = tpu.memref_slice %arg18[%dma_start3A_168, %dma_start3A_169] : memref<10240x128xf32, #tpu.memory_space<vmem_shared>> -> memref<10240x128xf32, #tpu.memory_space<vmem_shared>>
      tpu.enqueue_indirect_dma source(%arg11 : memref<128x128xf32, #tpu.memory_space<vmem>>) target(%dma_start3A_170 : memref<10240x128xf32, #tpu.memory_space<vmem_shared>>) offsets(%dma_start3A_167 : memref<128xi32, #tpu.memory_space<vmem>>) semaphore(%arg15 : memref<!tpu.dma_semaphore, #tpu.memory_space<semaphore_mem>>) {add = true}
      %add3A_171 = arith.constant 6 : i32
      %add3A_172 = arith.addi %mul3A_93, %add3A_171 : i32
      %dma_start3A_173 = arith.constant 0 : i32
      %dma_start3A_174 = tpu.memref_slice %arg10[%add3A_172, %dma_start3A_173] : memref<16x128xi32, #tpu.memory_space<vmem>> -> memref<1x128xi32, #tpu.memory_space<vmem>>
      %dma_start3A_175 = tpu.memref_squeeze %dma_start3A_174 : memref<1x128xi32, #tpu.memory_space<vmem>> -> memref<128xi32, #tpu.memory_space<vmem>>
      %dma_start3A_176 = arith.constant 0 : i32
      %dma_start3A_177 = arith.constant 0 : i32
      %dma_start3A_178 = tpu.memref_slice %arg18[%dma_start3A_176, %dma_start3A_177] : memref<10240x128xf32, #tpu.memory_space<vmem_shared>> -> memref<10240x128xf32, #tpu.memory_space<vmem_shared>>
      tpu.enqueue_indirect_dma source(%arg11 : memref<128x128xf32, #tpu.memory_space<vmem>>) target(%dma_start3A_178 : memref<10240x128xf32, #tpu.memory_space<vmem_shared>>) offsets(%dma_start3A_175 : memref<128xi32, #tpu.memory_space<vmem>>) semaphore(%arg15 : memref<!tpu.dma_semaphore, #tpu.memory_space<semaphore_mem>>) {add = true}
      %add3A_179 = arith.constant 7 : i32
      %add3A_180 = arith.addi %mul3A_93, %add3A_179 : i32
      %dma_start3A_181 = arith.constant 0 : i32
      %dma_start3A_182 = tpu.memref_slice %arg10[%add3A_180, %dma_start3A_181] : memref<16x128xi32, #tpu.memory_space<vmem>> -> memref<1x128xi32, #tpu.memory_space<vmem>>
      %dma_start3A_183 = tpu.memref_squeeze %dma_start3A_182 : memref<1x128xi32, #tpu.memory_space<vmem>> -> memref<128xi32, #tpu.memory_space<vmem>>
      %dma_start3A_184 = arith.constant 0 : i32
      %dma_start3A_185 = arith.constant 0 : i32
      %dma_start3A_186 = tpu.memref_slice %arg18[%dma_start3A_184, %dma_start3A_185] : memref<10240x128xf32, #tpu.memory_space<vmem_shared>> -> memref<10240x128xf32, #tpu.memory_space<vmem_shared>>
      tpu.enqueue_indirect_dma source(%arg11 : memref<128x128xf32, #tpu.memory_space<vmem>>) target(%dma_start3A_186 : memref<10240x128xf32, #tpu.memory_space<vmem_shared>>) offsets(%dma_start3A_183 : memref<128xi32, #tpu.memory_space<vmem>>) semaphore(%arg15 : memref<!tpu.dma_semaphore, #tpu.memory_space<semaphore_mem>>) {add = true}
      %add3A_187 = arith.constant 1 : i32
      %add3A_188 = arith.addi %scan3A_82, %add3A_187 : i32
      %lt3A_189 = arith.constant 10 : i32
      %lt3A_190 = arith.cmpi slt, %add3A_188, %lt3A_189 : i32
      %convert_element_type3A_191 = arith.extui %lt3A_190 : i1 to i32
      %cond3A_192 = arith.constant 0 : i32
      %cond3A_193 = arith.cmpi ne, %convert_element_type3A_191, %cond3A_192 : i32
      scf.if %cond3A_193 {
        %add3A_194 = arith.constant 1 : i32
        %add3A_195 = arith.addi %scan3A_82, %add3A_194 : i32
        %mul3A_196 = arith.constant 8 : i32
        %mul3A_197 = arith.muli %add3A_195, %mul3A_196 : i32
        %dma_wait3A_198 = arith.constant 0 : i32
        %dma_wait3A_199 = tpu.memref_slice %arg10[%mul3A_113, %dma_wait3A_198] : memref<16x128xi32, #tpu.memory_space<vmem>> -> memref<8x128xi32, #tpu.memory_space<vmem>>
        %dma_wait3A_200 = arith.constant 0 : i32
        %dma_wait3A_201 = tpu.memref_slice %arg5[%add3A, %mul3A_197, %dma_wait3A_200] : memref<32x80x128xi32, #tpu.memory_space<hbm>> -> memref<1x8x128xi32, #tpu.memory_space<hbm>>
        %dma_wait3A_202 = tpu.memref_squeeze %dma_wait3A_201 : memref<1x8x128xi32, #tpu.memory_space<hbm>> -> memref<8x128xi32, #tpu.memory_space<hbm>>
        %dma_wait3A_203 = arith.constant 0 : i32
        %dma_wait3A_204 = tpu.memref_slice %arg10[%mul3A_113, %dma_wait3A_203] : memref<16x128xi32, #tpu.memory_space<vmem>> -> memref<8x128xi32, #tpu.memory_space<vmem>>
        %dma_wait3A_205 = arith.constant 0 : i32
        %dma_wait3A_206 = tpu.memref_slice %arg5[%add3A, %mul3A_197, %dma_wait3A_205] : memref<32x80x128xi32, #tpu.memory_space<hbm>> -> memref<1x8x128xi32, #tpu.memory_space<hbm>>
        %dma_wait3A_207 = tpu.memref_squeeze %dma_wait3A_206 : memref<1x8x128xi32, #tpu.memory_space<hbm>> -> memref<8x128xi32, #tpu.memory_space<hbm>>
        tpu.wait_dma2 semaphore(%arg17 : memref<!tpu.dma_semaphore, #tpu.memory_space<semaphore_mem>>) src(%dma_wait3A_207 : memref<8x128xi32, #tpu.memory_space<hbm>>) dst(%dma_wait3A_204 : memref<8x128xi32, #tpu.memory_space<vmem>>)
      } else {
      }
    }
    %scan3A_7 = arith.constant 10 : i32
    %dma_wait3A = arith.constant 0 : i32
    %dma_wait3A_8 = arith.constant 0 : i32
    %dma_wait3A_9 = tpu.memref_slice %arg2[%dma_wait3A, %dma_wait3A_8] : memref<10000x128xf32, #tpu.memory_space<hbm>> -> memref<128x128xf32, #tpu.memory_space<hbm>>
    %dma_wait3A_10 = arith.constant 0 : i32
    %dma_wait3A_11 = arith.constant 0 : i32
    %dma_wait3A_12 = tpu.memref_slice %arg2[%dma_wait3A_10, %dma_wait3A_11] : memref<10000x128xf32, #tpu.memory_space<hbm>> -> memref<128x128xf32, #tpu.memory_space<hbm>>
    tpu.wait_dma2 semaphore(%arg15 : memref<!tpu.dma_semaphore, #tpu.memory_space<semaphore_mem>>) src(%dma_wait3A_12 : memref<128x128xf32, #tpu.memory_space<hbm>>) dst(%arg11 : memref<128x128xf32, #tpu.memory_space<vmem>>)
    %dma_wait3A_13 = arith.constant 0 : i32
    %dma_wait3A_14 = arith.constant 0 : i32
    %dma_wait3A_15 = tpu.memref_slice %arg2[%dma_wait3A_13, %dma_wait3A_14] : memref<10000x128xf32, #tpu.memory_space<hbm>> -> memref<128x128xf32, #tpu.memory_space<hbm>>
    %dma_wait3A_16 = arith.constant 0 : i32
    %dma_wait3A_17 = arith.constant 0 : i32
    %dma_wait3A_18 = tpu.memref_slice %arg2[%dma_wait3A_16, %dma_wait3A_17] : memref<10000x128xf32, #tpu.memory_space<hbm>> -> memref<128x128xf32, #tpu.memory_space<hbm>>
    tpu.wait_dma2 semaphore(%arg15 : memref<!tpu.dma_semaphore, #tpu.memory_space<semaphore_mem>>) src(%dma_wait3A_18 : memref<128x128xf32, #tpu.memory_space<hbm>>) dst(%arg11 : memref<128x128xf32, #tpu.memory_space<vmem>>)
    %dma_wait3A_19 = arith.constant 0 : i32
    %dma_wait3A_20 = arith.constant 0 : i32
    %dma_wait3A_21 = tpu.memref_slice %arg2[%dma_wait3A_19, %dma_wait3A_20] : memref<10000x128xf32, #tpu.memory_space<hbm>> -> memref<128x128xf32, #tpu.memory_space<hbm>>
    %dma_wait3A_22 = arith.constant 0 : i32
    %dma_wait3A_23 = arith.constant 0 : i32
    %dma_wait3A_24 = tpu.memref_slice %arg2[%dma_wait3A_22, %dma_wait3A_23] : memref<10000x128xf32, #tpu.memory_space<hbm>> -> memref<128x128xf32, #tpu.memory_space<hbm>>
    tpu.wait_dma2 semaphore(%arg15 : memref<!tpu.dma_semaphore, #tpu.memory_space<semaphore_mem>>) src(%dma_wait3A_24 : memref<128x128xf32, #tpu.memory_space<hbm>>) dst(%arg11 : memref<128x128xf32, #tpu.memory_space<vmem>>)
    %dma_wait3A_25 = arith.constant 0 : i32
    %dma_wait3A_26 = arith.constant 0 : i32
    %dma_wait3A_27 = tpu.memref_slice %arg2[%dma_wait3A_25, %dma_wait3A_26] : memref<10000x128xf32, #tpu.memory_space<hbm>> -> memref<128x128xf32, #tpu.memory_space<hbm>>
    %dma_wait3A_28 = arith.constant 0 : i32
    %dma_wait3A_29 = arith.constant 0 : i32
    %dma_wait3A_30 = tpu.memref_slice %arg2[%dma_wait3A_28, %dma_wait3A_29] : memref<10000x128xf32, #tpu.memory_space<hbm>> -> memref<128x128xf32, #tpu.memory_space<hbm>>
    tpu.wait_dma2 semaphore(%arg15 : memref<!tpu.dma_semaphore, #tpu.memory_space<semaphore_mem>>) src(%dma_wait3A_30 : memref<128x128xf32, #tpu.memory_space<hbm>>) dst(%arg11 : memref<128x128xf32, #tpu.memory_space<vmem>>)
    %dma_wait3A_31 = arith.constant 0 : i32
    %dma_wait3A_32 = arith.constant 0 : i32
    %dma_wait3A_33 = tpu.memref_slice %arg2[%dma_wait3A_31, %dma_wait3A_32] : memref<10000x128xf32, #tpu.memory_space<hbm>> -> memref<128x128xf32, #tpu.memory_space<hbm>>
    %dma_wait3A_34 = arith.constant 0 : i32
    %dma_wait3A_35 = arith.constant 0 : i32
    %dma_wait3A_36 = tpu.memref_slice %arg2[%dma_wait3A_34, %dma_wait3A_35] : memref<10000x128xf32, #tpu.memory_space<hbm>> -> memref<128x128xf32, #tpu.memory_space<hbm>>
    tpu.wait_dma2 semaphore(%arg15 : memref<!tpu.dma_semaphore, #tpu.memory_space<semaphore_mem>>) src(%dma_wait3A_36 : memref<128x128xf32, #tpu.memory_space<hbm>>) dst(%arg11 : memref<128x128xf32, #tpu.memory_space<vmem>>)
    %dma_wait3A_37 = arith.constant 0 : i32
    %dma_wait3A_38 = arith.constant 0 : i32
    %dma_wait3A_39 = tpu.memref_slice %arg2[%dma_wait3A_37, %dma_wait3A_38] : memref<10000x128xf32, #tpu.memory_space<hbm>> -> memref<128x128xf32, #tpu.memory_space<hbm>>
    %dma_wait3A_40 = arith.constant 0 : i32
    %dma_wait3A_41 = arith.constant 0 : i32
    %dma_wait3A_42 = tpu.memref_slice %arg2[%dma_wait3A_40, %dma_wait3A_41] : memref<10000x128xf32, #tpu.memory_space<hbm>> -> memref<128x128xf32, #tpu.memory_space<hbm>>
    tpu.wait_dma2 semaphore(%arg15 : memref<!tpu.dma_semaphore, #tpu.memory_space<semaphore_mem>>) src(%dma_wait3A_42 : memref<128x128xf32, #tpu.memory_space<hbm>>) dst(%arg11 : memref<128x128xf32, #tpu.memory_space<vmem>>)
    %dma_wait3A_43 = arith.constant 0 : i32
    %dma_wait3A_44 = arith.constant 0 : i32
    %dma_wait3A_45 = tpu.memref_slice %arg2[%dma_wait3A_43, %dma_wait3A_44] : memref<10000x128xf32, #tpu.memory_space<hbm>> -> memref<128x128xf32, #tpu.memory_space<hbm>>
    %dma_wait3A_46 = arith.constant 0 : i32
    %dma_wait3A_47 = arith.constant 0 : i32
    %dma_wait3A_48 = tpu.memref_slice %arg2[%dma_wait3A_46, %dma_wait3A_47] : memref<10000x128xf32, #tpu.memory_space<hbm>> -> memref<128x128xf32, #tpu.memory_space<hbm>>
    tpu.wait_dma2 semaphore(%arg15 : memref<!tpu.dma_semaphore, #tpu.memory_space<semaphore_mem>>) src(%dma_wait3A_48 : memref<128x128xf32, #tpu.memory_space<hbm>>) dst(%arg11 : memref<128x128xf32, #tpu.memory_space<vmem>>)
    %dma_wait3A_49 = arith.constant 0 : i32
    %dma_wait3A_50 = arith.constant 0 : i32
    %dma_wait3A_51 = tpu.memref_slice %arg2[%dma_wait3A_49, %dma_wait3A_50] : memref<10000x128xf32, #tpu.memory_space<hbm>> -> memref<128x128xf32, #tpu.memory_space<hbm>>
    %dma_wait3A_52 = arith.constant 0 : i32
    %dma_wait3A_53 = arith.constant 0 : i32
    %dma_wait3A_54 = tpu.memref_slice %arg2[%dma_wait3A_52, %dma_wait3A_53] : memref<10000x128xf32, #tpu.memory_space<hbm>> -> memref<128x128xf32, #tpu.memory_space<hbm>>
    tpu.wait_dma2 semaphore(%arg15 : memref<!tpu.dma_semaphore, #tpu.memory_space<semaphore_mem>>) src(%dma_wait3A_54 : memref<128x128xf32, #tpu.memory_space<hbm>>) dst(%arg11 : memref<128x128xf32, #tpu.memory_space<vmem>>)
    %barrier3A_55 = arith.constant 0 : index
    tpu.barrier barrier_id(%barrier3A_55)
    "tpu.region"() ({
      %run_scoped3A = tpu.sem_alloc : memref<!tpu.dma_semaphore, #tpu.memory_space<semaphore_mem>>
      %dma_start3A_82 = arith.constant 0 : i32
      %dma_start3A_83 = tpu.memref_slice %arg8[%arg0, %mul3A_2, %dma_start3A_82] : memref<2x10240x128xf32, #tpu.memory_space<hbm>> -> memref<1x640x128xf32, #tpu.memory_space<hbm>>
      %dma_start3A_84 = tpu.memref_squeeze %dma_start3A_83 : memref<1x640x128xf32, #tpu.memory_space<hbm>> -> memref<640x128xf32, #tpu.memory_space<hbm>>
      %dma_start3A_85 = arith.constant 0 : i32
      %dma_start3A_86 = tpu.memref_slice %arg18[%mul3A_2, %dma_start3A_85] : memref<10240x128xf32, #tpu.memory_space<vmem_shared>> -> memref<640x128xf32, #tpu.memory_space<vmem_shared>>
      tpu.enqueue_dma source(%dma_start3A_86 : memref<640x128xf32, #tpu.memory_space<vmem_shared>>) target(%dma_start3A_84 : memref<640x128xf32, #tpu.memory_space<hbm>>) target_semaphore(%run_scoped3A : memref<!tpu.dma_semaphore, #tpu.memory_space<semaphore_mem>>)
      %dma_wait3A_87 = arith.constant 0 : i32
      %dma_wait3A_88 = tpu.memref_slice %arg8[%arg0, %mul3A_2, %dma_wait3A_87] : memref<2x10240x128xf32, #tpu.memory_space<hbm>> -> memref<1x640x128xf32, #tpu.memory_space<hbm>>
      %dma_wait3A_89 = tpu.memref_squeeze %dma_wait3A_88 : memref<1x640x128xf32, #tpu.memory_space<hbm>> -> memref<640x128xf32, #tpu.memory_space<hbm>>
      %dma_wait3A_90 = arith.constant 0 : i32
      %dma_wait3A_91 = tpu.memref_slice %arg18[%mul3A_2, %dma_wait3A_90] : memref<10240x128xf32, #tpu.memory_space<vmem_shared>> -> memref<640x128xf32, #tpu.memory_space<vmem_shared>>
      tpu.wait_dma2 semaphore(%run_scoped3A : memref<!tpu.dma_semaphore, #tpu.memory_space<semaphore_mem>>) src(%dma_wait3A_91 : memref<640x128xf32, #tpu.memory_space<vmem_shared>>) dst(%dma_wait3A_89 : memref<640x128xf32, #tpu.memory_space<hbm>>)
      tpu.yield
    }) : () -> ()
    "tpu.region"() ({
      %run_scoped3A = tpu.sem_alloc : memref<!tpu.dma_semaphore, #tpu.memory_space<semaphore_mem>>
      %dma_start3A_82 = arith.constant 0 : i32
      %dma_start3A_83 = tpu.memref_slice %arg18[%mul3A_2, %dma_start3A_82] : memref<10240x128xf32, #tpu.memory_space<vmem_shared>> -> memref<640x128xf32, #tpu.memory_space<vmem_shared>>
      tpu.enqueue_dma source(%arg6 : memref<640x128xf32, #tpu.memory_space<hbm>>) target(%dma_start3A_83 : memref<640x128xf32, #tpu.memory_space<vmem_shared>>) target_semaphore(%run_scoped3A : memref<!tpu.dma_semaphore, #tpu.memory_space<semaphore_mem>>)
      %dma_wait3A_84 = arith.constant 0 : i32
      %dma_wait3A_85 = tpu.memref_slice %arg18[%mul3A_2, %dma_wait3A_84] : memref<10240x128xf32, #tpu.memory_space<vmem_shared>> -> memref<640x128xf32, #tpu.memory_space<vmem_shared>>
      tpu.wait_dma2 semaphore(%run_scoped3A : memref<!tpu.dma_semaphore, #tpu.memory_space<semaphore_mem>>) src(%arg6 : memref<640x128xf32, #tpu.memory_space<hbm>>) dst(%dma_wait3A_85 : memref<640x128xf32, #tpu.memory_space<vmem_shared>>)
      tpu.yield
    }) : () -> ()
    %barrier3A_56 = arith.constant 0 : index
    tpu.barrier barrier_id(%barrier3A_56)
    "tpu.region"() ({
      %run_scoped3A = tpu.sem_alloc : memref<!tpu.dma_semaphore, #tpu.memory_space<semaphore_mem>>
      %dma_start3A_82 = arith.constant 0 : i32
      %dma_start3A_83 = arith.constant 0 : i32
      %dma_start3A_84 = tpu.memref_slice %arg10[%dma_start3A_82, %dma_start3A_83] : memref<16x128xi32, #tpu.memory_space<vmem>> -> memref<8x128xi32, #tpu.memory_space<vmem>>
      %dma_start3A_85 = arith.constant 0 : i32
      %dma_start3A_86 = arith.constant 0 : i32
      %dma_start3A_87 = tpu.memref_slice %arg5[%add3A, %dma_start3A_85, %dma_start3A_86] : memref<32x80x128xi32, #tpu.memory_space<hbm>> -> memref<1x8x128xi32, #tpu.memory_space<hbm>>
      %dma_start3A_88 = tpu.memref_squeeze %dma_start3A_87 : memref<1x8x128xi32, #tpu.memory_space<hbm>> -> memref<8x128xi32, #tpu.memory_space<hbm>>
      %dma_start3A_89 = arith.constant 0 : i32
      %dma_start3A_90 = arith.constant 0 : i32
      %dma_start3A_91 = tpu.memref_slice %arg10[%dma_start3A_89, %dma_start3A_90] : memref<16x128xi32, #tpu.memory_space<vmem>> -> memref<8x128xi32, #tpu.memory_space<vmem>>
      %dma_start3A_92 = arith.constant 0 : i32
      %dma_start3A_93 = arith.constant 0 : i32
      %dma_start3A_94 = tpu.memref_slice %arg5[%add3A, %dma_start3A_92, %dma_start3A_93] : memref<32x80x128xi32, #tpu.memory_space<hbm>> -> memref<1x8x128xi32, #tpu.memory_space<hbm>>
      %dma_start3A_95 = tpu.memref_squeeze %dma_start3A_94 : memref<1x8x128xi32, #tpu.memory_space<hbm>> -> memref<8x128xi32, #tpu.memory_space<hbm>>
      tpu.enqueue_dma source(%dma_start3A_95 : memref<8x128xi32, #tpu.memory_space<hbm>>) target(%dma_start3A_91 : memref<8x128xi32, #tpu.memory_space<vmem>>) target_semaphore(%run_scoped3A : memref<!tpu.dma_semaphore, #tpu.memory_space<semaphore_mem>>)
      %dma_wait3A_96 = arith.constant 0 : i32
      %dma_wait3A_97 = arith.constant 0 : i32
      %dma_wait3A_98 = tpu.memref_slice %arg10[%dma_wait3A_96, %dma_wait3A_97] : memref<16x128xi32, #tpu.memory_space<vmem>> -> memref<8x128xi32, #tpu.memory_space<vmem>>
      %dma_wait3A_99 = arith.constant 0 : i32
      %dma_wait3A_100 = arith.constant 0 : i32
      %dma_wait3A_101 = tpu.memref_slice %arg5[%add3A, %dma_wait3A_99, %dma_wait3A_100] : memref<32x80x128xi32, #tpu.memory_space<hbm>> -> memref<1x8x128xi32, #tpu.memory_space<hbm>>
      %dma_wait3A_102 = tpu.memref_squeeze %dma_wait3A_101 : memref<1x8x128xi32, #tpu.memory_space<hbm>> -> memref<8x128xi32, #tpu.memory_space<hbm>>
      %dma_wait3A_103 = arith.constant 0 : i32
      %dma_wait3A_104 = arith.constant 0 : i32
      %dma_wait3A_105 = tpu.memref_slice %arg10[%dma_wait3A_103, %dma_wait3A_104] : memref<16x128xi32, #tpu.memory_space<vmem>> -> memref<8x128xi32, #tpu.memory_space<vmem>>
      %dma_wait3A_106 = arith.constant 0 : i32
      %dma_wait3A_107 = arith.constant 0 : i32
      %dma_wait3A_108 = tpu.memref_slice %arg5[%add3A, %dma_wait3A_106, %dma_wait3A_107] : memref<32x80x128xi32, #tpu.memory_space<hbm>> -> memref<1x8x128xi32, #tpu.memory_space<hbm>>
      %dma_wait3A_109 = tpu.memref_squeeze %dma_wait3A_108 : memref<1x8x128xi32, #tpu.memory_space<hbm>> -> memref<8x128xi32, #tpu.memory_space<hbm>>
      tpu.wait_dma2 semaphore(%run_scoped3A : memref<!tpu.dma_semaphore, #tpu.memory_space<semaphore_mem>>) src(%dma_wait3A_109 : memref<8x128xi32, #tpu.memory_space<hbm>>) dst(%dma_wait3A_105 : memref<8x128xi32, #tpu.memory_space<vmem>>)
      tpu.yield
    }) : () -> ()
    "tpu.region"() ({
      %run_scoped3A = tpu.sem_alloc : memref<!tpu.dma_semaphore, #tpu.memory_space<semaphore_mem>>
      %dma_start3A_82 = arith.constant 0 : i32
      %dma_start3A_83 = arith.constant 0 : i32
      %dma_start3A_84 = tpu.memref_slice %arg9[%dma_start3A_82, %dma_start3A_83] : memref<16x128xi32, #tpu.memory_space<vmem>> -> memref<8x128xi32, #tpu.memory_space<vmem>>
      %dma_start3A_85 = arith.constant 0 : i32
      %dma_start3A_86 = arith.constant 0 : i32
      %dma_start3A_87 = tpu.memref_slice %arg4[%add3A, %dma_start3A_85, %dma_start3A_86] : memref<32x80x128xi32, #tpu.memory_space<hbm>> -> memref<1x8x128xi32, #tpu.memory_space<hbm>>
      %dma_start3A_88 = tpu.memref_squeeze %dma_start3A_87 : memref<1x8x128xi32, #tpu.memory_space<hbm>> -> memref<8x128xi32, #tpu.memory_space<hbm>>
      %dma_start3A_89 = arith.constant 0 : i32
      %dma_start3A_90 = arith.constant 0 : i32
      %dma_start3A_91 = tpu.memref_slice %arg9[%dma_start3A_89, %dma_start3A_90] : memref<16x128xi32, #tpu.memory_space<vmem>> -> memref<8x128xi32, #tpu.memory_space<vmem>>
      %dma_start3A_92 = arith.constant 0 : i32
      %dma_start3A_93 = arith.constant 0 : i32
      %dma_start3A_94 = tpu.memref_slice %arg4[%add3A, %dma_start3A_92, %dma_start3A_93] : memref<32x80x128xi32, #tpu.memory_space<hbm>> -> memref<1x8x128xi32, #tpu.memory_space<hbm>>
      %dma_start3A_95 = tpu.memref_squeeze %dma_start3A_94 : memref<1x8x128xi32, #tpu.memory_space<hbm>> -> memref<8x128xi32, #tpu.memory_space<hbm>>
      tpu.enqueue_dma source(%dma_start3A_95 : memref<8x128xi32, #tpu.memory_space<hbm>>) target(%dma_start3A_91 : memref<8x128xi32, #tpu.memory_space<vmem>>) target_semaphore(%run_scoped3A : memref<!tpu.dma_semaphore, #tpu.memory_space<semaphore_mem>>)
      %dma_wait3A_96 = arith.constant 0 : i32
      %dma_wait3A_97 = arith.constant 0 : i32
      %dma_wait3A_98 = tpu.memref_slice %arg9[%dma_wait3A_96, %dma_wait3A_97] : memref<16x128xi32, #tpu.memory_space<vmem>> -> memref<8x128xi32, #tpu.memory_space<vmem>>
      %dma_wait3A_99 = arith.constant 0 : i32
      %dma_wait3A_100 = arith.constant 0 : i32
      %dma_wait3A_101 = tpu.memref_slice %arg4[%add3A, %dma_wait3A_99, %dma_wait3A_100] : memref<32x80x128xi32, #tpu.memory_space<hbm>> -> memref<1x8x128xi32, #tpu.memory_space<hbm>>
      %dma_wait3A_102 = tpu.memref_squeeze %dma_wait3A_101 : memref<1x8x128xi32, #tpu.memory_space<hbm>> -> memref<8x128xi32, #tpu.memory_space<hbm>>
      %dma_wait3A_103 = arith.constant 0 : i32
      %dma_wait3A_104 = arith.constant 0 : i32
      %dma_wait3A_105 = tpu.memref_slice %arg9[%dma_wait3A_103, %dma_wait3A_104] : memref<16x128xi32, #tpu.memory_space<vmem>> -> memref<8x128xi32, #tpu.memory_space<vmem>>
      %dma_wait3A_106 = arith.constant 0 : i32
      %dma_wait3A_107 = arith.constant 0 : i32
      %dma_wait3A_108 = tpu.memref_slice %arg4[%add3A, %dma_wait3A_106, %dma_wait3A_107] : memref<32x80x128xi32, #tpu.memory_space<hbm>> -> memref<1x8x128xi32, #tpu.memory_space<hbm>>
      %dma_wait3A_109 = tpu.memref_squeeze %dma_wait3A_108 : memref<1x8x128xi32, #tpu.memory_space<hbm>> -> memref<8x128xi32, #tpu.memory_space<hbm>>
      tpu.wait_dma2 semaphore(%run_scoped3A : memref<!tpu.dma_semaphore, #tpu.memory_space<semaphore_mem>>) src(%dma_wait3A_109 : memref<8x128xi32, #tpu.memory_space<hbm>>) dst(%dma_wait3A_105 : memref<8x128xi32, #tpu.memory_space<vmem>>)
      tpu.yield
    }) : () -> ()
    %dma_start3A = arith.constant 0 : i32
    %dma_start3A_57 = arith.constant 0 : i32
    %dma_start3A_58 = tpu.memref_slice %arg9[%dma_start3A, %dma_start3A_57] : memref<16x128xi32, #tpu.memory_space<vmem>> -> memref<1x128xi32, #tpu.memory_space<vmem>>
    %dma_start3A_59 = tpu.memref_squeeze %dma_start3A_58 : memref<1x128xi32, #tpu.memory_space<vmem>> -> memref<128xi32, #tpu.memory_space<vmem>>
    %dma_start3A_60 = arith.constant 0 : i32
    %dma_start3A_61 = arith.constant 0 : i32
    %dma_start3A_62 = tpu.memref_slice %arg2[%dma_start3A_60, %dma_start3A_61] : memref<10000x128xf32, #tpu.memory_space<hbm>> -> memref<10000x128xf32, #tpu.memory_space<hbm>>
    tpu.enqueue_indirect_dma source(%dma_start3A_62 : memref<10000x128xf32, #tpu.memory_space<hbm>>) target(%arg11 : memref<128x128xf32, #tpu.memory_space<vmem>>) offsets(%dma_start3A_59 : memref<128xi32, #tpu.memory_space<vmem>>) semaphore(%arg13 : memref<!tpu.dma_semaphore, #tpu.memory_space<semaphore_mem>>)
    %scan3A_63 = arith.constant 0 : i32
    %scan3A_64 = arith.constant 0 : i32
    %scan3A_65 = arith.constant 10 : i32
    %scan3A_66 = arith.addi %scan3A_64, %scan3A_65 : i32
    %scan3A_67 = arith.constant 1 : i32
    scf.for %scan3A_82 = %scan3A_64 to %scan3A_66 step %scan3A_67  : i32 {
      %jit3A = arith.constant 2 : i32
      %eq3A = arith.constant 0 : i32
      %eq3A_83 = arith.cmpi eq, %jit3A, %eq3A : i32
      %jit3A_84 = arith.constant 1 : i32
      %select_n3A = arith.select %eq3A_83, %jit3A_84, %jit3A : i32
      %rem3A = arith.remsi %scan3A_82, %select_n3A : i32
      %ne3A = arith.constant 0 : i32
      %ne3A_85 = arith.cmpi ne, %rem3A, %ne3A : i32
      %lt3A = arith.constant 0 : i32
      %lt3A_86 = arith.cmpi slt, %rem3A, %lt3A : i32
      %lt3A_87 = arith.constant 0 : i32
      %lt3A_88 = arith.cmpi slt, %select_n3A, %lt3A_87 : i32
      %ne3A_89 = arith.xori %lt3A_86, %lt3A_88 : i1
      %and3A = arith.andi %ne3A_89, %ne3A_85 : i1
      %add3A_90 = arith.addi %rem3A, %select_n3A : i32
      %select_n3A_91 = arith.select %and3A, %add3A_90, %rem3A : i32
      %mul3A_92 = arith.constant 8 : i32
      %mul3A_93 = arith.muli %select_n3A_91, %mul3A_92 : i32
      %add3A_94 = arith.constant 1 : i32
      %add3A_95 = arith.addi %scan3A_82, %add3A_94 : i32
      %jit3A_96 = arith.constant 2 : i32
      %eq3A_97 = arith.constant 0 : i32
      %eq3A_98 = arith.cmpi eq, %jit3A_96, %eq3A_97 : i32
      %jit3A_99 = arith.constant 1 : i32
      %select_n3A_100 = arith.select %eq3A_98, %jit3A_99, %jit3A_96 : i32
      %rem3A_101 = arith.remsi %add3A_95, %select_n3A_100 : i32
      %ne3A_102 = arith.constant 0 : i32
      %ne3A_103 = arith.cmpi ne, %rem3A_101, %ne3A_102 : i32
      %lt3A_104 = arith.constant 0 : i32
      %lt3A_105 = arith.cmpi slt, %rem3A_101, %lt3A_104 : i32
      %lt3A_106 = arith.constant 0 : i32
      %lt3A_107 = arith.cmpi slt, %select_n3A_100, %lt3A_106 : i32
      %ne3A_108 = arith.xori %lt3A_105, %lt3A_107 : i1
      %and3A_109 = arith.andi %ne3A_108, %ne3A_103 : i1
      %add3A_110 = arith.addi %rem3A_101, %select_n3A_100 : i32
      %select_n3A_111 = arith.select %and3A_109, %add3A_110, %rem3A_101 : i32
      %mul3A_112 = arith.constant 8 : i32
      %mul3A_113 = arith.muli %select_n3A_111, %mul3A_112 : i32
      %gt3A = arith.constant 0 : i32
      %gt3A_114 = arith.cmpi sgt, %scan3A_82, %gt3A : i32
      %convert_element_type3A = arith.extui %gt3A_114 : i1 to i32
      %cond3A = arith.constant 0 : i32
      %cond3A_115 = arith.cmpi ne, %convert_element_type3A, %cond3A : i32
      scf.if %cond3A_115 {
        %dma_wait3A_360 = arith.constant 0 : i32
        %dma_wait3A_361 = arith.constant 0 : i32
        %dma_wait3A_362 = tpu.memref_slice %arg2[%dma_wait3A_360, %dma_wait3A_361] : memref<10000x128xf32, #tpu.memory_space<hbm>> -> memref<128x128xf32, #tpu.memory_space<hbm>>
        %dma_wait3A_363 = arith.constant 0 : i32
        %dma_wait3A_364 = arith.constant 0 : i32
        %dma_wait3A_365 = tpu.memref_slice %arg2[%dma_wait3A_363, %dma_wait3A_364] : memref<10000x128xf32, #tpu.memory_space<hbm>> -> memref<128x128xf32, #tpu.memory_space<hbm>>
        tpu.wait_dma2 semaphore(%arg16 : memref<!tpu.dma_semaphore, #tpu.memory_space<semaphore_mem>>) src(%dma_wait3A_365 : memref<128x128xf32, #tpu.memory_space<hbm>>) dst(%arg12 : memref<128x128xf32, #tpu.memory_space<vmem>>)
      } else {
      }
      %add3A_116 = arith.constant 1 : i32
      %add3A_117 = arith.addi %scan3A_82, %add3A_116 : i32
      %lt3A_118 = arith.constant 10 : i32
      %lt3A_119 = arith.cmpi slt, %add3A_117, %lt3A_118 : i32
      %convert_element_type3A_120 = arith.extui %lt3A_119 : i1 to i32
      %cond3A_121 = arith.constant 0 : i32
      %cond3A_122 = arith.cmpi ne, %convert_element_type3A_120, %cond3A_121 : i32
      scf.if %cond3A_122 {
        %add3A_360 = arith.constant 1 : i32
        %add3A_361 = arith.addi %scan3A_82, %add3A_360 : i32
        %mul3A_362 = arith.constant 8 : i32
        %mul3A_363 = arith.muli %add3A_361, %mul3A_362 : i32
        %dma_start3A_364 = arith.constant 0 : i32
        %dma_start3A_365 = tpu.memref_slice %arg10[%mul3A_113, %dma_start3A_364] : memref<16x128xi32, #tpu.memory_space<vmem>> -> memref<8x128xi32, #tpu.memory_space<vmem>>
        %dma_start3A_366 = arith.constant 0 : i32
        %dma_start3A_367 = tpu.memref_slice %arg5[%add3A, %mul3A_363, %dma_start3A_366] : memref<32x80x128xi32, #tpu.memory_space<hbm>> -> memref<1x8x128xi32, #tpu.memory_space<hbm>>
        %dma_start3A_368 = tpu.memref_squeeze %dma_start3A_367 : memref<1x8x128xi32, #tpu.memory_space<hbm>> -> memref<8x128xi32, #tpu.memory_space<hbm>>
        %dma_start3A_369 = arith.constant 0 : i32
        %dma_start3A_370 = tpu.memref_slice %arg10[%mul3A_113, %dma_start3A_369] : memref<16x128xi32, #tpu.memory_space<vmem>> -> memref<8x128xi32, #tpu.memory_space<vmem>>
        %dma_start3A_371 = arith.constant 0 : i32
        %dma_start3A_372 = tpu.memref_slice %arg5[%add3A, %mul3A_363, %dma_start3A_371] : memref<32x80x128xi32, #tpu.memory_space<hbm>> -> memref<1x8x128xi32, #tpu.memory_space<hbm>>
        %dma_start3A_373 = tpu.memref_squeeze %dma_start3A_372 : memref<1x8x128xi32, #tpu.memory_space<hbm>> -> memref<8x128xi32, #tpu.memory_space<hbm>>
        tpu.enqueue_dma source(%dma_start3A_373 : memref<8x128xi32, #tpu.memory_space<hbm>>) target(%dma_start3A_370 : memref<8x128xi32, #tpu.memory_space<vmem>>) target_semaphore(%arg17 : memref<!tpu.dma_semaphore, #tpu.memory_space<semaphore_mem>>)
        %add3A_374 = arith.constant 1 : i32
        %add3A_375 = arith.addi %scan3A_82, %add3A_374 : i32
        %mul3A_376 = arith.constant 8 : i32
        %mul3A_377 = arith.muli %add3A_375, %mul3A_376 : i32
        %dma_start3A_378 = arith.constant 0 : i32
        %dma_start3A_379 = tpu.memref_slice %arg9[%mul3A_113, %dma_start3A_378] : memref<16x128xi32, #tpu.memory_space<vmem>> -> memref<8x128xi32, #tpu.memory_space<vmem>>
        %dma_start3A_380 = arith.constant 0 : i32
        %dma_start3A_381 = tpu.memref_slice %arg4[%add3A, %mul3A_377, %dma_start3A_380] : memref<32x80x128xi32, #tpu.memory_space<hbm>> -> memref<1x8x128xi32, #tpu.memory_space<hbm>>
        %dma_start3A_382 = tpu.memref_squeeze %dma_start3A_381 : memref<1x8x128xi32, #tpu.memory_space<hbm>> -> memref<8x128xi32, #tpu.memory_space<hbm>>
        %dma_start3A_383 = arith.constant 0 : i32
        %dma_start3A_384 = tpu.memref_slice %arg9[%mul3A_113, %dma_start3A_383] : memref<16x128xi32, #tpu.memory_space<vmem>> -> memref<8x128xi32, #tpu.memory_space<vmem>>
        %dma_start3A_385 = arith.constant 0 : i32
        %dma_start3A_386 = tpu.memref_slice %arg4[%add3A, %mul3A_377, %dma_start3A_385] : memref<32x80x128xi32, #tpu.memory_space<hbm>> -> memref<1x8x128xi32, #tpu.memory_space<hbm>>
        %dma_start3A_387 = tpu.memref_squeeze %dma_start3A_386 : memref<1x8x128xi32, #tpu.memory_space<hbm>> -> memref<8x128xi32, #tpu.memory_space<hbm>>
        tpu.enqueue_dma source(%dma_start3A_387 : memref<8x128xi32, #tpu.memory_space<hbm>>) target(%dma_start3A_384 : memref<8x128xi32, #tpu.memory_space<vmem>>) target_semaphore(%arg17 : memref<!tpu.dma_semaphore, #tpu.memory_space<semaphore_mem>>)
      } else {
      }
      %add3A_123 = arith.constant 0 : i32
      %add3A_124 = arith.addi %mul3A_93, %add3A_123 : i32
      %add3A_125 = arith.constant 1 : i32
      %add3A_126 = arith.addi %add3A_124, %add3A_125 : i32
      %dma_start3A_127 = arith.constant 0 : i32
      %dma_start3A_128 = tpu.memref_slice %arg9[%add3A_126, %dma_start3A_127] : memref<16x128xi32, #tpu.memory_space<vmem>> -> memref<1x128xi32, #tpu.memory_space<vmem>>
      %dma_start3A_129 = tpu.memref_squeeze %dma_start3A_128 : memref<1x128xi32, #tpu.memory_space<vmem>> -> memref<128xi32, #tpu.memory_space<vmem>>
      %dma_start3A_130 = arith.constant 0 : i32
      %dma_start3A_131 = arith.constant 0 : i32
      %dma_start3A_132 = tpu.memref_slice %arg2[%dma_start3A_130, %dma_start3A_131] : memref<10000x128xf32, #tpu.memory_space<hbm>> -> memref<10000x128xf32, #tpu.memory_space<hbm>>
      tpu.enqueue_indirect_dma source(%dma_start3A_132 : memref<10000x128xf32, #tpu.memory_space<hbm>>) target(%arg12 : memref<128x128xf32, #tpu.memory_space<vmem>>) offsets(%dma_start3A_129 : memref<128xi32, #tpu.memory_space<vmem>>) semaphore(%arg14 : memref<!tpu.dma_semaphore, #tpu.memory_space<semaphore_mem>>)
      %dma_wait3A_133 = arith.constant 0 : i32
      %dma_wait3A_134 = arith.constant 0 : i32
      %dma_wait3A_135 = tpu.memref_slice %arg2[%dma_wait3A_133, %dma_wait3A_134] : memref<10000x128xf32, #tpu.memory_space<hbm>> -> memref<128x128xf32, #tpu.memory_space<hbm>>
      %dma_wait3A_136 = arith.constant 0 : i32
      %dma_wait3A_137 = arith.constant 0 : i32
      %dma_wait3A_138 = tpu.memref_slice %arg2[%dma_wait3A_136, %dma_wait3A_137] : memref<10000x128xf32, #tpu.memory_space<hbm>> -> memref<128x128xf32, #tpu.memory_space<hbm>>
      tpu.wait_dma2 semaphore(%arg13 : memref<!tpu.dma_semaphore, #tpu.memory_space<semaphore_mem>>) src(%dma_wait3A_138 : memref<128x128xf32, #tpu.memory_space<hbm>>) dst(%arg11 : memref<128x128xf32, #tpu.memory_space<vmem>>)
      %add3A_139 = arith.constant 0 : i32
      %add3A_140 = arith.addi %mul3A_93, %add3A_139 : i32
      %dma_start3A_141 = arith.constant 0 : i32
      %dma_start3A_142 = tpu.memref_slice %arg10[%add3A_140, %dma_start3A_141] : memref<16x128xi32, #tpu.memory_space<vmem>> -> memref<1x128xi32, #tpu.memory_space<vmem>>
      %dma_start3A_143 = tpu.memref_squeeze %dma_start3A_142 : memref<1x128xi32, #tpu.memory_space<vmem>> -> memref<128xi32, #tpu.memory_space<vmem>>
      %dma_start3A_144 = arith.constant 0 : i32
      %dma_start3A_145 = arith.constant 0 : i32
      %dma_start3A_146 = tpu.memref_slice %arg18[%dma_start3A_144, %dma_start3A_145] : memref<10240x128xf32, #tpu.memory_space<vmem_shared>> -> memref<10240x128xf32, #tpu.memory_space<vmem_shared>>
      tpu.enqueue_indirect_dma source(%arg11 : memref<128x128xf32, #tpu.memory_space<vmem>>) target(%dma_start3A_146 : memref<10240x128xf32, #tpu.memory_space<vmem_shared>>) offsets(%dma_start3A_143 : memref<128xi32, #tpu.memory_space<vmem>>) semaphore(%arg15 : memref<!tpu.dma_semaphore, #tpu.memory_space<semaphore_mem>>) {add = true}
      %dma_wait3A_147 = arith.constant 0 : i32
      %dma_wait3A_148 = arith.constant 0 : i32
      %dma_wait3A_149 = tpu.memref_slice %arg2[%dma_wait3A_147, %dma_wait3A_148] : memref<10000x128xf32, #tpu.memory_space<hbm>> -> memref<128x128xf32, #tpu.memory_space<hbm>>
      %dma_wait3A_150 = arith.constant 0 : i32
      %dma_wait3A_151 = arith.constant 0 : i32
      %dma_wait3A_152 = tpu.memref_slice %arg2[%dma_wait3A_150, %dma_wait3A_151] : memref<10000x128xf32, #tpu.memory_space<hbm>> -> memref<128x128xf32, #tpu.memory_space<hbm>>
      tpu.wait_dma2 semaphore(%arg15 : memref<!tpu.dma_semaphore, #tpu.memory_space<semaphore_mem>>) src(%dma_wait3A_152 : memref<128x128xf32, #tpu.memory_space<hbm>>) dst(%arg11 : memref<128x128xf32, #tpu.memory_space<vmem>>)
      %add3A_153 = arith.constant 1 : i32
      %add3A_154 = arith.addi %mul3A_93, %add3A_153 : i32
      %add3A_155 = arith.constant 1 : i32
      %add3A_156 = arith.addi %add3A_154, %add3A_155 : i32
      %dma_start3A_157 = arith.constant 0 : i32
      %dma_start3A_158 = tpu.memref_slice %arg9[%add3A_156, %dma_start3A_157] : memref<16x128xi32, #tpu.memory_space<vmem>> -> memref<1x128xi32, #tpu.memory_space<vmem>>
      %dma_start3A_159 = tpu.memref_squeeze %dma_start3A_158 : memref<1x128xi32, #tpu.memory_space<vmem>> -> memref<128xi32, #tpu.memory_space<vmem>>
      %dma_start3A_160 = arith.constant 0 : i32
      %dma_start3A_161 = arith.constant 0 : i32
      %dma_start3A_162 = tpu.memref_slice %arg2[%dma_start3A_160, %dma_start3A_161] : memref<10000x128xf32, #tpu.memory_space<hbm>> -> memref<10000x128xf32, #tpu.memory_space<hbm>>
      tpu.enqueue_indirect_dma source(%dma_start3A_162 : memref<10000x128xf32, #tpu.memory_space<hbm>>) target(%arg11 : memref<128x128xf32, #tpu.memory_space<vmem>>) offsets(%dma_start3A_159 : memref<128xi32, #tpu.memory_space<vmem>>) semaphore(%arg13 : memref<!tpu.dma_semaphore, #tpu.memory_space<semaphore_mem>>)
      %dma_wait3A_163 = arith.constant 0 : i32
      %dma_wait3A_164 = arith.constant 0 : i32
      %dma_wait3A_165 = tpu.memref_slice %arg2[%dma_wait3A_163, %dma_wait3A_164] : memref<10000x128xf32, #tpu.memory_space<hbm>> -> memref<128x128xf32, #tpu.memory_space<hbm>>
      %dma_wait3A_166 = arith.constant 0 : i32
      %dma_wait3A_167 = arith.constant 0 : i32
      %dma_wait3A_168 = tpu.memref_slice %arg2[%dma_wait3A_166, %dma_wait3A_167] : memref<10000x128xf32, #tpu.memory_space<hbm>> -> memref<128x128xf32, #tpu.memory_space<hbm>>
      tpu.wait_dma2 semaphore(%arg14 : memref<!tpu.dma_semaphore, #tpu.memory_space<semaphore_mem>>) src(%dma_wait3A_168 : memref<128x128xf32, #tpu.memory_space<hbm>>) dst(%arg12 : memref<128x128xf32, #tpu.memory_space<vmem>>)
      %add3A_169 = arith.constant 1 : i32
      %add3A_170 = arith.addi %mul3A_93, %add3A_169 : i32
      %dma_start3A_171 = arith.constant 0 : i32
      %dma_start3A_172 = tpu.memref_slice %arg10[%add3A_170, %dma_start3A_171] : memref<16x128xi32, #tpu.memory_space<vmem>> -> memref<1x128xi32, #tpu.memory_space<vmem>>
      %dma_start3A_173 = tpu.memref_squeeze %dma_start3A_172 : memref<1x128xi32, #tpu.memory_space<vmem>> -> memref<128xi32, #tpu.memory_space<vmem>>
      %dma_start3A_174 = arith.constant 0 : i32
      %dma_start3A_175 = arith.constant 0 : i32
      %dma_start3A_176 = tpu.memref_slice %arg18[%dma_start3A_174, %dma_start3A_175] : memref<10240x128xf32, #tpu.memory_space<vmem_shared>> -> memref<10240x128xf32, #tpu.memory_space<vmem_shared>>
      tpu.enqueue_indirect_dma source(%arg12 : memref<128x128xf32, #tpu.memory_space<vmem>>) target(%dma_start3A_176 : memref<10240x128xf32, #tpu.memory_space<vmem_shared>>) offsets(%dma_start3A_173 : memref<128xi32, #tpu.memory_space<vmem>>) semaphore(%arg16 : memref<!tpu.dma_semaphore, #tpu.memory_space<semaphore_mem>>) {add = true}
      %dma_wait3A_177 = arith.constant 0 : i32
      %dma_wait3A_178 = arith.constant 0 : i32
      %dma_wait3A_179 = tpu.memref_slice %arg2[%dma_wait3A_177, %dma_wait3A_178] : memref<10000x128xf32, #tpu.memory_space<hbm>> -> memref<128x128xf32, #tpu.memory_space<hbm>>
      %dma_wait3A_180 = arith.constant 0 : i32
      %dma_wait3A_181 = arith.constant 0 : i32
      %dma_wait3A_182 = tpu.memref_slice %arg2[%dma_wait3A_180, %dma_wait3A_181] : memref<10000x128xf32, #tpu.memory_space<hbm>> -> memref<128x128xf32, #tpu.memory_space<hbm>>
      tpu.wait_dma2 semaphore(%arg16 : memref<!tpu.dma_semaphore, #tpu.memory_space<semaphore_mem>>) src(%dma_wait3A_182 : memref<128x128xf32, #tpu.memory_space<hbm>>) dst(%arg12 : memref<128x128xf32, #tpu.memory_space<vmem>>)
      %add3A_183 = arith.constant 2 : i32
      %add3A_184 = arith.addi %mul3A_93, %add3A_183 : i32
      %add3A_185 = arith.constant 1 : i32
      %add3A_186 = arith.addi %add3A_184, %add3A_185 : i32
      %dma_start3A_187 = arith.constant 0 : i32
      %dma_start3A_188 = tpu.memref_slice %arg9[%add3A_186, %dma_start3A_187] : memref<16x128xi32, #tpu.memory_space<vmem>> -> memref<1x128xi32, #tpu.memory_space<vmem>>
      %dma_start3A_189 = tpu.memref_squeeze %dma_start3A_188 : memref<1x128xi32, #tpu.memory_space<vmem>> -> memref<128xi32, #tpu.memory_space<vmem>>
      %dma_start3A_190 = arith.constant 0 : i32
      %dma_start3A_191 = arith.constant 0 : i32
      %dma_start3A_192 = tpu.memref_slice %arg2[%dma_start3A_190, %dma_start3A_191] : memref<10000x128xf32, #tpu.memory_space<hbm>> -> memref<10000x128xf32, #tpu.memory_space<hbm>>
      tpu.enqueue_indirect_dma source(%dma_start3A_192 : memref<10000x128xf32, #tpu.memory_space<hbm>>) target(%arg12 : memref<128x128xf32, #tpu.memory_space<vmem>>) offsets(%dma_start3A_189 : memref<128xi32, #tpu.memory_space<vmem>>) semaphore(%arg14 : memref<!tpu.dma_semaphore, #tpu.memory_space<semaphore_mem>>)
      %dma_wait3A_193 = arith.constant 0 : i32
      %dma_wait3A_194 = arith.constant 0 : i32
      %dma_wait3A_195 = tpu.memref_slice %arg2[%dma_wait3A_193, %dma_wait3A_194] : memref<10000x128xf32, #tpu.memory_space<hbm>> -> memref<128x128xf32, #tpu.memory_space<hbm>>
      %dma_wait3A_196 = arith.constant 0 : i32
      %dma_wait3A_197 = arith.constant 0 : i32
      %dma_wait3A_198 = tpu.memref_slice %arg2[%dma_wait3A_196, %dma_wait3A_197] : memref<10000x128xf32, #tpu.memory_space<hbm>> -> memref<128x128xf32, #tpu.memory_space<hbm>>
      tpu.wait_dma2 semaphore(%arg13 : memref<!tpu.dma_semaphore, #tpu.memory_space<semaphore_mem>>) src(%dma_wait3A_198 : memref<128x128xf32, #tpu.memory_space<hbm>>) dst(%arg11 : memref<128x128xf32, #tpu.memory_space<vmem>>)
      %add3A_199 = arith.constant 2 : i32
      %add3A_200 = arith.addi %mul3A_93, %add3A_199 : i32
      %dma_start3A_201 = arith.constant 0 : i32
      %dma_start3A_202 = tpu.memref_slice %arg10[%add3A_200, %dma_start3A_201] : memref<16x128xi32, #tpu.memory_space<vmem>> -> memref<1x128xi32, #tpu.memory_space<vmem>>
      %dma_start3A_203 = tpu.memref_squeeze %dma_start3A_202 : memref<1x128xi32, #tpu.memory_space<vmem>> -> memref<128xi32, #tpu.memory_space<vmem>>
      %dma_start3A_204 = arith.constant 0 : i32
      %dma_start3A_205 = arith.constant 0 : i32
      %dma_start3A_206 = tpu.memref_slice %arg18[%dma_start3A_204, %dma_start3A_205] : memref<10240x128xf32, #tpu.memory_space<vmem_shared>> -> memref<10240x128xf32, #tpu.memory_space<vmem_shared>>
      tpu.enqueue_indirect_dma source(%arg11 : memref<128x128xf32, #tpu.memory_space<vmem>>) target(%dma_start3A_206 : memref<10240x128xf32, #tpu.memory_space<vmem_shared>>) offsets(%dma_start3A_203 : memref<128xi32, #tpu.memory_space<vmem>>) semaphore(%arg15 : memref<!tpu.dma_semaphore, #tpu.memory_space<semaphore_mem>>) {add = true}
      %dma_wait3A_207 = arith.constant 0 : i32
      %dma_wait3A_208 = arith.constant 0 : i32
      %dma_wait3A_209 = tpu.memref_slice %arg2[%dma_wait3A_207, %dma_wait3A_208] : memref<10000x128xf32, #tpu.memory_space<hbm>> -> memref<128x128xf32, #tpu.memory_space<hbm>>
      %dma_wait3A_210 = arith.constant 0 : i32
      %dma_wait3A_211 = arith.constant 0 : i32
      %dma_wait3A_212 = tpu.memref_slice %arg2[%dma_wait3A_210, %dma_wait3A_211] : memref<10000x128xf32, #tpu.memory_space<hbm>> -> memref<128x128xf32, #tpu.memory_space<hbm>>
      tpu.wait_dma2 semaphore(%arg15 : memref<!tpu.dma_semaphore, #tpu.memory_space<semaphore_mem>>) src(%dma_wait3A_212 : memref<128x128xf32, #tpu.memory_space<hbm>>) dst(%arg11 : memref<128x128xf32, #tpu.memory_space<vmem>>)
      %add3A_213 = arith.constant 3 : i32
      %add3A_214 = arith.addi %mul3A_93, %add3A_213 : i32
      %add3A_215 = arith.constant 1 : i32
      %add3A_216 = arith.addi %add3A_214, %add3A_215 : i32
      %dma_start3A_217 = arith.constant 0 : i32
      %dma_start3A_218 = tpu.memref_slice %arg9[%add3A_216, %dma_start3A_217] : memref<16x128xi32, #tpu.memory_space<vmem>> -> memref<1x128xi32, #tpu.memory_space<vmem>>
      %dma_start3A_219 = tpu.memref_squeeze %dma_start3A_218 : memref<1x128xi32, #tpu.memory_space<vmem>> -> memref<128xi32, #tpu.memory_space<vmem>>
      %dma_start3A_220 = arith.constant 0 : i32
      %dma_start3A_221 = arith.constant 0 : i32
      %dma_start3A_222 = tpu.memref_slice %arg2[%dma_start3A_220, %dma_start3A_221] : memref<10000x128xf32, #tpu.memory_space<hbm>> -> memref<10000x128xf32, #tpu.memory_space<hbm>>
      tpu.enqueue_indirect_dma source(%dma_start3A_222 : memref<10000x128xf32, #tpu.memory_space<hbm>>) target(%arg11 : memref<128x128xf32, #tpu.memory_space<vmem>>) offsets(%dma_start3A_219 : memref<128xi32, #tpu.memory_space<vmem>>) semaphore(%arg13 : memref<!tpu.dma_semaphore, #tpu.memory_space<semaphore_mem>>)
      %dma_wait3A_223 = arith.constant 0 : i32
      %dma_wait3A_224 = arith.constant 0 : i32
      %dma_wait3A_225 = tpu.memref_slice %arg2[%dma_wait3A_223, %dma_wait3A_224] : memref<10000x128xf32, #tpu.memory_space<hbm>> -> memref<128x128xf32, #tpu.memory_space<hbm>>
      %dma_wait3A_226 = arith.constant 0 : i32
      %dma_wait3A_227 = arith.constant 0 : i32
      %dma_wait3A_228 = tpu.memref_slice %arg2[%dma_wait3A_226, %dma_wait3A_227] : memref<10000x128xf32, #tpu.memory_space<hbm>> -> memref<128x128xf32, #tpu.memory_space<hbm>>
      tpu.wait_dma2 semaphore(%arg14 : memref<!tpu.dma_semaphore, #tpu.memory_space<semaphore_mem>>) src(%dma_wait3A_228 : memref<128x128xf32, #tpu.memory_space<hbm>>) dst(%arg12 : memref<128x128xf32, #tpu.memory_space<vmem>>)
      %add3A_229 = arith.constant 3 : i32
      %add3A_230 = arith.addi %mul3A_93, %add3A_229 : i32
      %dma_start3A_231 = arith.constant 0 : i32
      %dma_start3A_232 = tpu.memref_slice %arg10[%add3A_230, %dma_start3A_231] : memref<16x128xi32, #tpu.memory_space<vmem>> -> memref<1x128xi32, #tpu.memory_space<vmem>>
      %dma_start3A_233 = tpu.memref_squeeze %dma_start3A_232 : memref<1x128xi32, #tpu.memory_space<vmem>> -> memref<128xi32, #tpu.memory_space<vmem>>
      %dma_start3A_234 = arith.constant 0 : i32
      %dma_start3A_235 = arith.constant 0 : i32
      %dma_start3A_236 = tpu.memref_slice %arg18[%dma_start3A_234, %dma_start3A_235] : memref<10240x128xf32, #tpu.memory_space<vmem_shared>> -> memref<10240x128xf32, #tpu.memory_space<vmem_shared>>
      tpu.enqueue_indirect_dma source(%arg12 : memref<128x128xf32, #tpu.memory_space<vmem>>) target(%dma_start3A_236 : memref<10240x128xf32, #tpu.memory_space<vmem_shared>>) offsets(%dma_start3A_233 : memref<128xi32, #tpu.memory_space<vmem>>) semaphore(%arg16 : memref<!tpu.dma_semaphore, #tpu.memory_space<semaphore_mem>>) {add = true}
      %dma_wait3A_237 = arith.constant 0 : i32
      %dma_wait3A_238 = arith.constant 0 : i32
      %dma_wait3A_239 = tpu.memref_slice %arg2[%dma_wait3A_237, %dma_wait3A_238] : memref<10000x128xf32, #tpu.memory_space<hbm>> -> memref<128x128xf32, #tpu.memory_space<hbm>>
      %dma_wait3A_240 = arith.constant 0 : i32
      %dma_wait3A_241 = arith.constant 0 : i32
      %dma_wait3A_242 = tpu.memref_slice %arg2[%dma_wait3A_240, %dma_wait3A_241] : memref<10000x128xf32, #tpu.memory_space<hbm>> -> memref<128x128xf32, #tpu.memory_space<hbm>>
      tpu.wait_dma2 semaphore(%arg16 : memref<!tpu.dma_semaphore, #tpu.memory_space<semaphore_mem>>) src(%dma_wait3A_242 : memref<128x128xf32, #tpu.memory_space<hbm>>) dst(%arg12 : memref<128x128xf32, #tpu.memory_space<vmem>>)
      %add3A_243 = arith.constant 4 : i32
      %add3A_244 = arith.addi %mul3A_93, %add3A_243 : i32
      %add3A_245 = arith.constant 1 : i32
      %add3A_246 = arith.addi %add3A_244, %add3A_245 : i32
      %dma_start3A_247 = arith.constant 0 : i32
      %dma_start3A_248 = tpu.memref_slice %arg9[%add3A_246, %dma_start3A_247] : memref<16x128xi32, #tpu.memory_space<vmem>> -> memref<1x128xi32, #tpu.memory_space<vmem>>
      %dma_start3A_249 = tpu.memref_squeeze %dma_start3A_248 : memref<1x128xi32, #tpu.memory_space<vmem>> -> memref<128xi32, #tpu.memory_space<vmem>>
      %dma_start3A_250 = arith.constant 0 : i32
      %dma_start3A_251 = arith.constant 0 : i32
      %dma_start3A_252 = tpu.memref_slice %arg2[%dma_start3A_250, %dma_start3A_251] : memref<10000x128xf32, #tpu.memory_space<hbm>> -> memref<10000x128xf32, #tpu.memory_space<hbm>>
      tpu.enqueue_indirect_dma source(%dma_start3A_252 : memref<10000x128xf32, #tpu.memory_space<hbm>>) target(%arg12 : memref<128x128xf32, #tpu.memory_space<vmem>>) offsets(%dma_start3A_249 : memref<128xi32, #tpu.memory_space<vmem>>) semaphore(%arg14 : memref<!tpu.dma_semaphore, #tpu.memory_space<semaphore_mem>>)
      %dma_wait3A_253 = arith.constant 0 : i32
      %dma_wait3A_254 = arith.constant 0 : i32
      %dma_wait3A_255 = tpu.memref_slice %arg2[%dma_wait3A_253, %dma_wait3A_254] : memref<10000x128xf32, #tpu.memory_space<hbm>> -> memref<128x128xf32, #tpu.memory_space<hbm>>
      %dma_wait3A_256 = arith.constant 0 : i32
      %dma_wait3A_257 = arith.constant 0 : i32
      %dma_wait3A_258 = tpu.memref_slice %arg2[%dma_wait3A_256, %dma_wait3A_257] : memref<10000x128xf32, #tpu.memory_space<hbm>> -> memref<128x128xf32, #tpu.memory_space<hbm>>
      tpu.wait_dma2 semaphore(%arg13 : memref<!tpu.dma_semaphore, #tpu.memory_space<semaphore_mem>>) src(%dma_wait3A_258 : memref<128x128xf32, #tpu.memory_space<hbm>>) dst(%arg11 : memref<128x128xf32, #tpu.memory_space<vmem>>)
      %add3A_259 = arith.constant 4 : i32
      %add3A_260 = arith.addi %mul3A_93, %add3A_259 : i32
      %dma_start3A_261 = arith.constant 0 : i32
      %dma_start3A_262 = tpu.memref_slice %arg10[%add3A_260, %dma_start3A_261] : memref<16x128xi32, #tpu.memory_space<vmem>> -> memref<1x128xi32, #tpu.memory_space<vmem>>
      %dma_start3A_263 = tpu.memref_squeeze %dma_start3A_262 : memref<1x128xi32, #tpu.memory_space<vmem>> -> memref<128xi32, #tpu.memory_space<vmem>>
      %dma_start3A_264 = arith.constant 0 : i32
      %dma_start3A_265 = arith.constant 0 : i32
      %dma_start3A_266 = tpu.memref_slice %arg18[%dma_start3A_264, %dma_start3A_265] : memref<10240x128xf32, #tpu.memory_space<vmem_shared>> -> memref<10240x128xf32, #tpu.memory_space<vmem_shared>>
      tpu.enqueue_indirect_dma source(%arg11 : memref<128x128xf32, #tpu.memory_space<vmem>>) target(%dma_start3A_266 : memref<10240x128xf32, #tpu.memory_space<vmem_shared>>) offsets(%dma_start3A_263 : memref<128xi32, #tpu.memory_space<vmem>>) semaphore(%arg15 : memref<!tpu.dma_semaphore, #tpu.memory_space<semaphore_mem>>) {add = true}
      %dma_wait3A_267 = arith.constant 0 : i32
      %dma_wait3A_268 = arith.constant 0 : i32
      %dma_wait3A_269 = tpu.memref_slice %arg2[%dma_wait3A_267, %dma_wait3A_268] : memref<10000x128xf32, #tpu.memory_space<hbm>> -> memref<128x128xf32, #tpu.memory_space<hbm>>
      %dma_wait3A_270 = arith.constant 0 : i32
      %dma_wait3A_271 = arith.constant 0 : i32
      %dma_wait3A_272 = tpu.memref_slice %arg2[%dma_wait3A_270, %dma_wait3A_271] : memref<10000x128xf32, #tpu.memory_space<hbm>> -> memref<128x128xf32, #tpu.memory_space<hbm>>
      tpu.wait_dma2 semaphore(%arg15 : memref<!tpu.dma_semaphore, #tpu.memory_space<semaphore_mem>>) src(%dma_wait3A_272 : memref<128x128xf32, #tpu.memory_space<hbm>>) dst(%arg11 : memref<128x128xf32, #tpu.memory_space<vmem>>)
      %add3A_273 = arith.constant 5 : i32
      %add3A_274 = arith.addi %mul3A_93, %add3A_273 : i32
      %add3A_275 = arith.constant 1 : i32
      %add3A_276 = arith.addi %add3A_274, %add3A_275 : i32
      %dma_start3A_277 = arith.constant 0 : i32
      %dma_start3A_278 = tpu.memref_slice %arg9[%add3A_276, %dma_start3A_277] : memref<16x128xi32, #tpu.memory_space<vmem>> -> memref<1x128xi32, #tpu.memory_space<vmem>>
      %dma_start3A_279 = tpu.memref_squeeze %dma_start3A_278 : memref<1x128xi32, #tpu.memory_space<vmem>> -> memref<128xi32, #tpu.memory_space<vmem>>
      %dma_start3A_280 = arith.constant 0 : i32
      %dma_start3A_281 = arith.constant 0 : i32
      %dma_start3A_282 = tpu.memref_slice %arg2[%dma_start3A_280, %dma_start3A_281] : memref<10000x128xf32, #tpu.memory_space<hbm>> -> memref<10000x128xf32, #tpu.memory_space<hbm>>
      tpu.enqueue_indirect_dma source(%dma_start3A_282 : memref<10000x128xf32, #tpu.memory_space<hbm>>) target(%arg11 : memref<128x128xf32, #tpu.memory_space<vmem>>) offsets(%dma_start3A_279 : memref<128xi32, #tpu.memory_space<vmem>>) semaphore(%arg13 : memref<!tpu.dma_semaphore, #tpu.memory_space<semaphore_mem>>)
      %dma_wait3A_283 = arith.constant 0 : i32
      %dma_wait3A_284 = arith.constant 0 : i32
      %dma_wait3A_285 = tpu.memref_slice %arg2[%dma_wait3A_283, %dma_wait3A_284] : memref<10000x128xf32, #tpu.memory_space<hbm>> -> memref<128x128xf32, #tpu.memory_space<hbm>>
      %dma_wait3A_286 = arith.constant 0 : i32
      %dma_wait3A_287 = arith.constant 0 : i32
      %dma_wait3A_288 = tpu.memref_slice %arg2[%dma_wait3A_286, %dma_wait3A_287] : memref<10000x128xf32, #tpu.memory_space<hbm>> -> memref<128x128xf32, #tpu.memory_space<hbm>>
      tpu.wait_dma2 semaphore(%arg14 : memref<!tpu.dma_semaphore, #tpu.memory_space<semaphore_mem>>) src(%dma_wait3A_288 : memref<128x128xf32, #tpu.memory_space<hbm>>) dst(%arg12 : memref<128x128xf32, #tpu.memory_space<vmem>>)
      %add3A_289 = arith.constant 5 : i32
      %add3A_290 = arith.addi %mul3A_93, %add3A_289 : i32
      %dma_start3A_291 = arith.constant 0 : i32
      %dma_start3A_292 = tpu.memref_slice %arg10[%add3A_290, %dma_start3A_291] : memref<16x128xi32, #tpu.memory_space<vmem>> -> memref<1x128xi32, #tpu.memory_space<vmem>>
      %dma_start3A_293 = tpu.memref_squeeze %dma_start3A_292 : memref<1x128xi32, #tpu.memory_space<vmem>> -> memref<128xi32, #tpu.memory_space<vmem>>
      %dma_start3A_294 = arith.constant 0 : i32
      %dma_start3A_295 = arith.constant 0 : i32
      %dma_start3A_296 = tpu.memref_slice %arg18[%dma_start3A_294, %dma_start3A_295] : memref<10240x128xf32, #tpu.memory_space<vmem_shared>> -> memref<10240x128xf32, #tpu.memory_space<vmem_shared>>
      tpu.enqueue_indirect_dma source(%arg12 : memref<128x128xf32, #tpu.memory_space<vmem>>) target(%dma_start3A_296 : memref<10240x128xf32, #tpu.memory_space<vmem_shared>>) offsets(%dma_start3A_293 : memref<128xi32, #tpu.memory_space<vmem>>) semaphore(%arg16 : memref<!tpu.dma_semaphore, #tpu.memory_space<semaphore_mem>>) {add = true}
      %dma_wait3A_297 = arith.constant 0 : i32
      %dma_wait3A_298 = arith.constant 0 : i32
      %dma_wait3A_299 = tpu.memref_slice %arg2[%dma_wait3A_297, %dma_wait3A_298] : memref<10000x128xf32, #tpu.memory_space<hbm>> -> memref<128x128xf32, #tpu.memory_space<hbm>>
      %dma_wait3A_300 = arith.constant 0 : i32
      %dma_wait3A_301 = arith.constant 0 : i32
      %dma_wait3A_302 = tpu.memref_slice %arg2[%dma_wait3A_300, %dma_wait3A_301] : memref<10000x128xf32, #tpu.memory_space<hbm>> -> memref<128x128xf32, #tpu.memory_space<hbm>>
      tpu.wait_dma2 semaphore(%arg16 : memref<!tpu.dma_semaphore, #tpu.memory_space<semaphore_mem>>) src(%dma_wait3A_302 : memref<128x128xf32, #tpu.memory_space<hbm>>) dst(%arg12 : memref<128x128xf32, #tpu.memory_space<vmem>>)
      %add3A_303 = arith.constant 6 : i32
      %add3A_304 = arith.addi %mul3A_93, %add3A_303 : i32
      %add3A_305 = arith.constant 1 : i32
      %add3A_306 = arith.addi %add3A_304, %add3A_305 : i32
      %dma_start3A_307 = arith.constant 0 : i32
      %dma_start3A_308 = tpu.memref_slice %arg9[%add3A_306, %dma_start3A_307] : memref<16x128xi32, #tpu.memory_space<vmem>> -> memref<1x128xi32, #tpu.memory_space<vmem>>
      %dma_start3A_309 = tpu.memref_squeeze %dma_start3A_308 : memref<1x128xi32, #tpu.memory_space<vmem>> -> memref<128xi32, #tpu.memory_space<vmem>>
      %dma_start3A_310 = arith.constant 0 : i32
      %dma_start3A_311 = arith.constant 0 : i32
      %dma_start3A_312 = tpu.memref_slice %arg2[%dma_start3A_310, %dma_start3A_311] : memref<10000x128xf32, #tpu.memory_space<hbm>> -> memref<10000x128xf32, #tpu.memory_space<hbm>>
      tpu.enqueue_indirect_dma source(%dma_start3A_312 : memref<10000x128xf32, #tpu.memory_space<hbm>>) target(%arg12 : memref<128x128xf32, #tpu.memory_space<vmem>>) offsets(%dma_start3A_309 : memref<128xi32, #tpu.memory_space<vmem>>) semaphore(%arg14 : memref<!tpu.dma_semaphore, #tpu.memory_space<semaphore_mem>>)
      %dma_wait3A_313 = arith.constant 0 : i32
      %dma_wait3A_314 = arith.constant 0 : i32
      %dma_wait3A_315 = tpu.memref_slice %arg2[%dma_wait3A_313, %dma_wait3A_314] : memref<10000x128xf32, #tpu.memory_space<hbm>> -> memref<128x128xf32, #tpu.memory_space<hbm>>
      %dma_wait3A_316 = arith.constant 0 : i32
      %dma_wait3A_317 = arith.constant 0 : i32
      %dma_wait3A_318 = tpu.memref_slice %arg2[%dma_wait3A_316, %dma_wait3A_317] : memref<10000x128xf32, #tpu.memory_space<hbm>> -> memref<128x128xf32, #tpu.memory_space<hbm>>
      tpu.wait_dma2 semaphore(%arg13 : memref<!tpu.dma_semaphore, #tpu.memory_space<semaphore_mem>>) src(%dma_wait3A_318 : memref<128x128xf32, #tpu.memory_space<hbm>>) dst(%arg11 : memref<128x128xf32, #tpu.memory_space<vmem>>)
      %add3A_319 = arith.constant 6 : i32
      %add3A_320 = arith.addi %mul3A_93, %add3A_319 : i32
      %dma_start3A_321 = arith.constant 0 : i32
      %dma_start3A_322 = tpu.memref_slice %arg10[%add3A_320, %dma_start3A_321] : memref<16x128xi32, #tpu.memory_space<vmem>> -> memref<1x128xi32, #tpu.memory_space<vmem>>
      %dma_start3A_323 = tpu.memref_squeeze %dma_start3A_322 : memref<1x128xi32, #tpu.memory_space<vmem>> -> memref<128xi32, #tpu.memory_space<vmem>>
      %dma_start3A_324 = arith.constant 0 : i32
      %dma_start3A_325 = arith.constant 0 : i32
      %dma_start3A_326 = tpu.memref_slice %arg18[%dma_start3A_324, %dma_start3A_325] : memref<10240x128xf32, #tpu.memory_space<vmem_shared>> -> memref<10240x128xf32, #tpu.memory_space<vmem_shared>>
      tpu.enqueue_indirect_dma source(%arg11 : memref<128x128xf32, #tpu.memory_space<vmem>>) target(%dma_start3A_326 : memref<10240x128xf32, #tpu.memory_space<vmem_shared>>) offsets(%dma_start3A_323 : memref<128xi32, #tpu.memory_space<vmem>>) semaphore(%arg15 : memref<!tpu.dma_semaphore, #tpu.memory_space<semaphore_mem>>) {add = true}
      %dma_wait3A_327 = arith.constant 0 : i32
      %dma_wait3A_328 = arith.constant 0 : i32
      %dma_wait3A_329 = tpu.memref_slice %arg2[%dma_wait3A_327, %dma_wait3A_328] : memref<10000x128xf32, #tpu.memory_space<hbm>> -> memref<128x128xf32, #tpu.memory_space<hbm>>
      %dma_wait3A_330 = arith.constant 0 : i32
      %dma_wait3A_331 = arith.constant 0 : i32
      %dma_wait3A_332 = tpu.memref_slice %arg2[%dma_wait3A_330, %dma_wait3A_331] : memref<10000x128xf32, #tpu.memory_space<hbm>> -> memref<128x128xf32, #tpu.memory_space<hbm>>
      tpu.wait_dma2 semaphore(%arg15 : memref<!tpu.dma_semaphore, #tpu.memory_space<semaphore_mem>>) src(%dma_wait3A_332 : memref<128x128xf32, #tpu.memory_space<hbm>>) dst(%arg11 : memref<128x128xf32, #tpu.memory_space<vmem>>)
      %add3A_333 = arith.constant 1 : i32
      %add3A_334 = arith.addi %scan3A_82, %add3A_333 : i32
      %lt3A_335 = arith.constant 10 : i32
      %lt3A_336 = arith.cmpi slt, %add3A_334, %lt3A_335 : i32
      %convert_element_type3A_337 = arith.extui %lt3A_336 : i1 to i32
      %cond3A_338 = arith.constant 0 : i32
      %cond3A_339 = arith.cmpi ne, %convert_element_type3A_337, %cond3A_338 : i32
      scf.if %cond3A_339 {
        %add3A_360 = arith.constant 1 : i32
        %add3A_361 = arith.addi %scan3A_82, %add3A_360 : i32
        %mul3A_362 = arith.constant 8 : i32
        %mul3A_363 = arith.muli %add3A_361, %mul3A_362 : i32
        %dma_wait3A_364 = arith.constant 0 : i32
        %dma_wait3A_365 = tpu.memref_slice %arg10[%mul3A_113, %dma_wait3A_364] : memref<16x128xi32, #tpu.memory_space<vmem>> -> memref<8x128xi32, #tpu.memory_space<vmem>>
        %dma_wait3A_366 = arith.constant 0 : i32
        %dma_wait3A_367 = tpu.memref_slice %arg5[%add3A, %mul3A_363, %dma_wait3A_366] : memref<32x80x128xi32, #tpu.memory_space<hbm>> -> memref<1x8x128xi32, #tpu.memory_space<hbm>>
        %dma_wait3A_368 = tpu.memref_squeeze %dma_wait3A_367 : memref<1x8x128xi32, #tpu.memory_space<hbm>> -> memref<8x128xi32, #tpu.memory_space<hbm>>
        %dma_wait3A_369 = arith.constant 0 : i32
        %dma_wait3A_370 = tpu.memref_slice %arg10[%mul3A_113, %dma_wait3A_369] : memref<16x128xi32, #tpu.memory_space<vmem>> -> memref<8x128xi32, #tpu.memory_space<vmem>>
        %dma_wait3A_371 = arith.constant 0 : i32
        %dma_wait3A_372 = tpu.memref_slice %arg5[%add3A, %mul3A_363, %dma_wait3A_371] : memref<32x80x128xi32, #tpu.memory_space<hbm>> -> memref<1x8x128xi32, #tpu.memory_space<hbm>>
        %dma_wait3A_373 = tpu.memref_squeeze %dma_wait3A_372 : memref<1x8x128xi32, #tpu.memory_space<hbm>> -> memref<8x128xi32, #tpu.memory_space<hbm>>
        tpu.wait_dma2 semaphore(%arg17 : memref<!tpu.dma_semaphore, #tpu.memory_space<semaphore_mem>>) src(%dma_wait3A_373 : memref<8x128xi32, #tpu.memory_space<hbm>>) dst(%dma_wait3A_370 : memref<8x128xi32, #tpu.memory_space<vmem>>)
        %add3A_374 = arith.constant 1 : i32
        %add3A_375 = arith.addi %scan3A_82, %add3A_374 : i32
        %mul3A_376 = arith.constant 8 : i32
        %mul3A_377 = arith.muli %add3A_375, %mul3A_376 : i32
        %dma_wait3A_378 = arith.constant 0 : i32
        %dma_wait3A_379 = tpu.memref_slice %arg9[%mul3A_113, %dma_wait3A_378] : memref<16x128xi32, #tpu.memory_space<vmem>> -> memref<8x128xi32, #tpu.memory_space<vmem>>
        %dma_wait3A_380 = arith.constant 0 : i32
        %dma_wait3A_381 = tpu.memref_slice %arg4[%add3A, %mul3A_377, %dma_wait3A_380] : memref<32x80x128xi32, #tpu.memory_space<hbm>> -> memref<1x8x128xi32, #tpu.memory_space<hbm>>
        %dma_wait3A_382 = tpu.memref_squeeze %dma_wait3A_381 : memref<1x8x128xi32, #tpu.memory_space<hbm>> -> memref<8x128xi32, #tpu.memory_space<hbm>>
        %dma_wait3A_383 = arith.constant 0 : i32
        %dma_wait3A_384 = tpu.memref_slice %arg9[%mul3A_113, %dma_wait3A_383] : memref<16x128xi32, #tpu.memory_space<vmem>> -> memref<8x128xi32, #tpu.memory_space<vmem>>
        %dma_wait3A_385 = arith.constant 0 : i32
        %dma_wait3A_386 = tpu.memref_slice %arg4[%add3A, %mul3A_377, %dma_wait3A_385] : memref<32x80x128xi32, #tpu.memory_space<hbm>> -> memref<1x8x128xi32, #tpu.memory_space<hbm>>
        %dma_wait3A_387 = tpu.memref_squeeze %dma_wait3A_386 : memref<1x8x128xi32, #tpu.memory_space<hbm>> -> memref<8x128xi32, #tpu.memory_space<hbm>>
        tpu.wait_dma2 semaphore(%arg17 : memref<!tpu.dma_semaphore, #tpu.memory_space<semaphore_mem>>) src(%dma_wait3A_387 : memref<8x128xi32, #tpu.memory_space<hbm>>) dst(%dma_wait3A_384 : memref<8x128xi32, #tpu.memory_space<vmem>>)
      } else {
      }
      %dma_start3A_340 = arith.constant 0 : i32
      %dma_start3A_341 = tpu.memref_slice %arg9[%mul3A_113, %dma_start3A_340] : memref<16x128xi32, #tpu.memory_space<vmem>> -> memref<1x128xi32, #tpu.memory_space<vmem>>
      %dma_start3A_342 = tpu.memref_squeeze %dma_start3A_341 : memref<1x128xi32, #tpu.memory_space<vmem>> -> memref<128xi32, #tpu.memory_space<vmem>>
      %dma_start3A_343 = arith.constant 0 : i32
      %dma_start3A_344 = arith.constant 0 : i32
      %dma_start3A_345 = tpu.memref_slice %arg2[%dma_start3A_343, %dma_start3A_344] : memref<10000x128xf32, #tpu.memory_space<hbm>> -> memref<10000x128xf32, #tpu.memory_space<hbm>>
      tpu.enqueue_indirect_dma source(%dma_start3A_345 : memref<10000x128xf32, #tpu.memory_space<hbm>>) target(%arg11 : memref<128x128xf32, #tpu.memory_space<vmem>>) offsets(%dma_start3A_342 : memref<128xi32, #tpu.memory_space<vmem>>) semaphore(%arg13 : memref<!tpu.dma_semaphore, #tpu.memory_space<semaphore_mem>>)
      %dma_wait3A_346 = arith.constant 0 : i32
      %dma_wait3A_347 = arith.constant 0 : i32
      %dma_wait3A_348 = tpu.memref_slice %arg2[%dma_wait3A_346, %dma_wait3A_347] : memref<10000x128xf32, #tpu.memory_space<hbm>> -> memref<128x128xf32, #tpu.memory_space<hbm>>
      %dma_wait3A_349 = arith.constant 0 : i32
      %dma_wait3A_350 = arith.constant 0 : i32
      %dma_wait3A_351 = tpu.memref_slice %arg2[%dma_wait3A_349, %dma_wait3A_350] : memref<10000x128xf32, #tpu.memory_space<hbm>> -> memref<128x128xf32, #tpu.memory_space<hbm>>
      tpu.wait_dma2 semaphore(%arg14 : memref<!tpu.dma_semaphore, #tpu.memory_space<semaphore_mem>>) src(%dma_wait3A_351 : memref<128x128xf32, #tpu.memory_space<hbm>>) dst(%arg12 : memref<128x128xf32, #tpu.memory_space<vmem>>)
      %add3A_352 = arith.constant 7 : i32
      %add3A_353 = arith.addi %mul3A_93, %add3A_352 : i32
      %dma_start3A_354 = arith.constant 0 : i32
      %dma_start3A_355 = tpu.memref_slice %arg10[%add3A_353, %dma_start3A_354] : memref<16x128xi32, #tpu.memory_space<vmem>> -> memref<1x128xi32, #tpu.memory_space<vmem>>
      %dma_start3A_356 = tpu.memref_squeeze %dma_start3A_355 : memref<1x128xi32, #tpu.memory_space<vmem>> -> memref<128xi32, #tpu.memory_space<vmem>>
      %dma_start3A_357 = arith.constant 0 : i32
      %dma_start3A_358 = arith.constant 0 : i32
      %dma_start3A_359 = tpu.memref_slice %arg18[%dma_start3A_357, %dma_start3A_358] : memref<10240x128xf32, #tpu.memory_space<vmem_shared>> -> memref<10240x128xf32, #tpu.memory_space<vmem_shared>>
      tpu.enqueue_indirect_dma source(%arg12 : memref<128x128xf32, #tpu.memory_space<vmem>>) target(%dma_start3A_359 : memref<10240x128xf32, #tpu.memory_space<vmem_shared>>) offsets(%dma_start3A_356 : memref<128xi32, #tpu.memory_space<vmem>>) semaphore(%arg16 : memref<!tpu.dma_semaphore, #tpu.memory_space<semaphore_mem>>) {add = true}
    }
    %scan3A_68 = arith.constant 10 : i32
    %dma_wait3A_69 = arith.constant 0 : i32
    %dma_wait3A_70 = arith.constant 0 : i32
    %dma_wait3A_71 = tpu.memref_slice %arg2[%dma_wait3A_69, %dma_wait3A_70] : memref<10000x128xf32, #tpu.memory_space<hbm>> -> memref<128x128xf32, #tpu.memory_space<hbm>>
    %dma_wait3A_72 = arith.constant 0 : i32
    %dma_wait3A_73 = arith.constant 0 : i32
    %dma_wait3A_74 = tpu.memref_slice %arg2[%dma_wait3A_72, %dma_wait3A_73] : memref<10000x128xf32, #tpu.memory_space<hbm>> -> memref<128x128xf32, #tpu.memory_space<hbm>>
    tpu.wait_dma2 semaphore(%arg13 : memref<!tpu.dma_semaphore, #tpu.memory_space<semaphore_mem>>) src(%dma_wait3A_74 : memref<128x128xf32, #tpu.memory_space<hbm>>) dst(%arg11 : memref<128x128xf32, #tpu.memory_space<vmem>>)
    %dma_wait3A_75 = arith.constant 0 : i32
    %dma_wait3A_76 = arith.constant 0 : i32
    %dma_wait3A_77 = tpu.memref_slice %arg2[%dma_wait3A_75, %dma_wait3A_76] : memref<10000x128xf32, #tpu.memory_space<hbm>> -> memref<128x128xf32, #tpu.memory_space<hbm>>
    %dma_wait3A_78 = arith.constant 0 : i32
    %dma_wait3A_79 = arith.constant 0 : i32
    %dma_wait3A_80 = tpu.memref_slice %arg2[%dma_wait3A_78, %dma_wait3A_79] : memref<10000x128xf32, #tpu.memory_space<hbm>> -> memref<128x128xf32, #tpu.memory_space<hbm>>
    tpu.wait_dma2 semaphore(%arg16 : memref<!tpu.dma_semaphore, #tpu.memory_space<semaphore_mem>>) src(%dma_wait3A_80 : memref<128x128xf32, #tpu.memory_space<hbm>>) dst(%arg12 : memref<128x128xf32, #tpu.memory_space<vmem>>)
    %barrier3A_81 = arith.constant 0 : index
    tpu.barrier barrier_id(%barrier3A_81)
    "tpu.region"() ({
      %run_scoped3A = tpu.sem_alloc : memref<!tpu.dma_semaphore, #tpu.memory_space<semaphore_mem>>
      %dma_start3A_82 = arith.constant 0 : i32
      %dma_start3A_83 = tpu.memref_slice %arg7[%arg0, %mul3A_2, %dma_start3A_82] : memref<2x10240x128xf32, #tpu.memory_space<hbm>> -> memref<1x640x128xf32, #tpu.memory_space<hbm>>
      %dma_start3A_84 = tpu.memref_squeeze %dma_start3A_83 : memref<1x640x128xf32, #tpu.memory_space<hbm>> -> memref<640x128xf32, #tpu.memory_space<hbm>>
      %dma_start3A_85 = arith.constant 0 : i32
      %dma_start3A_86 = tpu.memref_slice %arg18[%mul3A_2, %dma_start3A_85] : memref<10240x128xf32, #tpu.memory_space<vmem_shared>> -> memref<640x128xf32, #tpu.memory_space<vmem_shared>>
      tpu.enqueue_dma source(%dma_start3A_86 : memref<640x128xf32, #tpu.memory_space<vmem_shared>>) target(%dma_start3A_84 : memref<640x128xf32, #tpu.memory_space<hbm>>) target_semaphore(%run_scoped3A : memref<!tpu.dma_semaphore, #tpu.memory_space<semaphore_mem>>)
      %dma_wait3A_87 = arith.constant 0 : i32
      %dma_wait3A_88 = tpu.memref_slice %arg7[%arg0, %mul3A_2, %dma_wait3A_87] : memref<2x10240x128xf32, #tpu.memory_space<hbm>> -> memref<1x640x128xf32, #tpu.memory_space<hbm>>
      %dma_wait3A_89 = tpu.memref_squeeze %dma_wait3A_88 : memref<1x640x128xf32, #tpu.memory_space<hbm>> -> memref<640x128xf32, #tpu.memory_space<hbm>>
      %dma_wait3A_90 = arith.constant 0 : i32
      %dma_wait3A_91 = tpu.memref_slice %arg18[%mul3A_2, %dma_wait3A_90] : memref<10240x128xf32, #tpu.memory_space<vmem_shared>> -> memref<640x128xf32, #tpu.memory_space<vmem_shared>>
      tpu.wait_dma2 semaphore(%run_scoped3A : memref<!tpu.dma_semaphore, #tpu.memory_space<semaphore_mem>>) src(%dma_wait3A_91 : memref<640x128xf32, #tpu.memory_space<vmem_shared>>) dst(%dma_wait3A_89 : memref<640x128xf32, #tpu.memory_space<hbm>>)
      tpu.yield
    }) : () -> ()
    return
  }
}

#map = affine_map<(d0, d1) -> (0, 0)>
#map1 = affine_map<(d0, d1) -> (0, 0, 0)>
module attributes {stable_mosaic.version = 14 : i64} {
  func.func @body(%arg0: i32, %arg1: i32, %arg2: memref<10000x128xf32, #tpu.memory_space<hbm>>, %arg3: memref<32x80x128xi32, #tpu.memory_space<hbm>>, %arg4: memref<32x80x128xi32, #tpu.memory_space<hbm>>, %arg5: memref<640x128xf32, #tpu.memory_space<hbm>>, %arg6: memref<2x10240x128xf32, #tpu.memory_space<hbm>>, %arg7: memref<16x128xi32, #tpu.memory_space<vmem>>, %arg8: memref<16x128xi32, #tpu.memory_space<vmem>>, %arg9: memref<128x128xf32, #tpu.memory_space<vmem>>, %arg10: memref<128x128xf32, #tpu.memory_space<vmem>>, %arg11: memref<!tpu.dma_semaphore, #tpu.memory_space<semaphore_mem>>, %arg12: memref<!tpu.dma_semaphore, #tpu.memory_space<semaphore_mem>>, %arg13: memref<!tpu.dma_semaphore, #tpu.memory_space<semaphore_mem>>, %arg14: memref<!tpu.dma_semaphore, #tpu.memory_space<semaphore_mem>>, %arg15: memref<!tpu.dma_semaphore, #tpu.memory_space<semaphore_mem>>, %arg16: memref<10240x128xf32, #tpu.memory_space<vmem_shared>>) attributes {dimension_semantics = [#tpu.dimension_semantics<core_parallel>, #tpu.dimension_semantics<subcore_parallel>], iteration_bounds = array<i64: 2, 16>, scalar_prefetch = 0 : i64, scratch_operands = 10 : i64, tpu.core_type = #tpu.core_type<sc_vector_subcore>, window_params = [{transform_indices = #map}, {transform_indices = #map1}, {transform_indices = #map1}, {transform_indices = #map}, {transform_indices = #map1}]} {
    %mul3A = arith.constant 16 : i32
    %mul3A_0 = arith.muli %arg0, %mul3A : i32
    %add3A = arith.addi %mul3A_0, %arg1 : i32
    %mul3A_1 = arith.constant 640 : i32
    %mul3A_2 = arith.muli %arg1, %mul3A_1 : i32
    "tpu.region"() ({
      %run_scoped3A = tpu.sem_alloc : memref<!tpu.dma_semaphore, #tpu.memory_space<semaphore_mem>>
      %dma_start3A_26 = arith.constant 0 : i32
      %dma_start3A_27 = tpu.memref_slice %arg16[%mul3A_2, %dma_start3A_26] : memref<10240x128xf32, #tpu.memory_space<vmem_shared>> -> memref<640x128xf32, #tpu.memory_space<vmem_shared>>
      tpu.enqueue_dma source(%arg5 : memref<640x128xf32, #tpu.memory_space<hbm>>) target(%dma_start3A_27 : memref<640x128xf32, #tpu.memory_space<vmem_shared>>) target_semaphore(%run_scoped3A : memref<!tpu.dma_semaphore, #tpu.memory_space<semaphore_mem>>)
      %dma_wait3A_28 = arith.constant 0 : i32
      %dma_wait3A_29 = tpu.memref_slice %arg16[%mul3A_2, %dma_wait3A_28] : memref<10240x128xf32, #tpu.memory_space<vmem_shared>> -> memref<640x128xf32, #tpu.memory_space<vmem_shared>>
      tpu.wait_dma2 semaphore(%run_scoped3A : memref<!tpu.dma_semaphore, #tpu.memory_space<semaphore_mem>>) src(%arg5 : memref<640x128xf32, #tpu.memory_space<hbm>>) dst(%dma_wait3A_29 : memref<640x128xf32, #tpu.memory_space<vmem_shared>>)
      tpu.yield
    }) : () -> ()
    %barrier3A = arith.constant 0 : index
    tpu.barrier barrier_id(%barrier3A)
    "tpu.region"() ({
      %run_scoped3A = tpu.sem_alloc : memref<!tpu.dma_semaphore, #tpu.memory_space<semaphore_mem>>
      %dma_start3A_26 = arith.constant 0 : i32
      %dma_start3A_27 = arith.constant 0 : i32
      %dma_start3A_28 = tpu.memref_slice %arg8[%dma_start3A_26, %dma_start3A_27] : memref<16x128xi32, #tpu.memory_space<vmem>> -> memref<8x128xi32, #tpu.memory_space<vmem>>
      %dma_start3A_29 = arith.constant 0 : i32
      %dma_start3A_30 = arith.constant 0 : i32
      %dma_start3A_31 = tpu.memref_slice %arg4[%add3A, %dma_start3A_29, %dma_start3A_30] : memref<32x80x128xi32, #tpu.memory_space<hbm>> -> memref<1x8x128xi32, #tpu.memory_space<hbm>>
      %dma_start3A_32 = tpu.memref_squeeze %dma_start3A_31 : memref<1x8x128xi32, #tpu.memory_space<hbm>> -> memref<8x128xi32, #tpu.memory_space<hbm>>
      %dma_start3A_33 = arith.constant 0 : i32
      %dma_start3A_34 = arith.constant 0 : i32
      %dma_start3A_35 = tpu.memref_slice %arg8[%dma_start3A_33, %dma_start3A_34] : memref<16x128xi32, #tpu.memory_space<vmem>> -> memref<8x128xi32, #tpu.memory_space<vmem>>
      %dma_start3A_36 = arith.constant 0 : i32
      %dma_start3A_37 = arith.constant 0 : i32
      %dma_start3A_38 = tpu.memref_slice %arg4[%add3A, %dma_start3A_36, %dma_start3A_37] : memref<32x80x128xi32, #tpu.memory_space<hbm>> -> memref<1x8x128xi32, #tpu.memory_space<hbm>>
      %dma_start3A_39 = tpu.memref_squeeze %dma_start3A_38 : memref<1x8x128xi32, #tpu.memory_space<hbm>> -> memref<8x128xi32, #tpu.memory_space<hbm>>
      tpu.enqueue_dma source(%dma_start3A_39 : memref<8x128xi32, #tpu.memory_space<hbm>>) target(%dma_start3A_35 : memref<8x128xi32, #tpu.memory_space<vmem>>) target_semaphore(%run_scoped3A : memref<!tpu.dma_semaphore, #tpu.memory_space<semaphore_mem>>)
      %dma_wait3A_40 = arith.constant 0 : i32
      %dma_wait3A_41 = arith.constant 0 : i32
      %dma_wait3A_42 = tpu.memref_slice %arg8[%dma_wait3A_40, %dma_wait3A_41] : memref<16x128xi32, #tpu.memory_space<vmem>> -> memref<8x128xi32, #tpu.memory_space<vmem>>
      %dma_wait3A_43 = arith.constant 0 : i32
      %dma_wait3A_44 = arith.constant 0 : i32
      %dma_wait3A_45 = tpu.memref_slice %arg4[%add3A, %dma_wait3A_43, %dma_wait3A_44] : memref<32x80x128xi32, #tpu.memory_space<hbm>> -> memref<1x8x128xi32, #tpu.memory_space<hbm>>
      %dma_wait3A_46 = tpu.memref_squeeze %dma_wait3A_45 : memref<1x8x128xi32, #tpu.memory_space<hbm>> -> memref<8x128xi32, #tpu.memory_space<hbm>>
      %dma_wait3A_47 = arith.constant 0 : i32
      %dma_wait3A_48 = arith.constant 0 : i32
      %dma_wait3A_49 = tpu.memref_slice %arg8[%dma_wait3A_47, %dma_wait3A_48] : memref<16x128xi32, #tpu.memory_space<vmem>> -> memref<8x128xi32, #tpu.memory_space<vmem>>
      %dma_wait3A_50 = arith.constant 0 : i32
      %dma_wait3A_51 = arith.constant 0 : i32
      %dma_wait3A_52 = tpu.memref_slice %arg4[%add3A, %dma_wait3A_50, %dma_wait3A_51] : memref<32x80x128xi32, #tpu.memory_space<hbm>> -> memref<1x8x128xi32, #tpu.memory_space<hbm>>
      %dma_wait3A_53 = tpu.memref_squeeze %dma_wait3A_52 : memref<1x8x128xi32, #tpu.memory_space<hbm>> -> memref<8x128xi32, #tpu.memory_space<hbm>>
      tpu.wait_dma2 semaphore(%run_scoped3A : memref<!tpu.dma_semaphore, #tpu.memory_space<semaphore_mem>>) src(%dma_wait3A_53 : memref<8x128xi32, #tpu.memory_space<hbm>>) dst(%dma_wait3A_49 : memref<8x128xi32, #tpu.memory_space<vmem>>)
      tpu.yield
    }) : () -> ()
    "tpu.region"() ({
      %run_scoped3A = tpu.sem_alloc : memref<!tpu.dma_semaphore, #tpu.memory_space<semaphore_mem>>
      %dma_start3A_26 = arith.constant 0 : i32
      %dma_start3A_27 = arith.constant 0 : i32
      %dma_start3A_28 = tpu.memref_slice %arg7[%dma_start3A_26, %dma_start3A_27] : memref<16x128xi32, #tpu.memory_space<vmem>> -> memref<8x128xi32, #tpu.memory_space<vmem>>
      %dma_start3A_29 = arith.constant 0 : i32
      %dma_start3A_30 = arith.constant 0 : i32
      %dma_start3A_31 = tpu.memref_slice %arg3[%add3A, %dma_start3A_29, %dma_start3A_30] : memref<32x80x128xi32, #tpu.memory_space<hbm>> -> memref<1x8x128xi32, #tpu.memory_space<hbm>>
      %dma_start3A_32 = tpu.memref_squeeze %dma_start3A_31 : memref<1x8x128xi32, #tpu.memory_space<hbm>> -> memref<8x128xi32, #tpu.memory_space<hbm>>
      %dma_start3A_33 = arith.constant 0 : i32
      %dma_start3A_34 = arith.constant 0 : i32
      %dma_start3A_35 = tpu.memref_slice %arg7[%dma_start3A_33, %dma_start3A_34] : memref<16x128xi32, #tpu.memory_space<vmem>> -> memref<8x128xi32, #tpu.memory_space<vmem>>
      %dma_start3A_36 = arith.constant 0 : i32
      %dma_start3A_37 = arith.constant 0 : i32
      %dma_start3A_38 = tpu.memref_slice %arg3[%add3A, %dma_start3A_36, %dma_start3A_37] : memref<32x80x128xi32, #tpu.memory_space<hbm>> -> memref<1x8x128xi32, #tpu.memory_space<hbm>>
      %dma_start3A_39 = tpu.memref_squeeze %dma_start3A_38 : memref<1x8x128xi32, #tpu.memory_space<hbm>> -> memref<8x128xi32, #tpu.memory_space<hbm>>
      tpu.enqueue_dma source(%dma_start3A_39 : memref<8x128xi32, #tpu.memory_space<hbm>>) target(%dma_start3A_35 : memref<8x128xi32, #tpu.memory_space<vmem>>) target_semaphore(%run_scoped3A : memref<!tpu.dma_semaphore, #tpu.memory_space<semaphore_mem>>)
      %dma_wait3A_40 = arith.constant 0 : i32
      %dma_wait3A_41 = arith.constant 0 : i32
      %dma_wait3A_42 = tpu.memref_slice %arg7[%dma_wait3A_40, %dma_wait3A_41] : memref<16x128xi32, #tpu.memory_space<vmem>> -> memref<8x128xi32, #tpu.memory_space<vmem>>
      %dma_wait3A_43 = arith.constant 0 : i32
      %dma_wait3A_44 = arith.constant 0 : i32
      %dma_wait3A_45 = tpu.memref_slice %arg3[%add3A, %dma_wait3A_43, %dma_wait3A_44] : memref<32x80x128xi32, #tpu.memory_space<hbm>> -> memref<1x8x128xi32, #tpu.memory_space<hbm>>
      %dma_wait3A_46 = tpu.memref_squeeze %dma_wait3A_45 : memref<1x8x128xi32, #tpu.memory_space<hbm>> -> memref<8x128xi32, #tpu.memory_space<hbm>>
      %dma_wait3A_47 = arith.constant 0 : i32
      %dma_wait3A_48 = arith.constant 0 : i32
      %dma_wait3A_49 = tpu.memref_slice %arg7[%dma_wait3A_47, %dma_wait3A_48] : memref<16x128xi32, #tpu.memory_space<vmem>> -> memref<8x128xi32, #tpu.memory_space<vmem>>
      %dma_wait3A_50 = arith.constant 0 : i32
      %dma_wait3A_51 = arith.constant 0 : i32
      %dma_wait3A_52 = tpu.memref_slice %arg3[%add3A, %dma_wait3A_50, %dma_wait3A_51] : memref<32x80x128xi32, #tpu.memory_space<hbm>> -> memref<1x8x128xi32, #tpu.memory_space<hbm>>
      %dma_wait3A_53 = tpu.memref_squeeze %dma_wait3A_52 : memref<1x8x128xi32, #tpu.memory_space<hbm>> -> memref<8x128xi32, #tpu.memory_space<hbm>>
      tpu.wait_dma2 semaphore(%run_scoped3A : memref<!tpu.dma_semaphore, #tpu.memory_space<semaphore_mem>>) src(%dma_wait3A_53 : memref<8x128xi32, #tpu.memory_space<hbm>>) dst(%dma_wait3A_49 : memref<8x128xi32, #tpu.memory_space<vmem>>)
      tpu.yield
    }) : () -> ()
    %dma_start3A = arith.constant 0 : i32
    %dma_start3A_3 = arith.constant 0 : i32
    %dma_start3A_4 = tpu.memref_slice %arg7[%dma_start3A, %dma_start3A_3] : memref<16x128xi32, #tpu.memory_space<vmem>> -> memref<1x128xi32, #tpu.memory_space<vmem>>
    %dma_start3A_5 = tpu.memref_squeeze %dma_start3A_4 : memref<1x128xi32, #tpu.memory_space<vmem>> -> memref<128xi32, #tpu.memory_space<vmem>>
    %dma_start3A_6 = arith.constant 0 : i32
    %dma_start3A_7 = arith.constant 0 : i32
    %dma_start3A_8 = tpu.memref_slice %arg2[%dma_start3A_6, %dma_start3A_7] : memref<10000x128xf32, #tpu.memory_space<hbm>> -> memref<10000x128xf32, #tpu.memory_space<hbm>>
    tpu.enqueue_indirect_dma source(%dma_start3A_8 : memref<10000x128xf32, #tpu.memory_space<hbm>>) target(%arg9 : memref<128x128xf32, #tpu.memory_space<vmem>>) offsets(%dma_start3A_5 : memref<128xi32, #tpu.memory_space<vmem>>) semaphore(%arg11 : memref<!tpu.dma_semaphore, #tpu.memory_space<semaphore_mem>>)
    %scan3A = arith.constant 0 : i32
    %scan3A_9 = arith.constant 0 : i32
    %scan3A_10 = arith.constant 10 : i32
    %scan3A_11 = arith.addi %scan3A_9, %scan3A_10 : i32
    %scan3A_12 = arith.constant 1 : i32
    scf.for %scan3A_26 = %scan3A_9 to %scan3A_11 step %scan3A_12  : i32 {
      %jit3A = arith.constant 2 : i32
      %eq3A = arith.constant 0 : i32
      %eq3A_27 = arith.cmpi eq, %jit3A, %eq3A : i32
      %jit3A_28 = arith.constant 1 : i32
      %select_n3A = arith.select %eq3A_27, %jit3A_28, %jit3A : i32
      %rem3A = arith.remsi %scan3A_26, %select_n3A : i32
      %ne3A = arith.constant 0 : i32
      %ne3A_29 = arith.cmpi ne, %rem3A, %ne3A : i32
      %lt3A = arith.constant 0 : i32
      %lt3A_30 = arith.cmpi slt, %rem3A, %lt3A : i32
      %lt3A_31 = arith.constant 0 : i32
      %lt3A_32 = arith.cmpi slt, %select_n3A, %lt3A_31 : i32
      %ne3A_33 = arith.xori %lt3A_30, %lt3A_32 : i1
      %and3A = arith.andi %ne3A_33, %ne3A_29 : i1
      %add3A_34 = arith.addi %rem3A, %select_n3A : i32
      %select_n3A_35 = arith.select %and3A, %add3A_34, %rem3A : i32
      %mul3A_36 = arith.constant 8 : i32
      %mul3A_37 = arith.muli %select_n3A_35, %mul3A_36 : i32
      %add3A_38 = arith.constant 1 : i32
      %add3A_39 = arith.addi %scan3A_26, %add3A_38 : i32
      %jit3A_40 = arith.constant 2 : i32
      %eq3A_41 = arith.constant 0 : i32
      %eq3A_42 = arith.cmpi eq, %jit3A_40, %eq3A_41 : i32
      %jit3A_43 = arith.constant 1 : i32
      %select_n3A_44 = arith.select %eq3A_42, %jit3A_43, %jit3A_40 : i32
      %rem3A_45 = arith.remsi %add3A_39, %select_n3A_44 : i32
      %ne3A_46 = arith.constant 0 : i32
      %ne3A_47 = arith.cmpi ne, %rem3A_45, %ne3A_46 : i32
      %lt3A_48 = arith.constant 0 : i32
      %lt3A_49 = arith.cmpi slt, %rem3A_45, %lt3A_48 : i32
      %lt3A_50 = arith.constant 0 : i32
      %lt3A_51 = arith.cmpi slt, %select_n3A_44, %lt3A_50 : i32
      %ne3A_52 = arith.xori %lt3A_49, %lt3A_51 : i1
      %and3A_53 = arith.andi %ne3A_52, %ne3A_47 : i1
      %add3A_54 = arith.addi %rem3A_45, %select_n3A_44 : i32
      %select_n3A_55 = arith.select %and3A_53, %add3A_54, %rem3A_45 : i32
      %mul3A_56 = arith.constant 8 : i32
      %mul3A_57 = arith.muli %select_n3A_55, %mul3A_56 : i32
      %gt3A = arith.constant 0 : i32
      %gt3A_58 = arith.cmpi sgt, %scan3A_26, %gt3A : i32
      %convert_element_type3A = arith.extui %gt3A_58 : i1 to i32
      %cond3A = arith.constant 0 : i32
      %cond3A_59 = arith.cmpi ne, %convert_element_type3A, %cond3A : i32
      scf.if %cond3A_59 {
        %dma_wait3A_304 = arith.constant 0 : i32
        %dma_wait3A_305 = arith.constant 0 : i32
        %dma_wait3A_306 = tpu.memref_slice %arg2[%dma_wait3A_304, %dma_wait3A_305] : memref<10000x128xf32, #tpu.memory_space<hbm>> -> memref<128x128xf32, #tpu.memory_space<hbm>>
        %dma_wait3A_307 = arith.constant 0 : i32
        %dma_wait3A_308 = arith.constant 0 : i32
        %dma_wait3A_309 = tpu.memref_slice %arg2[%dma_wait3A_307, %dma_wait3A_308] : memref<10000x128xf32, #tpu.memory_space<hbm>> -> memref<128x128xf32, #tpu.memory_space<hbm>>
        tpu.wait_dma2 semaphore(%arg14 : memref<!tpu.dma_semaphore, #tpu.memory_space<semaphore_mem>>) src(%dma_wait3A_309 : memref<128x128xf32, #tpu.memory_space<hbm>>) dst(%arg10 : memref<128x128xf32, #tpu.memory_space<vmem>>)
      } else {
      }
      %add3A_60 = arith.constant 1 : i32
      %add3A_61 = arith.addi %scan3A_26, %add3A_60 : i32
      %lt3A_62 = arith.constant 10 : i32
      %lt3A_63 = arith.cmpi slt, %add3A_61, %lt3A_62 : i32
      %convert_element_type3A_64 = arith.extui %lt3A_63 : i1 to i32
      %cond3A_65 = arith.constant 0 : i32
      %cond3A_66 = arith.cmpi ne, %convert_element_type3A_64, %cond3A_65 : i32
      scf.if %cond3A_66 {
        %add3A_304 = arith.constant 1 : i32
        %add3A_305 = arith.addi %scan3A_26, %add3A_304 : i32
        %mul3A_306 = arith.constant 8 : i32
        %mul3A_307 = arith.muli %add3A_305, %mul3A_306 : i32
        %dma_start3A_308 = arith.constant 0 : i32
        %dma_start3A_309 = tpu.memref_slice %arg8[%mul3A_57, %dma_start3A_308] : memref<16x128xi32, #tpu.memory_space<vmem>> -> memref<8x128xi32, #tpu.memory_space<vmem>>
        %dma_start3A_310 = arith.constant 0 : i32
        %dma_start3A_311 = tpu.memref_slice %arg4[%add3A, %mul3A_307, %dma_start3A_310] : memref<32x80x128xi32, #tpu.memory_space<hbm>> -> memref<1x8x128xi32, #tpu.memory_space<hbm>>
        %dma_start3A_312 = tpu.memref_squeeze %dma_start3A_311 : memref<1x8x128xi32, #tpu.memory_space<hbm>> -> memref<8x128xi32, #tpu.memory_space<hbm>>
        %dma_start3A_313 = arith.constant 0 : i32
        %dma_start3A_314 = tpu.memref_slice %arg8[%mul3A_57, %dma_start3A_313] : memref<16x128xi32, #tpu.memory_space<vmem>> -> memref<8x128xi32, #tpu.memory_space<vmem>>
        %dma_start3A_315 = arith.constant 0 : i32
        %dma_start3A_316 = tpu.memref_slice %arg4[%add3A, %mul3A_307, %dma_start3A_315] : memref<32x80x128xi32, #tpu.memory_space<hbm>> -> memref<1x8x128xi32, #tpu.memory_space<hbm>>
        %dma_start3A_317 = tpu.memref_squeeze %dma_start3A_316 : memref<1x8x128xi32, #tpu.memory_space<hbm>> -> memref<8x128xi32, #tpu.memory_space<hbm>>
        tpu.enqueue_dma source(%dma_start3A_317 : memref<8x128xi32, #tpu.memory_space<hbm>>) target(%dma_start3A_314 : memref<8x128xi32, #tpu.memory_space<vmem>>) target_semaphore(%arg15 : memref<!tpu.dma_semaphore, #tpu.memory_space<semaphore_mem>>)
        %add3A_318 = arith.constant 1 : i32
        %add3A_319 = arith.addi %scan3A_26, %add3A_318 : i32
        %mul3A_320 = arith.constant 8 : i32
        %mul3A_321 = arith.muli %add3A_319, %mul3A_320 : i32
        %dma_start3A_322 = arith.constant 0 : i32
        %dma_start3A_323 = tpu.memref_slice %arg7[%mul3A_57, %dma_start3A_322] : memref<16x128xi32, #tpu.memory_space<vmem>> -> memref<8x128xi32, #tpu.memory_space<vmem>>
        %dma_start3A_324 = arith.constant 0 : i32
        %dma_start3A_325 = tpu.memref_slice %arg3[%add3A, %mul3A_321, %dma_start3A_324] : memref<32x80x128xi32, #tpu.memory_space<hbm>> -> memref<1x8x128xi32, #tpu.memory_space<hbm>>
        %dma_start3A_326 = tpu.memref_squeeze %dma_start3A_325 : memref<1x8x128xi32, #tpu.memory_space<hbm>> -> memref<8x128xi32, #tpu.memory_space<hbm>>
        %dma_start3A_327 = arith.constant 0 : i32
        %dma_start3A_328 = tpu.memref_slice %arg7[%mul3A_57, %dma_start3A_327] : memref<16x128xi32, #tpu.memory_space<vmem>> -> memref<8x128xi32, #tpu.memory_space<vmem>>
        %dma_start3A_329 = arith.constant 0 : i32
        %dma_start3A_330 = tpu.memref_slice %arg3[%add3A, %mul3A_321, %dma_start3A_329] : memref<32x80x128xi32, #tpu.memory_space<hbm>> -> memref<1x8x128xi32, #tpu.memory_space<hbm>>
        %dma_start3A_331 = tpu.memref_squeeze %dma_start3A_330 : memref<1x8x128xi32, #tpu.memory_space<hbm>> -> memref<8x128xi32, #tpu.memory_space<hbm>>
        tpu.enqueue_dma source(%dma_start3A_331 : memref<8x128xi32, #tpu.memory_space<hbm>>) target(%dma_start3A_328 : memref<8x128xi32, #tpu.memory_space<vmem>>) target_semaphore(%arg15 : memref<!tpu.dma_semaphore, #tpu.memory_space<semaphore_mem>>)
      } else {
      }
      %add3A_67 = arith.constant 0 : i32
      %add3A_68 = arith.addi %mul3A_37, %add3A_67 : i32
      %add3A_69 = arith.constant 1 : i32
      %add3A_70 = arith.addi %add3A_68, %add3A_69 : i32
      %dma_start3A_71 = arith.constant 0 : i32
      %dma_start3A_72 = tpu.memref_slice %arg7[%add3A_70, %dma_start3A_71] : memref<16x128xi32, #tpu.memory_space<vmem>> -> memref<1x128xi32, #tpu.memory_space<vmem>>
      %dma_start3A_73 = tpu.memref_squeeze %dma_start3A_72 : memref<1x128xi32, #tpu.memory_space<vmem>> -> memref<128xi32, #tpu.memory_space<vmem>>
      %dma_start3A_74 = arith.constant 0 : i32
      %dma_start3A_75 = arith.constant 0 : i32
      %dma_start3A_76 = tpu.memref_slice %arg2[%dma_start3A_74, %dma_start3A_75] : memref<10000x128xf32, #tpu.memory_space<hbm>> -> memref<10000x128xf32, #tpu.memory_space<hbm>>
      tpu.enqueue_indirect_dma source(%dma_start3A_76 : memref<10000x128xf32, #tpu.memory_space<hbm>>) target(%arg10 : memref<128x128xf32, #tpu.memory_space<vmem>>) offsets(%dma_start3A_73 : memref<128xi32, #tpu.memory_space<vmem>>) semaphore(%arg12 : memref<!tpu.dma_semaphore, #tpu.memory_space<semaphore_mem>>)
      %dma_wait3A_77 = arith.constant 0 : i32
      %dma_wait3A_78 = arith.constant 0 : i32
      %dma_wait3A_79 = tpu.memref_slice %arg2[%dma_wait3A_77, %dma_wait3A_78] : memref<10000x128xf32, #tpu.memory_space<hbm>> -> memref<128x128xf32, #tpu.memory_space<hbm>>
      %dma_wait3A_80 = arith.constant 0 : i32
      %dma_wait3A_81 = arith.constant 0 : i32
      %dma_wait3A_82 = tpu.memref_slice %arg2[%dma_wait3A_80, %dma_wait3A_81] : memref<10000x128xf32, #tpu.memory_space<hbm>> -> memref<128x128xf32, #tpu.memory_space<hbm>>
      tpu.wait_dma2 semaphore(%arg11 : memref<!tpu.dma_semaphore, #tpu.memory_space<semaphore_mem>>) src(%dma_wait3A_82 : memref<128x128xf32, #tpu.memory_space<hbm>>) dst(%arg9 : memref<128x128xf32, #tpu.memory_space<vmem>>)
      %add3A_83 = arith.constant 0 : i32
      %add3A_84 = arith.addi %mul3A_37, %add3A_83 : i32
      %dma_start3A_85 = arith.constant 0 : i32
      %dma_start3A_86 = tpu.memref_slice %arg8[%add3A_84, %dma_start3A_85] : memref<16x128xi32, #tpu.memory_space<vmem>> -> memref<1x128xi32, #tpu.memory_space<vmem>>
      %dma_start3A_87 = tpu.memref_squeeze %dma_start3A_86 : memref<1x128xi32, #tpu.memory_space<vmem>> -> memref<128xi32, #tpu.memory_space<vmem>>
      %dma_start3A_88 = arith.constant 0 : i32
      %dma_start3A_89 = arith.constant 0 : i32
      %dma_start3A_90 = tpu.memref_slice %arg16[%dma_start3A_88, %dma_start3A_89] : memref<10240x128xf32, #tpu.memory_space<vmem_shared>> -> memref<10240x128xf32, #tpu.memory_space<vmem_shared>>
      tpu.enqueue_indirect_dma source(%arg9 : memref<128x128xf32, #tpu.memory_space<vmem>>) target(%dma_start3A_90 : memref<10240x128xf32, #tpu.memory_space<vmem_shared>>) offsets(%dma_start3A_87 : memref<128xi32, #tpu.memory_space<vmem>>) semaphore(%arg13 : memref<!tpu.dma_semaphore, #tpu.memory_space<semaphore_mem>>) {add = true}
      %dma_wait3A_91 = arith.constant 0 : i32
      %dma_wait3A_92 = arith.constant 0 : i32
      %dma_wait3A_93 = tpu.memref_slice %arg2[%dma_wait3A_91, %dma_wait3A_92] : memref<10000x128xf32, #tpu.memory_space<hbm>> -> memref<128x128xf32, #tpu.memory_space<hbm>>
      %dma_wait3A_94 = arith.constant 0 : i32
      %dma_wait3A_95 = arith.constant 0 : i32
      %dma_wait3A_96 = tpu.memref_slice %arg2[%dma_wait3A_94, %dma_wait3A_95] : memref<10000x128xf32, #tpu.memory_space<hbm>> -> memref<128x128xf32, #tpu.memory_space<hbm>>
      tpu.wait_dma2 semaphore(%arg13 : memref<!tpu.dma_semaphore, #tpu.memory_space<semaphore_mem>>) src(%dma_wait3A_96 : memref<128x128xf32, #tpu.memory_space<hbm>>) dst(%arg9 : memref<128x128xf32, #tpu.memory_space<vmem>>)
      %add3A_97 = arith.constant 1 : i32
      %add3A_98 = arith.addi %mul3A_37, %add3A_97 : i32
      %add3A_99 = arith.constant 1 : i32
      %add3A_100 = arith.addi %add3A_98, %add3A_99 : i32
      %dma_start3A_101 = arith.constant 0 : i32
      %dma_start3A_102 = tpu.memref_slice %arg7[%add3A_100, %dma_start3A_101] : memref<16x128xi32, #tpu.memory_space<vmem>> -> memref<1x128xi32, #tpu.memory_space<vmem>>
      %dma_start3A_103 = tpu.memref_squeeze %dma_start3A_102 : memref<1x128xi32, #tpu.memory_space<vmem>> -> memref<128xi32, #tpu.memory_space<vmem>>
      %dma_start3A_104 = arith.constant 0 : i32
      %dma_start3A_105 = arith.constant 0 : i32
      %dma_start3A_106 = tpu.memref_slice %arg2[%dma_start3A_104, %dma_start3A_105] : memref<10000x128xf32, #tpu.memory_space<hbm>> -> memref<10000x128xf32, #tpu.memory_space<hbm>>
      tpu.enqueue_indirect_dma source(%dma_start3A_106 : memref<10000x128xf32, #tpu.memory_space<hbm>>) target(%arg9 : memref<128x128xf32, #tpu.memory_space<vmem>>) offsets(%dma_start3A_103 : memref<128xi32, #tpu.memory_space<vmem>>) semaphore(%arg11 : memref<!tpu.dma_semaphore, #tpu.memory_space<semaphore_mem>>)
      %dma_wait3A_107 = arith.constant 0 : i32
      %dma_wait3A_108 = arith.constant 0 : i32
      %dma_wait3A_109 = tpu.memref_slice %arg2[%dma_wait3A_107, %dma_wait3A_108] : memref<10000x128xf32, #tpu.memory_space<hbm>> -> memref<128x128xf32, #tpu.memory_space<hbm>>
      %dma_wait3A_110 = arith.constant 0 : i32
      %dma_wait3A_111 = arith.constant 0 : i32
      %dma_wait3A_112 = tpu.memref_slice %arg2[%dma_wait3A_110, %dma_wait3A_111] : memref<10000x128xf32, #tpu.memory_space<hbm>> -> memref<128x128xf32, #tpu.memory_space<hbm>>
      tpu.wait_dma2 semaphore(%arg12 : memref<!tpu.dma_semaphore, #tpu.memory_space<semaphore_mem>>) src(%dma_wait3A_112 : memref<128x128xf32, #tpu.memory_space<hbm>>) dst(%arg10 : memref<128x128xf32, #tpu.memory_space<vmem>>)
      %add3A_113 = arith.constant 1 : i32
      %add3A_114 = arith.addi %mul3A_37, %add3A_113 : i32
      %dma_start3A_115 = arith.constant 0 : i32
      %dma_start3A_116 = tpu.memref_slice %arg8[%add3A_114, %dma_start3A_115] : memref<16x128xi32, #tpu.memory_space<vmem>> -> memref<1x128xi32, #tpu.memory_space<vmem>>
      %dma_start3A_117 = tpu.memref_squeeze %dma_start3A_116 : memref<1x128xi32, #tpu.memory_space<vmem>> -> memref<128xi32, #tpu.memory_space<vmem>>
      %dma_start3A_118 = arith.constant 0 : i32
      %dma_start3A_119 = arith.constant 0 : i32
      %dma_start3A_120 = tpu.memref_slice %arg16[%dma_start3A_118, %dma_start3A_119] : memref<10240x128xf32, #tpu.memory_space<vmem_shared>> -> memref<10240x128xf32, #tpu.memory_space<vmem_shared>>
      tpu.enqueue_indirect_dma source(%arg10 : memref<128x128xf32, #tpu.memory_space<vmem>>) target(%dma_start3A_120 : memref<10240x128xf32, #tpu.memory_space<vmem_shared>>) offsets(%dma_start3A_117 : memref<128xi32, #tpu.memory_space<vmem>>) semaphore(%arg14 : memref<!tpu.dma_semaphore, #tpu.memory_space<semaphore_mem>>) {add = true}
      %dma_wait3A_121 = arith.constant 0 : i32
      %dma_wait3A_122 = arith.constant 0 : i32
      %dma_wait3A_123 = tpu.memref_slice %arg2[%dma_wait3A_121, %dma_wait3A_122] : memref<10000x128xf32, #tpu.memory_space<hbm>> -> memref<128x128xf32, #tpu.memory_space<hbm>>
      %dma_wait3A_124 = arith.constant 0 : i32
      %dma_wait3A_125 = arith.constant 0 : i32
      %dma_wait3A_126 = tpu.memref_slice %arg2[%dma_wait3A_124, %dma_wait3A_125] : memref<10000x128xf32, #tpu.memory_space<hbm>> -> memref<128x128xf32, #tpu.memory_space<hbm>>
      tpu.wait_dma2 semaphore(%arg14 : memref<!tpu.dma_semaphore, #tpu.memory_space<semaphore_mem>>) src(%dma_wait3A_126 : memref<128x128xf32, #tpu.memory_space<hbm>>) dst(%arg10 : memref<128x128xf32, #tpu.memory_space<vmem>>)
      %add3A_127 = arith.constant 2 : i32
      %add3A_128 = arith.addi %mul3A_37, %add3A_127 : i32
      %add3A_129 = arith.constant 1 : i32
      %add3A_130 = arith.addi %add3A_128, %add3A_129 : i32
      %dma_start3A_131 = arith.constant 0 : i32
      %dma_start3A_132 = tpu.memref_slice %arg7[%add3A_130, %dma_start3A_131] : memref<16x128xi32, #tpu.memory_space<vmem>> -> memref<1x128xi32, #tpu.memory_space<vmem>>
      %dma_start3A_133 = tpu.memref_squeeze %dma_start3A_132 : memref<1x128xi32, #tpu.memory_space<vmem>> -> memref<128xi32, #tpu.memory_space<vmem>>
      %dma_start3A_134 = arith.constant 0 : i32
      %dma_start3A_135 = arith.constant 0 : i32
      %dma_start3A_136 = tpu.memref_slice %arg2[%dma_start3A_134, %dma_start3A_135] : memref<10000x128xf32, #tpu.memory_space<hbm>> -> memref<10000x128xf32, #tpu.memory_space<hbm>>
      tpu.enqueue_indirect_dma source(%dma_start3A_136 : memref<10000x128xf32, #tpu.memory_space<hbm>>) target(%arg10 : memref<128x128xf32, #tpu.memory_space<vmem>>) offsets(%dma_start3A_133 : memref<128xi32, #tpu.memory_space<vmem>>) semaphore(%arg12 : memref<!tpu.dma_semaphore, #tpu.memory_space<semaphore_mem>>)
      %dma_wait3A_137 = arith.constant 0 : i32
      %dma_wait3A_138 = arith.constant 0 : i32
      %dma_wait3A_139 = tpu.memref_slice %arg2[%dma_wait3A_137, %dma_wait3A_138] : memref<10000x128xf32, #tpu.memory_space<hbm>> -> memref<128x128xf32, #tpu.memory_space<hbm>>
      %dma_wait3A_140 = arith.constant 0 : i32
      %dma_wait3A_141 = arith.constant 0 : i32
      %dma_wait3A_142 = tpu.memref_slice %arg2[%dma_wait3A_140, %dma_wait3A_141] : memref<10000x128xf32, #tpu.memory_space<hbm>> -> memref<128x128xf32, #tpu.memory_space<hbm>>
      tpu.wait_dma2 semaphore(%arg11 : memref<!tpu.dma_semaphore, #tpu.memory_space<semaphore_mem>>) src(%dma_wait3A_142 : memref<128x128xf32, #tpu.memory_space<hbm>>) dst(%arg9 : memref<128x128xf32, #tpu.memory_space<vmem>>)
      %add3A_143 = arith.constant 2 : i32
      %add3A_144 = arith.addi %mul3A_37, %add3A_143 : i32
      %dma_start3A_145 = arith.constant 0 : i32
      %dma_start3A_146 = tpu.memref_slice %arg8[%add3A_144, %dma_start3A_145] : memref<16x128xi32, #tpu.memory_space<vmem>> -> memref<1x128xi32, #tpu.memory_space<vmem>>
      %dma_start3A_147 = tpu.memref_squeeze %dma_start3A_146 : memref<1x128xi32, #tpu.memory_space<vmem>> -> memref<128xi32, #tpu.memory_space<vmem>>
      %dma_start3A_148 = arith.constant 0 : i32
      %dma_start3A_149 = arith.constant 0 : i32
      %dma_start3A_150 = tpu.memref_slice %arg16[%dma_start3A_148, %dma_start3A_149] : memref<10240x128xf32, #tpu.memory_space<vmem_shared>> -> memref<10240x128xf32, #tpu.memory_space<vmem_shared>>
      tpu.enqueue_indirect_dma source(%arg9 : memref<128x128xf32, #tpu.memory_space<vmem>>) target(%dma_start3A_150 : memref<10240x128xf32, #tpu.memory_space<vmem_shared>>) offsets(%dma_start3A_147 : memref<128xi32, #tpu.memory_space<vmem>>) semaphore(%arg13 : memref<!tpu.dma_semaphore, #tpu.memory_space<semaphore_mem>>) {add = true}
      %dma_wait3A_151 = arith.constant 0 : i32
      %dma_wait3A_152 = arith.constant 0 : i32
      %dma_wait3A_153 = tpu.memref_slice %arg2[%dma_wait3A_151, %dma_wait3A_152] : memref<10000x128xf32, #tpu.memory_space<hbm>> -> memref<128x128xf32, #tpu.memory_space<hbm>>
      %dma_wait3A_154 = arith.constant 0 : i32
      %dma_wait3A_155 = arith.constant 0 : i32
      %dma_wait3A_156 = tpu.memref_slice %arg2[%dma_wait3A_154, %dma_wait3A_155] : memref<10000x128xf32, #tpu.memory_space<hbm>> -> memref<128x128xf32, #tpu.memory_space<hbm>>
      tpu.wait_dma2 semaphore(%arg13 : memref<!tpu.dma_semaphore, #tpu.memory_space<semaphore_mem>>) src(%dma_wait3A_156 : memref<128x128xf32, #tpu.memory_space<hbm>>) dst(%arg9 : memref<128x128xf32, #tpu.memory_space<vmem>>)
      %add3A_157 = arith.constant 3 : i32
      %add3A_158 = arith.addi %mul3A_37, %add3A_157 : i32
      %add3A_159 = arith.constant 1 : i32
      %add3A_160 = arith.addi %add3A_158, %add3A_159 : i32
      %dma_start3A_161 = arith.constant 0 : i32
      %dma_start3A_162 = tpu.memref_slice %arg7[%add3A_160, %dma_start3A_161] : memref<16x128xi32, #tpu.memory_space<vmem>> -> memref<1x128xi32, #tpu.memory_space<vmem>>
      %dma_start3A_163 = tpu.memref_squeeze %dma_start3A_162 : memref<1x128xi32, #tpu.memory_space<vmem>> -> memref<128xi32, #tpu.memory_space<vmem>>
      %dma_start3A_164 = arith.constant 0 : i32
      %dma_start3A_165 = arith.constant 0 : i32
      %dma_start3A_166 = tpu.memref_slice %arg2[%dma_start3A_164, %dma_start3A_165] : memref<10000x128xf32, #tpu.memory_space<hbm>> -> memref<10000x128xf32, #tpu.memory_space<hbm>>
      tpu.enqueue_indirect_dma source(%dma_start3A_166 : memref<10000x128xf32, #tpu.memory_space<hbm>>) target(%arg9 : memref<128x128xf32, #tpu.memory_space<vmem>>) offsets(%dma_start3A_163 : memref<128xi32, #tpu.memory_space<vmem>>) semaphore(%arg11 : memref<!tpu.dma_semaphore, #tpu.memory_space<semaphore_mem>>)
      %dma_wait3A_167 = arith.constant 0 : i32
      %dma_wait3A_168 = arith.constant 0 : i32
      %dma_wait3A_169 = tpu.memref_slice %arg2[%dma_wait3A_167, %dma_wait3A_168] : memref<10000x128xf32, #tpu.memory_space<hbm>> -> memref<128x128xf32, #tpu.memory_space<hbm>>
      %dma_wait3A_170 = arith.constant 0 : i32
      %dma_wait3A_171 = arith.constant 0 : i32
      %dma_wait3A_172 = tpu.memref_slice %arg2[%dma_wait3A_170, %dma_wait3A_171] : memref<10000x128xf32, #tpu.memory_space<hbm>> -> memref<128x128xf32, #tpu.memory_space<hbm>>
      tpu.wait_dma2 semaphore(%arg12 : memref<!tpu.dma_semaphore, #tpu.memory_space<semaphore_mem>>) src(%dma_wait3A_172 : memref<128x128xf32, #tpu.memory_space<hbm>>) dst(%arg10 : memref<128x128xf32, #tpu.memory_space<vmem>>)
      %add3A_173 = arith.constant 3 : i32
      %add3A_174 = arith.addi %mul3A_37, %add3A_173 : i32
      %dma_start3A_175 = arith.constant 0 : i32
      %dma_start3A_176 = tpu.memref_slice %arg8[%add3A_174, %dma_start3A_175] : memref<16x128xi32, #tpu.memory_space<vmem>> -> memref<1x128xi32, #tpu.memory_space<vmem>>
      %dma_start3A_177 = tpu.memref_squeeze %dma_start3A_176 : memref<1x128xi32, #tpu.memory_space<vmem>> -> memref<128xi32, #tpu.memory_space<vmem>>
      %dma_start3A_178 = arith.constant 0 : i32
      %dma_start3A_179 = arith.constant 0 : i32
      %dma_start3A_180 = tpu.memref_slice %arg16[%dma_start3A_178, %dma_start3A_179] : memref<10240x128xf32, #tpu.memory_space<vmem_shared>> -> memref<10240x128xf32, #tpu.memory_space<vmem_shared>>
      tpu.enqueue_indirect_dma source(%arg10 : memref<128x128xf32, #tpu.memory_space<vmem>>) target(%dma_start3A_180 : memref<10240x128xf32, #tpu.memory_space<vmem_shared>>) offsets(%dma_start3A_177 : memref<128xi32, #tpu.memory_space<vmem>>) semaphore(%arg14 : memref<!tpu.dma_semaphore, #tpu.memory_space<semaphore_mem>>) {add = true}
      %dma_wait3A_181 = arith.constant 0 : i32
      %dma_wait3A_182 = arith.constant 0 : i32
      %dma_wait3A_183 = tpu.memref_slice %arg2[%dma_wait3A_181, %dma_wait3A_182] : memref<10000x128xf32, #tpu.memory_space<hbm>> -> memref<128x128xf32, #tpu.memory_space<hbm>>
      %dma_wait3A_184 = arith.constant 0 : i32
      %dma_wait3A_185 = arith.constant 0 : i32
      %dma_wait3A_186 = tpu.memref_slice %arg2[%dma_wait3A_184, %dma_wait3A_185] : memref<10000x128xf32, #tpu.memory_space<hbm>> -> memref<128x128xf32, #tpu.memory_space<hbm>>
      tpu.wait_dma2 semaphore(%arg14 : memref<!tpu.dma_semaphore, #tpu.memory_space<semaphore_mem>>) src(%dma_wait3A_186 : memref<128x128xf32, #tpu.memory_space<hbm>>) dst(%arg10 : memref<128x128xf32, #tpu.memory_space<vmem>>)
      %add3A_187 = arith.constant 4 : i32
      %add3A_188 = arith.addi %mul3A_37, %add3A_187 : i32
      %add3A_189 = arith.constant 1 : i32
      %add3A_190 = arith.addi %add3A_188, %add3A_189 : i32
      %dma_start3A_191 = arith.constant 0 : i32
      %dma_start3A_192 = tpu.memref_slice %arg7[%add3A_190, %dma_start3A_191] : memref<16x128xi32, #tpu.memory_space<vmem>> -> memref<1x128xi32, #tpu.memory_space<vmem>>
      %dma_start3A_193 = tpu.memref_squeeze %dma_start3A_192 : memref<1x128xi32, #tpu.memory_space<vmem>> -> memref<128xi32, #tpu.memory_space<vmem>>
      %dma_start3A_194 = arith.constant 0 : i32
      %dma_start3A_195 = arith.constant 0 : i32
      %dma_start3A_196 = tpu.memref_slice %arg2[%dma_start3A_194, %dma_start3A_195] : memref<10000x128xf32, #tpu.memory_space<hbm>> -> memref<10000x128xf32, #tpu.memory_space<hbm>>
      tpu.enqueue_indirect_dma source(%dma_start3A_196 : memref<10000x128xf32, #tpu.memory_space<hbm>>) target(%arg10 : memref<128x128xf32, #tpu.memory_space<vmem>>) offsets(%dma_start3A_193 : memref<128xi32, #tpu.memory_space<vmem>>) semaphore(%arg12 : memref<!tpu.dma_semaphore, #tpu.memory_space<semaphore_mem>>)
      %dma_wait3A_197 = arith.constant 0 : i32
      %dma_wait3A_198 = arith.constant 0 : i32
      %dma_wait3A_199 = tpu.memref_slice %arg2[%dma_wait3A_197, %dma_wait3A_198] : memref<10000x128xf32, #tpu.memory_space<hbm>> -> memref<128x128xf32, #tpu.memory_space<hbm>>
      %dma_wait3A_200 = arith.constant 0 : i32
      %dma_wait3A_201 = arith.constant 0 : i32
      %dma_wait3A_202 = tpu.memref_slice %arg2[%dma_wait3A_200, %dma_wait3A_201] : memref<10000x128xf32, #tpu.memory_space<hbm>> -> memref<128x128xf32, #tpu.memory_space<hbm>>
      tpu.wait_dma2 semaphore(%arg11 : memref<!tpu.dma_semaphore, #tpu.memory_space<semaphore_mem>>) src(%dma_wait3A_202 : memref<128x128xf32, #tpu.memory_space<hbm>>) dst(%arg9 : memref<128x128xf32, #tpu.memory_space<vmem>>)
      %add3A_203 = arith.constant 4 : i32
      %add3A_204 = arith.addi %mul3A_37, %add3A_203 : i32
      %dma_start3A_205 = arith.constant 0 : i32
      %dma_start3A_206 = tpu.memref_slice %arg8[%add3A_204, %dma_start3A_205] : memref<16x128xi32, #tpu.memory_space<vmem>> -> memref<1x128xi32, #tpu.memory_space<vmem>>
      %dma_start3A_207 = tpu.memref_squeeze %dma_start3A_206 : memref<1x128xi32, #tpu.memory_space<vmem>> -> memref<128xi32, #tpu.memory_space<vmem>>
      %dma_start3A_208 = arith.constant 0 : i32
      %dma_start3A_209 = arith.constant 0 : i32
      %dma_start3A_210 = tpu.memref_slice %arg16[%dma_start3A_208, %dma_start3A_209] : memref<10240x128xf32, #tpu.memory_space<vmem_shared>> -> memref<10240x128xf32, #tpu.memory_space<vmem_shared>>
      tpu.enqueue_indirect_dma source(%arg9 : memref<128x128xf32, #tpu.memory_space<vmem>>) target(%dma_start3A_210 : memref<10240x128xf32, #tpu.memory_space<vmem_shared>>) offsets(%dma_start3A_207 : memref<128xi32, #tpu.memory_space<vmem>>) semaphore(%arg13 : memref<!tpu.dma_semaphore, #tpu.memory_space<semaphore_mem>>) {add = true}
      %dma_wait3A_211 = arith.constant 0 : i32
      %dma_wait3A_212 = arith.constant 0 : i32
      %dma_wait3A_213 = tpu.memref_slice %arg2[%dma_wait3A_211, %dma_wait3A_212] : memref<10000x128xf32, #tpu.memory_space<hbm>> -> memref<128x128xf32, #tpu.memory_space<hbm>>
      %dma_wait3A_214 = arith.constant 0 : i32
      %dma_wait3A_215 = arith.constant 0 : i32
      %dma_wait3A_216 = tpu.memref_slice %arg2[%dma_wait3A_214, %dma_wait3A_215] : memref<10000x128xf32, #tpu.memory_space<hbm>> -> memref<128x128xf32, #tpu.memory_space<hbm>>
      tpu.wait_dma2 semaphore(%arg13 : memref<!tpu.dma_semaphore, #tpu.memory_space<semaphore_mem>>) src(%dma_wait3A_216 : memref<128x128xf32, #tpu.memory_space<hbm>>) dst(%arg9 : memref<128x128xf32, #tpu.memory_space<vmem>>)
      %add3A_217 = arith.constant 5 : i32
      %add3A_218 = arith.addi %mul3A_37, %add3A_217 : i32
      %add3A_219 = arith.constant 1 : i32
      %add3A_220 = arith.addi %add3A_218, %add3A_219 : i32
      %dma_start3A_221 = arith.constant 0 : i32
      %dma_start3A_222 = tpu.memref_slice %arg7[%add3A_220, %dma_start3A_221] : memref<16x128xi32, #tpu.memory_space<vmem>> -> memref<1x128xi32, #tpu.memory_space<vmem>>
      %dma_start3A_223 = tpu.memref_squeeze %dma_start3A_222 : memref<1x128xi32, #tpu.memory_space<vmem>> -> memref<128xi32, #tpu.memory_space<vmem>>
      %dma_start3A_224 = arith.constant 0 : i32
      %dma_start3A_225 = arith.constant 0 : i32
      %dma_start3A_226 = tpu.memref_slice %arg2[%dma_start3A_224, %dma_start3A_225] : memref<10000x128xf32, #tpu.memory_space<hbm>> -> memref<10000x128xf32, #tpu.memory_space<hbm>>
      tpu.enqueue_indirect_dma source(%dma_start3A_226 : memref<10000x128xf32, #tpu.memory_space<hbm>>) target(%arg9 : memref<128x128xf32, #tpu.memory_space<vmem>>) offsets(%dma_start3A_223 : memref<128xi32, #tpu.memory_space<vmem>>) semaphore(%arg11 : memref<!tpu.dma_semaphore, #tpu.memory_space<semaphore_mem>>)
      %dma_wait3A_227 = arith.constant 0 : i32
      %dma_wait3A_228 = arith.constant 0 : i32
      %dma_wait3A_229 = tpu.memref_slice %arg2[%dma_wait3A_227, %dma_wait3A_228] : memref<10000x128xf32, #tpu.memory_space<hbm>> -> memref<128x128xf32, #tpu.memory_space<hbm>>
      %dma_wait3A_230 = arith.constant 0 : i32
      %dma_wait3A_231 = arith.constant 0 : i32
      %dma_wait3A_232 = tpu.memref_slice %arg2[%dma_wait3A_230, %dma_wait3A_231] : memref<10000x128xf32, #tpu.memory_space<hbm>> -> memref<128x128xf32, #tpu.memory_space<hbm>>
      tpu.wait_dma2 semaphore(%arg12 : memref<!tpu.dma_semaphore, #tpu.memory_space<semaphore_mem>>) src(%dma_wait3A_232 : memref<128x128xf32, #tpu.memory_space<hbm>>) dst(%arg10 : memref<128x128xf32, #tpu.memory_space<vmem>>)
      %add3A_233 = arith.constant 5 : i32
      %add3A_234 = arith.addi %mul3A_37, %add3A_233 : i32
      %dma_start3A_235 = arith.constant 0 : i32
      %dma_start3A_236 = tpu.memref_slice %arg8[%add3A_234, %dma_start3A_235] : memref<16x128xi32, #tpu.memory_space<vmem>> -> memref<1x128xi32, #tpu.memory_space<vmem>>
      %dma_start3A_237 = tpu.memref_squeeze %dma_start3A_236 : memref<1x128xi32, #tpu.memory_space<vmem>> -> memref<128xi32, #tpu.memory_space<vmem>>
      %dma_start3A_238 = arith.constant 0 : i32
      %dma_start3A_239 = arith.constant 0 : i32
      %dma_start3A_240 = tpu.memref_slice %arg16[%dma_start3A_238, %dma_start3A_239] : memref<10240x128xf32, #tpu.memory_space<vmem_shared>> -> memref<10240x128xf32, #tpu.memory_space<vmem_shared>>
      tpu.enqueue_indirect_dma source(%arg10 : memref<128x128xf32, #tpu.memory_space<vmem>>) target(%dma_start3A_240 : memref<10240x128xf32, #tpu.memory_space<vmem_shared>>) offsets(%dma_start3A_237 : memref<128xi32, #tpu.memory_space<vmem>>) semaphore(%arg14 : memref<!tpu.dma_semaphore, #tpu.memory_space<semaphore_mem>>) {add = true}
      %dma_wait3A_241 = arith.constant 0 : i32
      %dma_wait3A_242 = arith.constant 0 : i32
      %dma_wait3A_243 = tpu.memref_slice %arg2[%dma_wait3A_241, %dma_wait3A_242] : memref<10000x128xf32, #tpu.memory_space<hbm>> -> memref<128x128xf32, #tpu.memory_space<hbm>>
      %dma_wait3A_244 = arith.constant 0 : i32
      %dma_wait3A_245 = arith.constant 0 : i32
      %dma_wait3A_246 = tpu.memref_slice %arg2[%dma_wait3A_244, %dma_wait3A_245] : memref<10000x128xf32, #tpu.memory_space<hbm>> -> memref<128x128xf32, #tpu.memory_space<hbm>>
      tpu.wait_dma2 semaphore(%arg14 : memref<!tpu.dma_semaphore, #tpu.memory_space<semaphore_mem>>) src(%dma_wait3A_246 : memref<128x128xf32, #tpu.memory_space<hbm>>) dst(%arg10 : memref<128x128xf32, #tpu.memory_space<vmem>>)
      %add3A_247 = arith.constant 6 : i32
      %add3A_248 = arith.addi %mul3A_37, %add3A_247 : i32
      %add3A_249 = arith.constant 1 : i32
      %add3A_250 = arith.addi %add3A_248, %add3A_249 : i32
      %dma_start3A_251 = arith.constant 0 : i32
      %dma_start3A_252 = tpu.memref_slice %arg7[%add3A_250, %dma_start3A_251] : memref<16x128xi32, #tpu.memory_space<vmem>> -> memref<1x128xi32, #tpu.memory_space<vmem>>
      %dma_start3A_253 = tpu.memref_squeeze %dma_start3A_252 : memref<1x128xi32, #tpu.memory_space<vmem>> -> memref<128xi32, #tpu.memory_space<vmem>>
      %dma_start3A_254 = arith.constant 0 : i32
      %dma_start3A_255 = arith.constant 0 : i32
      %dma_start3A_256 = tpu.memref_slice %arg2[%dma_start3A_254, %dma_start3A_255] : memref<10000x128xf32, #tpu.memory_space<hbm>> -> memref<10000x128xf32, #tpu.memory_space<hbm>>
      tpu.enqueue_indirect_dma source(%dma_start3A_256 : memref<10000x128xf32, #tpu.memory_space<hbm>>) target(%arg10 : memref<128x128xf32, #tpu.memory_space<vmem>>) offsets(%dma_start3A_253 : memref<128xi32, #tpu.memory_space<vmem>>) semaphore(%arg12 : memref<!tpu.dma_semaphore, #tpu.memory_space<semaphore_mem>>)
      %dma_wait3A_257 = arith.constant 0 : i32
      %dma_wait3A_258 = arith.constant 0 : i32
      %dma_wait3A_259 = tpu.memref_slice %arg2[%dma_wait3A_257, %dma_wait3A_258] : memref<10000x128xf32, #tpu.memory_space<hbm>> -> memref<128x128xf32, #tpu.memory_space<hbm>>
      %dma_wait3A_260 = arith.constant 0 : i32
      %dma_wait3A_261 = arith.constant 0 : i32
      %dma_wait3A_262 = tpu.memref_slice %arg2[%dma_wait3A_260, %dma_wait3A_261] : memref<10000x128xf32, #tpu.memory_space<hbm>> -> memref<128x128xf32, #tpu.memory_space<hbm>>
      tpu.wait_dma2 semaphore(%arg11 : memref<!tpu.dma_semaphore, #tpu.memory_space<semaphore_mem>>) src(%dma_wait3A_262 : memref<128x128xf32, #tpu.memory_space<hbm>>) dst(%arg9 : memref<128x128xf32, #tpu.memory_space<vmem>>)
      %add3A_263 = arith.constant 6 : i32
      %add3A_264 = arith.addi %mul3A_37, %add3A_263 : i32
      %dma_start3A_265 = arith.constant 0 : i32
      %dma_start3A_266 = tpu.memref_slice %arg8[%add3A_264, %dma_start3A_265] : memref<16x128xi32, #tpu.memory_space<vmem>> -> memref<1x128xi32, #tpu.memory_space<vmem>>
      %dma_start3A_267 = tpu.memref_squeeze %dma_start3A_266 : memref<1x128xi32, #tpu.memory_space<vmem>> -> memref<128xi32, #tpu.memory_space<vmem>>
      %dma_start3A_268 = arith.constant 0 : i32
      %dma_start3A_269 = arith.constant 0 : i32
      %dma_start3A_270 = tpu.memref_slice %arg16[%dma_start3A_268, %dma_start3A_269] : memref<10240x128xf32, #tpu.memory_space<vmem_shared>> -> memref<10240x128xf32, #tpu.memory_space<vmem_shared>>
      tpu.enqueue_indirect_dma source(%arg9 : memref<128x128xf32, #tpu.memory_space<vmem>>) target(%dma_start3A_270 : memref<10240x128xf32, #tpu.memory_space<vmem_shared>>) offsets(%dma_start3A_267 : memref<128xi32, #tpu.memory_space<vmem>>) semaphore(%arg13 : memref<!tpu.dma_semaphore, #tpu.memory_space<semaphore_mem>>) {add = true}
      %dma_wait3A_271 = arith.constant 0 : i32
      %dma_wait3A_272 = arith.constant 0 : i32
      %dma_wait3A_273 = tpu.memref_slice %arg2[%dma_wait3A_271, %dma_wait3A_272] : memref<10000x128xf32, #tpu.memory_space<hbm>> -> memref<128x128xf32, #tpu.memory_space<hbm>>
      %dma_wait3A_274 = arith.constant 0 : i32
      %dma_wait3A_275 = arith.constant 0 : i32
      %dma_wait3A_276 = tpu.memref_slice %arg2[%dma_wait3A_274, %dma_wait3A_275] : memref<10000x128xf32, #tpu.memory_space<hbm>> -> memref<128x128xf32, #tpu.memory_space<hbm>>
      tpu.wait_dma2 semaphore(%arg13 : memref<!tpu.dma_semaphore, #tpu.memory_space<semaphore_mem>>) src(%dma_wait3A_276 : memref<128x128xf32, #tpu.memory_space<hbm>>) dst(%arg9 : memref<128x128xf32, #tpu.memory_space<vmem>>)
      %add3A_277 = arith.constant 1 : i32
      %add3A_278 = arith.addi %scan3A_26, %add3A_277 : i32
      %lt3A_279 = arith.constant 10 : i32
      %lt3A_280 = arith.cmpi slt, %add3A_278, %lt3A_279 : i32
      %convert_element_type3A_281 = arith.extui %lt3A_280 : i1 to i32
      %cond3A_282 = arith.constant 0 : i32
      %cond3A_283 = arith.cmpi ne, %convert_element_type3A_281, %cond3A_282 : i32
      scf.if %cond3A_283 {
        %add3A_304 = arith.constant 1 : i32
        %add3A_305 = arith.addi %scan3A_26, %add3A_304 : i32
        %mul3A_306 = arith.constant 8 : i32
        %mul3A_307 = arith.muli %add3A_305, %mul3A_306 : i32
        %dma_wait3A_308 = arith.constant 0 : i32
        %dma_wait3A_309 = tpu.memref_slice %arg8[%mul3A_57, %dma_wait3A_308] : memref<16x128xi32, #tpu.memory_space<vmem>> -> memref<8x128xi32, #tpu.memory_space<vmem>>
        %dma_wait3A_310 = arith.constant 0 : i32
        %dma_wait3A_311 = tpu.memref_slice %arg4[%add3A, %mul3A_307, %dma_wait3A_310] : memref<32x80x128xi32, #tpu.memory_space<hbm>> -> memref<1x8x128xi32, #tpu.memory_space<hbm>>
        %dma_wait3A_312 = tpu.memref_squeeze %dma_wait3A_311 : memref<1x8x128xi32, #tpu.memory_space<hbm>> -> memref<8x128xi32, #tpu.memory_space<hbm>>
        %dma_wait3A_313 = arith.constant 0 : i32
        %dma_wait3A_314 = tpu.memref_slice %arg8[%mul3A_57, %dma_wait3A_313] : memref<16x128xi32, #tpu.memory_space<vmem>> -> memref<8x128xi32, #tpu.memory_space<vmem>>
        %dma_wait3A_315 = arith.constant 0 : i32
        %dma_wait3A_316 = tpu.memref_slice %arg4[%add3A, %mul3A_307, %dma_wait3A_315] : memref<32x80x128xi32, #tpu.memory_space<hbm>> -> memref<1x8x128xi32, #tpu.memory_space<hbm>>
        %dma_wait3A_317 = tpu.memref_squeeze %dma_wait3A_316 : memref<1x8x128xi32, #tpu.memory_space<hbm>> -> memref<8x128xi32, #tpu.memory_space<hbm>>
        tpu.wait_dma2 semaphore(%arg15 : memref<!tpu.dma_semaphore, #tpu.memory_space<semaphore_mem>>) src(%dma_wait3A_317 : memref<8x128xi32, #tpu.memory_space<hbm>>) dst(%dma_wait3A_314 : memref<8x128xi32, #tpu.memory_space<vmem>>)
        %add3A_318 = arith.constant 1 : i32
        %add3A_319 = arith.addi %scan3A_26, %add3A_318 : i32
        %mul3A_320 = arith.constant 8 : i32
        %mul3A_321 = arith.muli %add3A_319, %mul3A_320 : i32
        %dma_wait3A_322 = arith.constant 0 : i32
        %dma_wait3A_323 = tpu.memref_slice %arg7[%mul3A_57, %dma_wait3A_322] : memref<16x128xi32, #tpu.memory_space<vmem>> -> memref<8x128xi32, #tpu.memory_space<vmem>>
        %dma_wait3A_324 = arith.constant 0 : i32
        %dma_wait3A_325 = tpu.memref_slice %arg3[%add3A, %mul3A_321, %dma_wait3A_324] : memref<32x80x128xi32, #tpu.memory_space<hbm>> -> memref<1x8x128xi32, #tpu.memory_space<hbm>>
        %dma_wait3A_326 = tpu.memref_squeeze %dma_wait3A_325 : memref<1x8x128xi32, #tpu.memory_space<hbm>> -> memref<8x128xi32, #tpu.memory_space<hbm>>
        %dma_wait3A_327 = arith.constant 0 : i32
        %dma_wait3A_328 = tpu.memref_slice %arg7[%mul3A_57, %dma_wait3A_327] : memref<16x128xi32, #tpu.memory_space<vmem>> -> memref<8x128xi32, #tpu.memory_space<vmem>>
        %dma_wait3A_329 = arith.constant 0 : i32
        %dma_wait3A_330 = tpu.memref_slice %arg3[%add3A, %mul3A_321, %dma_wait3A_329] : memref<32x80x128xi32, #tpu.memory_space<hbm>> -> memref<1x8x128xi32, #tpu.memory_space<hbm>>
        %dma_wait3A_331 = tpu.memref_squeeze %dma_wait3A_330 : memref<1x8x128xi32, #tpu.memory_space<hbm>> -> memref<8x128xi32, #tpu.memory_space<hbm>>
        tpu.wait_dma2 semaphore(%arg15 : memref<!tpu.dma_semaphore, #tpu.memory_space<semaphore_mem>>) src(%dma_wait3A_331 : memref<8x128xi32, #tpu.memory_space<hbm>>) dst(%dma_wait3A_328 : memref<8x128xi32, #tpu.memory_space<vmem>>)
      } else {
      }
      %dma_start3A_284 = arith.constant 0 : i32
      %dma_start3A_285 = tpu.memref_slice %arg7[%mul3A_57, %dma_start3A_284] : memref<16x128xi32, #tpu.memory_space<vmem>> -> memref<1x128xi32, #tpu.memory_space<vmem>>
      %dma_start3A_286 = tpu.memref_squeeze %dma_start3A_285 : memref<1x128xi32, #tpu.memory_space<vmem>> -> memref<128xi32, #tpu.memory_space<vmem>>
      %dma_start3A_287 = arith.constant 0 : i32
      %dma_start3A_288 = arith.constant 0 : i32
      %dma_start3A_289 = tpu.memref_slice %arg2[%dma_start3A_287, %dma_start3A_288] : memref<10000x128xf32, #tpu.memory_space<hbm>> -> memref<10000x128xf32, #tpu.memory_space<hbm>>
      tpu.enqueue_indirect_dma source(%dma_start3A_289 : memref<10000x128xf32, #tpu.memory_space<hbm>>) target(%arg9 : memref<128x128xf32, #tpu.memory_space<vmem>>) offsets(%dma_start3A_286 : memref<128xi32, #tpu.memory_space<vmem>>) semaphore(%arg11 : memref<!tpu.dma_semaphore, #tpu.memory_space<semaphore_mem>>)
      %dma_wait3A_290 = arith.constant 0 : i32
      %dma_wait3A_291 = arith.constant 0 : i32
      %dma_wait3A_292 = tpu.memref_slice %arg2[%dma_wait3A_290, %dma_wait3A_291] : memref<10000x128xf32, #tpu.memory_space<hbm>> -> memref<128x128xf32, #tpu.memory_space<hbm>>
      %dma_wait3A_293 = arith.constant 0 : i32
      %dma_wait3A_294 = arith.constant 0 : i32
      %dma_wait3A_295 = tpu.memref_slice %arg2[%dma_wait3A_293, %dma_wait3A_294] : memref<10000x128xf32, #tpu.memory_space<hbm>> -> memref<128x128xf32, #tpu.memory_space<hbm>>
      tpu.wait_dma2 semaphore(%arg12 : memref<!tpu.dma_semaphore, #tpu.memory_space<semaphore_mem>>) src(%dma_wait3A_295 : memref<128x128xf32, #tpu.memory_space<hbm>>) dst(%arg10 : memref<128x128xf32, #tpu.memory_space<vmem>>)
      %add3A_296 = arith.constant 7 : i32
      %add3A_297 = arith.addi %mul3A_37, %add3A_296 : i32
      %dma_start3A_298 = arith.constant 0 : i32
      %dma_start3A_299 = tpu.memref_slice %arg8[%add3A_297, %dma_start3A_298] : memref<16x128xi32, #tpu.memory_space<vmem>> -> memref<1x128xi32, #tpu.memory_space<vmem>>
      %dma_start3A_300 = tpu.memref_squeeze %dma_start3A_299 : memref<1x128xi32, #tpu.memory_space<vmem>> -> memref<128xi32, #tpu.memory_space<vmem>>
      %dma_start3A_301 = arith.constant 0 : i32
      %dma_start3A_302 = arith.constant 0 : i32
      %dma_start3A_303 = tpu.memref_slice %arg16[%dma_start3A_301, %dma_start3A_302] : memref<10240x128xf32, #tpu.memory_space<vmem_shared>> -> memref<10240x128xf32, #tpu.memory_space<vmem_shared>>
      tpu.enqueue_indirect_dma source(%arg10 : memref<128x128xf32, #tpu.memory_space<vmem>>) target(%dma_start3A_303 : memref<10240x128xf32, #tpu.memory_space<vmem_shared>>) offsets(%dma_start3A_300 : memref<128xi32, #tpu.memory_space<vmem>>) semaphore(%arg14 : memref<!tpu.dma_semaphore, #tpu.memory_space<semaphore_mem>>) {add = true}
    }
    %scan3A_13 = arith.constant 10 : i32
    %dma_wait3A = arith.constant 0 : i32
    %dma_wait3A_14 = arith.constant 0 : i32
    %dma_wait3A_15 = tpu.memref_slice %arg2[%dma_wait3A, %dma_wait3A_14] : memref<10000x128xf32, #tpu.memory_space<hbm>> -> memref<128x128xf32, #tpu.memory_space<hbm>>
    %dma_wait3A_16 = arith.constant 0 : i32
    %dma_wait3A_17 = arith.constant 0 : i32
    %dma_wait3A_18 = tpu.memref_slice %arg2[%dma_wait3A_16, %dma_wait3A_17] : memref<10000x128xf32, #tpu.memory_space<hbm>> -> memref<128x128xf32, #tpu.memory_space<hbm>>
    tpu.wait_dma2 semaphore(%arg11 : memref<!tpu.dma_semaphore, #tpu.memory_space<semaphore_mem>>) src(%dma_wait3A_18 : memref<128x128xf32, #tpu.memory_space<hbm>>) dst(%arg9 : memref<128x128xf32, #tpu.memory_space<vmem>>)
    %dma_wait3A_19 = arith.constant 0 : i32
    %dma_wait3A_20 = arith.constant 0 : i32
    %dma_wait3A_21 = tpu.memref_slice %arg2[%dma_wait3A_19, %dma_wait3A_20] : memref<10000x128xf32, #tpu.memory_space<hbm>> -> memref<128x128xf32, #tpu.memory_space<hbm>>
    %dma_wait3A_22 = arith.constant 0 : i32
    %dma_wait3A_23 = arith.constant 0 : i32
    %dma_wait3A_24 = tpu.memref_slice %arg2[%dma_wait3A_22, %dma_wait3A_23] : memref<10000x128xf32, #tpu.memory_space<hbm>> -> memref<128x128xf32, #tpu.memory_space<hbm>>
    tpu.wait_dma2 semaphore(%arg14 : memref<!tpu.dma_semaphore, #tpu.memory_space<semaphore_mem>>) src(%dma_wait3A_24 : memref<128x128xf32, #tpu.memory_space<hbm>>) dst(%arg10 : memref<128x128xf32, #tpu.memory_space<vmem>>)
    %barrier3A_25 = arith.constant 0 : index
    tpu.barrier barrier_id(%barrier3A_25)
    "tpu.region"() ({
      %run_scoped3A = tpu.sem_alloc : memref<!tpu.dma_semaphore, #tpu.memory_space<semaphore_mem>>
      %dma_start3A_26 = arith.constant 0 : i32
      %dma_start3A_27 = tpu.memref_slice %arg6[%arg0, %mul3A_2, %dma_start3A_26] : memref<2x10240x128xf32, #tpu.memory_space<hbm>> -> memref<1x640x128xf32, #tpu.memory_space<hbm>>
      %dma_start3A_28 = tpu.memref_squeeze %dma_start3A_27 : memref<1x640x128xf32, #tpu.memory_space<hbm>> -> memref<640x128xf32, #tpu.memory_space<hbm>>
      %dma_start3A_29 = arith.constant 0 : i32
      %dma_start3A_30 = tpu.memref_slice %arg16[%mul3A_2, %dma_start3A_29] : memref<10240x128xf32, #tpu.memory_space<vmem_shared>> -> memref<640x128xf32, #tpu.memory_space<vmem_shared>>
      tpu.enqueue_dma source(%dma_start3A_30 : memref<640x128xf32, #tpu.memory_space<vmem_shared>>) target(%dma_start3A_28 : memref<640x128xf32, #tpu.memory_space<hbm>>) target_semaphore(%run_scoped3A : memref<!tpu.dma_semaphore, #tpu.memory_space<semaphore_mem>>)
      %dma_wait3A_31 = arith.constant 0 : i32
      %dma_wait3A_32 = tpu.memref_slice %arg6[%arg0, %mul3A_2, %dma_wait3A_31] : memref<2x10240x128xf32, #tpu.memory_space<hbm>> -> memref<1x640x128xf32, #tpu.memory_space<hbm>>
      %dma_wait3A_33 = tpu.memref_squeeze %dma_wait3A_32 : memref<1x640x128xf32, #tpu.memory_space<hbm>> -> memref<640x128xf32, #tpu.memory_space<hbm>>
      %dma_wait3A_34 = arith.constant 0 : i32
      %dma_wait3A_35 = tpu.memref_slice %arg16[%mul3A_2, %dma_wait3A_34] : memref<10240x128xf32, #tpu.memory_space<vmem_shared>> -> memref<640x128xf32, #tpu.memory_space<vmem_shared>>
      tpu.wait_dma2 semaphore(%run_scoped3A : memref<!tpu.dma_semaphore, #tpu.memory_space<semaphore_mem>>) src(%dma_wait3A_35 : memref<640x128xf32, #tpu.memory_space<vmem_shared>>) dst(%dma_wait3A_33 : memref<640x128xf32, #tpu.memory_space<hbm>>)
      tpu.yield
    }) : () -> ()
    return
  }
}

module attributes {stable_mosaic.version = 14 : i64} {
  func.func @_combine_body(%arg0: i32, %arg1: memref<2x1000x128xf32, #tpu.memory_space<vmem>>, %arg2: memref<2x1000x128xf32, #tpu.memory_space<vmem>>, %arg3: memref<1000x128xf32, #tpu.memory_space<vmem>>, %arg4: memref<1000x128xf32, #tpu.memory_space<vmem>>) attributes {dimension_semantics = [#tpu.dimension_semantics<arbitrary>], iteration_bounds = array<i64: 10>, scalar_prefetch = 0 : i64, scratch_operands = 0 : i64, tpu.core_type = #tpu.core_type<tc>, window_params = [{transform_indices = @transform_0, window_bounds = array<i64: 2, 1000, 128>}, {transform_indices = @transform_1, window_bounds = array<i64: 2, 1000, 128>}, {transform_indices = @transform_2, window_bounds = array<i64: 1000, 128>}, {transform_indices = @transform_3, window_bounds = array<i64: 1000, 128>}]} {
    %get3A = arith.constant 0 : index
    %get3A_0 = arith.constant 0 : index
    %get3A_1 = arith.constant 0 : index
    %get3A_2 = vector.load %arg1[%get3A, %get3A_0, %get3A_1] : memref<2x1000x128xf32, #tpu.memory_space<vmem>>, vector<1x1000x128xf32>
    %get3A_3 = vector.shape_cast %get3A_2 : vector<1x1000x128xf32> to vector<1000x128xf32>
    %get3A_4 = arith.constant 1 : index
    %get3A_5 = arith.constant 0 : index
    %get3A_6 = arith.constant 0 : index
    %get3A_7 = vector.load %arg1[%get3A_4, %get3A_5, %get3A_6] : memref<2x1000x128xf32, #tpu.memory_space<vmem>>, vector<1x1000x128xf32>
    %get3A_8 = vector.shape_cast %get3A_7 : vector<1x1000x128xf32> to vector<1000x128xf32>
    %add3A = arith.addf %get3A_3, %get3A_8 : vector<1000x128xf32>
    %get3A_9 = arith.constant 0 : index
    %get3A_10 = arith.constant 0 : index
    %get3A_11 = arith.constant 0 : index
    %get3A_12 = vector.load %arg2[%get3A_9, %get3A_10, %get3A_11] : memref<2x1000x128xf32, #tpu.memory_space<vmem>>, vector<1x1000x1xf32>
    %get3A_13 = vector.shape_cast %get3A_12 : vector<1x1000x1xf32> to vector<1000x1xf32>
    %get3A_14 = arith.constant 1 : index
    %get3A_15 = arith.constant 0 : index
    %get3A_16 = arith.constant 0 : index
    %get3A_17 = vector.load %arg2[%get3A_14, %get3A_15, %get3A_16] : memref<2x1000x128xf32, #tpu.memory_space<vmem>>, vector<1x1000x1xf32>
    %get3A_18 = vector.shape_cast %get3A_17 : vector<1x1000x1xf32> to vector<1000x1xf32>
    %add3A_19 = arith.addf %get3A_13, %get3A_18 : vector<1000x1xf32>
    %max3A = arith.constant 1.000000e+00 : f32
    %max3A_20 = vector.broadcast %max3A : f32 to vector<1000x1xf32>
    %max3A_21 = arith.maximumf %add3A_19, %max3A_20 : vector<1000x1xf32>
    %div3A = vector.broadcast %max3A_21 : vector<1000x1xf32> to vector<1000x128xf32>
    %div3A_22 = arith.divf %add3A, %div3A : vector<1000x128xf32>
    %get3A_23 = arith.constant 0 : index
    %get3A_24 = arith.constant 0 : index
    %get3A_25 = vector.load %arg3[%get3A_23, %get3A_24] : memref<1000x128xf32, #tpu.memory_space<vmem>>, vector<1000x128xf32>
    %min3A = arith.constant 1.000000e+00 : f32
    %min3A_26 = vector.broadcast %min3A : f32 to vector<1000x1xf32>
    %min3A_27 = arith.minimumf %add3A_19, %min3A_26 : vector<1000x1xf32>
    %mul3A = vector.broadcast %min3A_27 : vector<1000x1xf32> to vector<1000x128xf32>
    %mul3A_28 = arith.mulf %get3A_25, %mul3A : vector<1000x128xf32>
    %sub3A = arith.subf %div3A_22, %mul3A_28 : vector<1000x128xf32>
    %swap3A = arith.constant 0 : index
    %swap3A_29 = arith.constant 0 : index
    %swap3A_30 = vector.load %arg4[%swap3A, %swap3A_29] : memref<1000x128xf32, #tpu.memory_space<vmem>>, vector<1000x128xf32>
    tpu.vector_store %arg4[%swap3A, %swap3A_29], %sub3A {strides = array<i32>} : memref<1000x128xf32, #tpu.memory_space<vmem>>, vector<1000x128xf32>,
    return
  }
  func.func @transform_0(%arg0: i32) -> (i32, i32, i32) {
    %c0_i32 = arith.constant 0 : i32
    %c0_i32_0 = arith.constant 0 : i32
    %c0_i32_1 = arith.constant 0 : i32
    return %c0_i32, %arg0, %c0_i32_0 : i32, i32, i32
  }
  func.func @transform_1(%arg0: i32) -> (i32, i32, i32) {
    %c0_i32 = arith.constant 0 : i32
    %c0_i32_0 = arith.constant 0 : i32
    %c0_i32_1 = arith.constant 0 : i32
    return %c0_i32, %arg0, %c0_i32_0 : i32, i32, i32
  }
  func.func @transform_2(%arg0: i32) -> (i32, i32) {
    %c0_i32 = arith.constant 0 : i32
    %c0_i32_0 = arith.constant 0 : i32
    return %arg0, %c0_i32 : i32, i32
  }
  func.func @transform_3(%arg0: i32) -> (i32, i32) {
    %c0_i32 = arith.constant 0 : i32
    %c0_i32_0 = arith.constant 0 : i32
    return %arg0, %c0_i32 : i32, i32
  }
}

module attributes {stable_mosaic.version = 14 : i64} {
  func.func @_final_body(%arg0: i32, %arg1: memref<2x1000x128xf32, #tpu.memory_space<vmem>>, %arg2: memref<2x1000x128xf32, #tpu.memory_space<vmem>>, %arg3: memref<1000x128xf32, #tpu.memory_space<vmem>>, %arg4: memref<1000x128xf32, #tpu.memory_space<vmem>>, %arg5: memref<128x16xf32, #tpu.memory_space<vmem>>, %arg6: memref<128x16xf32, #tpu.memory_space<vmem>>, %arg7: memref<128x16xf32, #tpu.memory_space<vmem>>, %arg8: memref<1x16xf32, #tpu.memory_space<vmem>>, %arg9: memref<16x3xf32, #tpu.memory_space<vmem>>, %arg10: memref<1x3xf32, #tpu.memory_space<vmem>>, %arg11: memref<1000x3xf32, #tpu.memory_space<vmem>>) attributes {dimension_semantics = [#tpu.dimension_semantics<arbitrary>], iteration_bounds = array<i64: 10>, scalar_prefetch = 0 : i64, scratch_operands = 0 : i64, tpu.core_type = #tpu.core_type<tc>, window_params = [{transform_indices = @transform_0, window_bounds = array<i64: 2, 1000, 128>}, {transform_indices = @transform_1, window_bounds = array<i64: 2, 1000, 128>}, {transform_indices = @transform_2, window_bounds = array<i64: 1000, 128>}, {transform_indices = @transform_3, window_bounds = array<i64: 1000, 128>}, {pipeline_mode = #tpu.pipeline_mode<synchronous>, transform_indices = @transform_4, window_bounds = array<i64: 128, 16>}, {pipeline_mode = #tpu.pipeline_mode<synchronous>, transform_indices = @transform_5, window_bounds = array<i64: 128, 16>}, {pipeline_mode = #tpu.pipeline_mode<synchronous>, transform_indices = @transform_6, window_bounds = array<i64: 128, 16>}, {pipeline_mode = #tpu.pipeline_mode<synchronous>, transform_indices = @transform_7, window_bounds = array<i64: 1, 16>}, {pipeline_mode = #tpu.pipeline_mode<synchronous>, transform_indices = @transform_8, window_bounds = array<i64: 16, 3>}, {pipeline_mode = #tpu.pipeline_mode<synchronous>, transform_indices = @transform_9, window_bounds = array<i64: 1, 3>}, {transform_indices = @transform_10, window_bounds = array<i64: 1000, 3>}]} {
    %get3A = arith.constant 0 : index
    %get3A_0 = arith.constant 0 : index
    %get3A_1 = arith.constant 0 : index
    %get3A_2 = vector.load %arg1[%get3A, %get3A_0, %get3A_1] : memref<2x1000x128xf32, #tpu.memory_space<vmem>>, vector<1x1000x128xf32>
    %get3A_3 = vector.shape_cast %get3A_2 : vector<1x1000x128xf32> to vector<1000x128xf32>
    %get3A_4 = arith.constant 1 : index
    %get3A_5 = arith.constant 0 : index
    %get3A_6 = arith.constant 0 : index
    %get3A_7 = vector.load %arg1[%get3A_4, %get3A_5, %get3A_6] : memref<2x1000x128xf32, #tpu.memory_space<vmem>>, vector<1x1000x128xf32>
    %get3A_8 = vector.shape_cast %get3A_7 : vector<1x1000x128xf32> to vector<1000x128xf32>
    %add3A = arith.addf %get3A_3, %get3A_8 : vector<1000x128xf32>
    %get3A_9 = arith.constant 0 : index
    %get3A_10 = arith.constant 0 : index
    %get3A_11 = arith.constant 0 : index
    %get3A_12 = vector.load %arg2[%get3A_9, %get3A_10, %get3A_11] : memref<2x1000x128xf32, #tpu.memory_space<vmem>>, vector<1x1000x1xf32>
    %get3A_13 = vector.shape_cast %get3A_12 : vector<1x1000x1xf32> to vector<1000x1xf32>
    %get3A_14 = arith.constant 1 : index
    %get3A_15 = arith.constant 0 : index
    %get3A_16 = arith.constant 0 : index
    %get3A_17 = vector.load %arg2[%get3A_14, %get3A_15, %get3A_16] : memref<2x1000x128xf32, #tpu.memory_space<vmem>>, vector<1x1000x1xf32>
    %get3A_18 = vector.shape_cast %get3A_17 : vector<1x1000x1xf32> to vector<1000x1xf32>
    %add3A_19 = arith.addf %get3A_13, %get3A_18 : vector<1000x1xf32>
    %get3A_20 = arith.constant 0 : index
    %get3A_21 = arith.constant 0 : index
    %get3A_22 = vector.load %arg3[%get3A_20, %get3A_21] : memref<1000x128xf32, #tpu.memory_space<vmem>>, vector<1000x128xf32>
    %get3A_23 = arith.constant 0 : index
    %get3A_24 = arith.constant 0 : index
    %get3A_25 = vector.load %arg4[%get3A_23, %get3A_24] : memref<1000x128xf32, #tpu.memory_space<vmem>>, vector<1000x128xf32>
    %max3A = arith.constant 1.000000e+00 : f32
    %max3A_26 = vector.broadcast %max3A : f32 to vector<1000x1xf32>
    %max3A_27 = arith.maximumf %add3A_19, %max3A_26 : vector<1000x1xf32>
    %div3A = vector.broadcast %max3A_27 : vector<1000x1xf32> to vector<1000x128xf32>
    %div3A_28 = arith.divf %add3A, %div3A : vector<1000x128xf32>
    %min3A = arith.constant 1.000000e+00 : f32
    %min3A_29 = vector.broadcast %min3A : f32 to vector<1000x1xf32>
    %min3A_30 = arith.minimumf %add3A_19, %min3A_29 : vector<1000x1xf32>
    %mul3A = vector.broadcast %min3A_30 : vector<1000x1xf32> to vector<1000x128xf32>
    %mul3A_31 = arith.mulf %get3A_25, %mul3A : vector<1000x128xf32>
    %sub3A = arith.subf %div3A_28, %mul3A_31 : vector<1000x128xf32>
    %get3A_32 = arith.constant 0 : index
    %get3A_33 = arith.constant 0 : index
    %get3A_34 = vector.load %arg5[%get3A_32, %get3A_33] : memref<128x16xf32, #tpu.memory_space<vmem>>, vector<128x16xf32>
    %dot_general3A = arith.constant dense<0.000000e+00> : vector<1000x16xf32>
    %dot_general3A_35 = tpu.matmul %get3A_22, %get3A_34, %dot_general3A {dimension_numbers = #tpu.dot_dimension_numbers<[1], [0], [0], [1], [0, 0, 1, 1], [], []>, transpose_lhs_hint = false} : vector<1000x128xf32>, vector<128x16xf32>, vector<1000x16xf32> -> vector<1000x16xf32>
    %get3A_36 = arith.constant 0 : index
    %get3A_37 = arith.constant 0 : index
    %get3A_38 = vector.load %arg6[%get3A_36, %get3A_37] : memref<128x16xf32, #tpu.memory_space<vmem>>, vector<128x16xf32>
    %dot_general3A_39 = arith.constant dense<0.000000e+00> : vector<1000x16xf32>
    %dot_general3A_40 = tpu.matmul %get3A_25, %get3A_38, %dot_general3A_39 {dimension_numbers = #tpu.dot_dimension_numbers<[1], [0], [0], [1], [0, 0, 1, 1], [], []>, transpose_lhs_hint = false} : vector<1000x128xf32>, vector<128x16xf32>, vector<1000x16xf32> -> vector<1000x16xf32>
    %add3A_41 = arith.addf %dot_general3A_35, %dot_general3A_40 : vector<1000x16xf32>
    %get3A_42 = arith.constant 0 : index
    %get3A_43 = arith.constant 0 : index
    %get3A_44 = vector.load %arg7[%get3A_42, %get3A_43] : memref<128x16xf32, #tpu.memory_space<vmem>>, vector<128x16xf32>
    %dot_general3A_45 = arith.constant dense<0.000000e+00> : vector<1000x16xf32>
    %dot_general3A_46 = tpu.matmul %sub3A, %get3A_44, %dot_general3A_45 {dimension_numbers = #tpu.dot_dimension_numbers<[1], [0], [0], [1], [0, 0, 1, 1], [], []>, transpose_lhs_hint = false} : vector<1000x128xf32>, vector<128x16xf32>, vector<1000x16xf32> -> vector<1000x16xf32>
    %add3A_47 = arith.addf %add3A_41, %dot_general3A_46 : vector<1000x16xf32>
    %get3A_48 = arith.constant 0 : index
    %get3A_49 = arith.constant 0 : index
    %get3A_50 = vector.load %arg8[%get3A_48, %get3A_49] : memref<1x16xf32, #tpu.memory_space<vmem>>, vector<1x16xf32>
    %add3A_51 = vector.broadcast %get3A_50 : vector<1x16xf32> to vector<1000x16xf32>
    %add3A_52 = arith.addf %add3A_47, %add3A_51 : vector<1000x16xf32>
    %max3A_53 = arith.constant 0.000000e+00 : f32
    %max3A_54 = vector.broadcast %max3A_53 : f32 to vector<1000x16xf32>
    %max3A_55 = arith.maximumf %add3A_52, %max3A_54 : vector<1000x16xf32>
    %get3A_56 = arith.constant 0 : index
    %get3A_57 = arith.constant 0 : index
    %get3A_58 = vector.load %arg9[%get3A_56, %get3A_57] : memref<16x3xf32, #tpu.memory_space<vmem>>, vector<16x3xf32>
    %dot_general3A_59 = arith.constant dense<0.000000e+00> : vector<1000x3xf32>
    %dot_general3A_60 = tpu.matmul %max3A_55, %get3A_58, %dot_general3A_59 {dimension_numbers = #tpu.dot_dimension_numbers<[1], [0], [0], [1], [0, 0, 1, 1], [], []>, transpose_lhs_hint = false} : vector<1000x16xf32>, vector<16x3xf32>, vector<1000x3xf32> -> vector<1000x3xf32>
    %get3A_61 = arith.constant 0 : index
    %get3A_62 = arith.constant 0 : index
    %get3A_63 = vector.load %arg10[%get3A_61, %get3A_62] : memref<1x3xf32, #tpu.memory_space<vmem>>, vector<1x3xf32>
    %add3A_64 = vector.broadcast %get3A_63 : vector<1x3xf32> to vector<1000x3xf32>
    %add3A_65 = arith.addf %dot_general3A_60, %add3A_64 : vector<1000x3xf32>
    %swap3A = arith.constant 0 : index
    %swap3A_66 = arith.constant 0 : index
    %swap3A_67 = vector.load %arg11[%swap3A, %swap3A_66] : memref<1000x3xf32, #tpu.memory_space<vmem>>, vector<1000x3xf32>
    tpu.vector_store %arg11[%swap3A, %swap3A_66], %add3A_65 {strides = array<i32>} : memref<1000x3xf32, #tpu.memory_space<vmem>>, vector<1000x3xf32>,
    return
  }
  func.func @transform_0(%arg0: i32) -> (i32, i32, i32) {
    %c0_i32 = arith.constant 0 : i32
    %c0_i32_0 = arith.constant 0 : i32
    %c0_i32_1 = arith.constant 0 : i32
    return %c0_i32, %arg0, %c0_i32_0 : i32, i32, i32
  }
  func.func @transform_1(%arg0: i32) -> (i32, i32, i32) {
    %c0_i32 = arith.constant 0 : i32
    %c0_i32_0 = arith.constant 0 : i32
    %c0_i32_1 = arith.constant 0 : i32
    return %c0_i32, %arg0, %c0_i32_0 : i32, i32, i32
  }
  func.func @transform_2(%arg0: i32) -> (i32, i32) {
    %c0_i32 = arith.constant 0 : i32
    %c0_i32_0 = arith.constant 0 : i32
    return %arg0, %c0_i32 : i32, i32
  }
  func.func @transform_3(%arg0: i32) -> (i32, i32) {
    %c0_i32 = arith.constant 0 : i32
    %c0_i32_0 = arith.constant 0 : i32
    return %arg0, %c0_i32 : i32, i32
  }
  func.func @transform_4(%arg0: i32) -> (i32, i32) {
    %c0_i32 = arith.constant 0 : i32
    %c0_i32_0 = arith.constant 0 : i32
    %c0_i32_1 = arith.constant 0 : i32
    return %c0_i32, %c0_i32_0 : i32, i32
  }
  func.func @transform_5(%arg0: i32) -> (i32, i32) {
    %c0_i32 = arith.constant 0 : i32
    %c0_i32_0 = arith.constant 0 : i32
    %c0_i32_1 = arith.constant 0 : i32
    return %c0_i32, %c0_i32_0 : i32, i32
  }
  func.func @transform_6(%arg0: i32) -> (i32, i32) {
    %c0_i32 = arith.constant 0 : i32
    %c0_i32_0 = arith.constant 0 : i32
    %c0_i32_1 = arith.constant 0 : i32
    return %c0_i32, %c0_i32_0 : i32, i32
  }
  func.func @transform_7(%arg0: i32) -> (i32, i32) {
    %c0_i32 = arith.constant 0 : i32
    %c0_i32_0 = arith.constant 0 : i32
    %c0_i32_1 = arith.constant 0 : i32
    return %c0_i32, %c0_i32_0 : i32, i32
  }
  func.func @transform_8(%arg0: i32) -> (i32, i32) {
    %c0_i32 = arith.constant 0 : i32
    %c0_i32_0 = arith.constant 0 : i32
    %c0_i32_1 = arith.constant 0 : i32
    return %c0_i32, %c0_i32_0 : i32, i32
  }
  func.func @transform_9(%arg0: i32) -> (i32, i32) {
    %c0_i32 = arith.constant 0 : i32
    %c0_i32_0 = arith.constant 0 : i32
    %c0_i32_1 = arith.constant 0 : i32
    return %c0_i32, %c0_i32_0 : i32, i32
  }
  func.func @transform_10(%arg0: i32) -> (i32, i32) {
    %c0_i32 = arith.constant 0 : i32
    %c0_i32_0 = arith.constant 0 : i32
    return %arg0, %c0_i32 : i32, i32
  }
}

</mosaic_0001>

<sc_bundles>
// kernel: kernel.6.cloned.1.call-start
scs
__scs_entry_jumppad:
0x0: {  	(pc) =	sbr.rel $0x88, $3  }
0x1: {  	(tag) =	ssettag $0x0;
	lr =	simm.s32 $0x1  }
0x2: {  	[smem:$0x3F9B] =	sst lr;
	_ =	strace $0xD0000000  }
0x3: {  	_ = 	snop  }
0x4: {  	_ = 	snop  }
0x5: {  	_ = 	snop  }
0x6: {  	_ = 	snop  }
0x7: {  	_ = 	snop  }
__scs_overlays_trampoline_lowered:
0x8: {  	[smem:$0x3FAA] =	sst s0  }
0x9: {  	[smem:$0x3FAB] =	sst s1  }
0xa: {  	[smem:$0x3FAC] =	sst s2  }
0xb: {  	[smem:$0x3FAD] =	sst s3  }
0xc: {  	[smem:$0x3FAE] =	sst s4  }
0xd: {  	[smem:$0x3FAF] =	sst s5  }
0xe: {  	[smem:$0x3FB0] =	sst s6  }
0xf: {  	[smem:$0x3FB1] =	sst s7  }
0x10: {  	[smem:$0x3FB2] =	sst s8  }
0x11: {  	[smem:$0x3FB3] =	sst s9;
	s0 =	simm.s32 @!p0 $0x0  }
0x12: {  	s1 =	sld [smem:$0x3F99];
	s0 =	simm.s32 @p0 $0x1  }
0x13: {  	[smem:$0x3FB4] =	sst s0;
	s0 =	simm.s32 @!p1 $0x0  }
0x14: {  	s2 =	sld [smem:$0x3F98];
	s0 =	simm.s32 @p1 $0x1  }
0x15: {  	[smem:$0x3FB5] =	sst s0;
	s0 =	simm.s32 @!p2 $0x0  }
0x16: {  	s3 =	sld [smem:$0x3FDB];
	s0 =	simm.s32 @p2 $0x1  }
0x17: {  	s4 =	simm.s32 $0x1BF5;
	[smem:$0x3FB7] =	sst s0  }
0x18: {  	s0 =	sld [smem:$0x3F9A];
	_ =	swait.ge [sflag:s4], $0x0  }
0x19: {  	s7 =	sld [smem:$0x3F9B]  }
0x1a: {  	s8 =	sadd.s32 $0xFFFFE003, lr  }
0x1b: {  	s9 =	sadd.s32 $0xFFFFFEF7, lr;
	s5 =	simm.s32 $0xFFFFFFFF;
	p2 =	slt.u32 s8, $0xFFFFF086  }
0x1c: {  	p1 =	slt.u32 s9, $0xF7A;
	s5 =	simm.s32 @!p2 $0x0  }
0x1d: {  	s5 =	simm.s32 @p1 $0x1;
	p0 =	seq.s32 s7, s2  }
0x1e: {  	s7 =	smul.u32 @!p0 $0xF7A, s2;
	p2 =	seq.s32 @!p0 s5, $0x0  }
0x1f: {  	s9 =	smul.u32 $0xF7A, s1;
	s8 =	simm.s32 @!p0 $0x1BF5;
	p2 =	por !p2, p0  }
0x20: {  	[sflag:s8] =	ssyncset.s32 @!p0 $0xFFFFF086;
	s6 =	sadd.s32 @!p0 s3, s7;
	s7 =	simm.s32 @!p0 $0x108  }
0x21: {  	s3 =	sadd.s32 s3, s9;
	s6 =	sadd.s32 @!p0 $0x88, s6;
	s7 =	simm.s32 @p2 $0x1082  }
0x22: {  	[simem:s7], [sflag:s8] =	dma.local @!p0 [hbm:s6], $0xF7A  }
0x23: {  	s9 =	sor.u32 $0xD0000000, s2;
	s6 =	simm.s32 $0x108;
	_ =	swait.ge @!p0 [sflag:s8], $0x0  }
0x24: {  	s3 =	sadd.s32 $0x88, s3;
	s6 =	simm.s32 @!p1 $0x1082;
	[sflag:s4] =	ssyncset.s32 $0xFFFFF086  }
0x25: {  	[simem:s6], [sflag:s4] =	dma.local [hbm:s3], $0xF7A  }
0x26: {  	[smem:$0x3F9B] =	sst s1;
	(tag) =	ssettag s2;
	_ =	strace s9  }
0x27: {  	s1 =	sld [smem:$0x3FAB]  }
0x28: {  	s2 =	sld [smem:$0x3FAC]  }
0x29: {  	s4 =	sld [smem:$0x3FAE]  }
0x2a: {  	p0 =	seq.s32 s5, $0x0;
	s5 =	sld [smem:$0x3FAF]  }
0x2b: {  	s6 =	sld [smem:$0x3FB0]  }
0x2c: {  	s7 =	sld [smem:$0x3FB1]  }
0x2d: {  	s3 =	simm.s32 $0x108;
	s8 =	sld [smem:$0x3FB2]  }
0x2e: {  	s3 =	simm.s32 @!p0 $0x1082;
	s9 =	sld [smem:$0x3FB3]  }
0x2f: {  	lr =	sadd.s32 s0, s3;
	s0 =	sld [smem:$0x3FAA]  }
0x30: {  	s3 =	sld [smem:$0x3FAD]  }
0x31: {  	[smem:$0x3FB6] =	sst s10  }
0x32: {  	s10 =	sld [smem:$0x3FB4];
	_ =	sdelay $0x3  }
0x33: {  	p0 =	seq.s32 s10, $0x1;
	s10 =	sld [smem:$0x3FB6];
	_ =	sdelay $0x3  }
0x34: {  	[smem:$0x3FB6] =	sst s10  }
0x35: {  	s10 =	sld [smem:$0x3FB5];
	_ =	sdelay $0x3  }
0x36: {  	p1 =	seq.s32 s10, $0x1;
	s10 =	sld [smem:$0x3FB6];
	_ =	sdelay $0x3  }
0x37: {  	[smem:$0x3FB6] =	sst s10  }
0x38: {  	s10 =	sld [smem:$0x3FB7]  }
0x39: {  	_ = 	snop;
	(pc) =	sbr.ind lr, $3  }
0x3a: {  	_ = 	snop  }
0x3b: {  	_ = 	snop  }
0x3c: {  	p2 =	seq.s32 s10, $0x1;
	s10 =	sld [smem:$0x3FB6]  }
0x3d: {  	_ =	shalt  }
0x3e: {  	_ =	shalt  }
0x3f: {  	_ =	shalt  }
0x40: {  	_ =	shalt  }
0x41: {  	_ =	shalt  }
0x42: {  	_ =	shalt  }
0x43: {  	_ =	shalt  }
0x44: {  	_ =	shalt  }
0x45: {  	_ =	shalt  }
0x46: {  	_ =	shalt  }
0x47: {  	_ =	shalt  }
0x48: {  	_ =	shalt  }
0x49: {  	_ =	shalt  }
0x4a: {  	_ =	shalt  }
0x4b: {  	_ =	shalt  }
0x4c: {  	_ =	shalt  }
0x4d: {  	_ =	shalt  }
0x4e: {  	_ =	shalt  }
0x4f: {  	_ =	shalt  }
0x50: {  	_ =	shalt  }
0x51: {  	_ =	shalt  }
0x52: {  	_ =	shalt  }
0x53: {  	_ =	shalt  }
0x54: {  	_ =	shalt  }
0x55: {  	_ =	shalt  }
0x56: {  	_ =	shalt  }
0x57: {  	_ =	shalt  }
0x58: {  	_ =	shalt  }
0x59: {  	_ =	shalt  }
0x5a: {  	_ =	shalt  }
0x5b: {  	_ =	shalt  }
0x5c: {  	_ =	shalt  }
0x5d: {  	_ =	shalt  }
0x5e: {  	_ =	shalt  }
0x5f: {  	_ =	shalt  }
0x60: {  	_ =	shalt  }
0x61: {  	_ =	shalt  }
0x62: {  	_ =	shalt  }
0x63: {  	_ =	shalt  }
0x64: {  	_ =	shalt  }
0x65: {  	_ =	shalt  }
0x66: {  	_ =	shalt  }
0x67: {  	_ =	shalt  }
0x68: {  	_ =	shalt  }
0x69: {  	_ =	shalt  }
0x6a: {  	_ =	shalt  }
0x6b: {  	_ =	shalt  }
0x6c: {  	_ =	shalt  }
0x6d: {  	_ =	shalt  }
0x6e: {  	_ =	shalt  }
0x6f: {  	_ =	shalt  }
0x70: {  	_ =	shalt  }
0x71: {  	_ =	shalt  }
0x72: {  	_ =	shalt  }
0x73: {  	_ =	shalt  }
0x74: {  	_ =	shalt  }
0x75: {  	_ =	shalt  }
0x76: {  	_ =	shalt  }
0x77: {  	_ =	shalt  }
0x78: {  	_ =	shalt  }
0x79: {  	_ =	shalt  }
0x7a: {  	_ =	shalt  }
0x7b: {  	_ =	shalt  }
0x7c: {  	_ =	shalt  }
0x7d: {  	_ =	shalt  }
0x7e: {  	_ =	shalt  }
0x7f: {  	_ =	shalt  }
0x80: {  	_ =	shalt  }
0x81: {  	_ =	shalt  }
0x82: {  	_ =	shalt  }
0x83: {  	_ =	shalt  }
0x84: {  	_ =	shalt  }
0x85: {  	_ =	shalt  }
0x86: {  	_ =	shalt  }
0x87: {  	_ =	shalt  }
.Lfunc_end0:
.L_simem_size_0:
called_computation_lowered:
.L_overlay_start_0:
0x88: {  	s2 =	sld [smem:$0x3FD9]  }
0x89: {  	s3 =	sld [smem:$0x3FFE];
	_ =	sdelay $0x1  }
0x8a: {  	s1 =	srdreg.scid  }
0x8b: {  	s0 =	sand.u32 $0x1, s1  }
0x8c: {  	s17 =	sshll.u32 s0, $0xA;
	s2 =	sadd.s32 s3, s2  }
0x8d: {  	s2 =	sadd.s32 s2, s17  }
0x8e: {  	[smem:$0x3FC2] =	sst s2  }
0x8f: {  	_ = 	snop  }
0x90: {  	s2 =	sld [smem:$0x3FC9]  }
0x91: {  	s18 =	sld [smem:$0x3FD0];
	(tm) =	ssettm $0x1  }
0x92: {  	s4 =	sld [smem:$0x3FFB];
	_ =	sdelay $0x3  }
0x93: {  	_ =	strace s4  }
0x94: {  	s4 =	sld [smem:$0x3FFC];
	_ =	sdelay $0x3  }
0x95: {  	_ =	strace s4  }
0x96: {  	s4 =	sld [smem:$0x3FFD];
	_ =	sdelay $0x3  }
0x97: {  	_ =	strace s4  }
0x98: {  	_ =	strace $0x8FFFFFFF  }
0x99: {  	s19 =	sld [smem:$0x3FDB];
	_ =	sdelay $0x1  }
0x9a: {  	s5 =	simm.s32 $_scs_section_size  }
0x9b: {  	s6 =	simm.s32 $_size__tile_overlayer_lowered;
	s7 =	simm.s32 $_tile_overlayer_lowered  }
0x9c: {  	s22 =	simm.s32 $0x1BFF;
	s21 =	sshll.u32 s7, $0x1;
	s4 =	sadd.s32 s5, s19  }
0x9d: {  	s8 =	simm.s32 $0x0;
	s20 =	sshll.u32 s6, $0x1;
	s6 =	sadd.s32 s21, s4  }
0x9e: {  	[timem:s8], [sflag:s22] =	dma.local [hbm:s6], s20  }
0x9f: {  	_ =	swait.ge [sflag:s22], s20  }
0xa0: {  	s5 =	ssub.s32 $0x0, s20;
	[sflag:s22] =	ssyncset.done $0x0  }
0xa1: {  	[sflag:s22] =	ssyncadd.s32 s5;
	_ =	sdelay $0x1  }
0xa2: {  	s23 =	simm.s32 $0x1B8B  }
0xa3: {  	_ =	swait.ge [sflag:s23], $0x1  }
0xa4: {  	[sflag:s23] =	ssyncset.done $0x0  }
0xa5: {  	s25 =	simm.s32 $0x1B8E;
	s24 =	sld [smem:$0x3FFE];
	[sflag:s23] =	ssyncadd.s32 $0xFFFFFFFF  }
0xa6: {  	s26 =	simm.s32 $execute0_lowered;
	[smem:$0x3FD2] =	sst s25  }
0xa7: {  	s6 =	sshll.u32 s26, $0x1;
	_ =	strace $0x80000046;
	[dreg:$0x1] =	wrdreg $0xFFFFFFFF  }
0xa8: {  	s28 =	simm.s32 $_size_execute0_lowered;
	s4 =	sadd.s32 s4, s6;
	[dreg:$0x0] =	wrdreg $0x0  }
0xa9: {  	s6 =	sshll.u32 s28, $0x1;
	[dreg:$0x2] =	wrdreg s4  }
0xaa: {  	[dreg:$0x3] =	wrdreg s6  }
0xab: {  	[dreg:$0x4] =	wrdreg $0xC0  }
0xac: {  	_ =	task [dreg:s8], $0x5FFFF  }
0xad: {  	[dreg:$0x1] =	wrdreg $0xFFFFFFFF  }
0xae: {  	[dreg:$0x0] =	wrdreg $0x60  }
0xaf: {  	[dreg:$0x2] =	wrdreg s2  }
0xb0: {  	[dreg:$0x3] =	wrdreg s18  }
0xb1: {  	[dreg:$0x4] =	wrdreg s24  }
0xb2: {  	[dreg:$0x5] =	wrdreg $0x90000  }
0xb3: {  	[dreg:$0x6] =	wrdreg $0x9  }
0xb4: {  	_ =	task.clear_ibuf [dreg:s8], $0x7FFFF;
	_ =	strace $0x90000046  }
0xb5: {  	s29 =	simm.s32 $0x9;
	_ =	strace $0x80000048  }
0xb6: {  	_ =	swait.ge [sflag:s29], $0x1  }
0xb7: {  	[sflag:s29] =	ssyncadd.s32 $0xFFFFFFFF  }
0xb8: {  	_ =	strace $0x90000048  }
0xb9: {  	_ =	sfence  }
0xba: {  	s30 =	sld [smem:$0x0];
	_ =	sdelay $0x2  }
0xbb: {  	s31 =	sshll.u32 s1, $0xD;
	s1 =	sshrl.u32 s1, $0x2  }
0xbc: {  	s3 =	sand.u32 $0x4000, s31;
	s1 =	sadd.s32 s1, s30  }
0xbd: {  	s0 =	sor.u32 s3, s0;
	s1 =	sshll.u32 s1, $0x11  }
0xbe: {  	s0 =	sor.u32 s1, s0  }
0xbf: {  	s0 =	sadd.s32 $0x8F2B, s0  }
0xc0: {  	[sflag:s0] =	ssyncadd.remote.s32 $0x1  }
0xc1: {  	_ =	sfence.sel $0xFFFF  }
0xc2: {  	[dreg:$0x0] =	wrdreg $0xFFFFFFFF;
	(pc) =	sbr.abs _section_cstart, $3  }
0xc3: {  	[dreg:$0x1] =	wrdreg $0xFFFFFFFF  }
0xc4: {  	_ =	task.clear_ibuf [dreg:s8], $0x2FFFF;
	_ =	strace $0x9FFFFFFF  }
0xc5: {  	(tm) =	ssettm $0x7FFFFFFF  }
tec
execute0_lowered:
.L_overlay_start_1:
0x0: {  	(tag) =	ssettag $0x1  }
0x1: {  	s1 =	rddreg [dreg:$0x0]  }
0x2: {  	s0 =	rddreg [dreg:$0x2]  }
0x3: {  	s3 =	rddreg [dreg:$0x3];
	s2 =	srdreg.scid  }
0x4: {  	s5 =	simm.s32 $0x0;
	s11 =	stileid.u32;
	s18 =	simm.s32 $0x6  }
0x5: {  	s20 =	simm.s32 $0x80;
	s29 =	simm.s32 $0x5;
	s30 =	simm.s32 $0x3  }
0x6: {  	s31 =	simm.s32 $0x1000;
	s19 =	simm.s32 $0x2;
	s21 =	simm.s32 $0x4  }
0x7: {  	s22 =	simm.s32 $0x0;
	s2 =	sand.u32 $0x1, s2;
	s6 =	smul.u32 $0x14000, s11  }
0x8: {  	[smem:$0x7FF] =	sst s5;
	s15 =	sadd.s32 $0x1E00, s0;
	s9 =	smul.u32 $0x50000, s11  }
0x9: {  	s16 =	sadd.s32 $0xBE00, s0;
	s25 =	sshll.u32 s11, $0x6;
	s4 =	smul.u32 $0x140000, s2  }
0xa: {  	_ =	strace $0x80000047;
	s7 =	sshll.u32 s2, $0x4;
	s8 =	ssub.s32 $0x2, s2  }
0xb: {  	s2 =	smul.u32 $0x28000, s2;
	s7 =	sor.u32 s11, s7;
	s23 =	sshrl.u32 s8, $0x1  }
0xc: {  	s24 =	sshrl.u32 s9, $0x2;
	s11 =	smul.u32 $0x2800, s11;
	s4 =	sadd.s32 s6, s4  }
0xd: {  	s6 =	sadd.s32 $0x15E00, s0;
	s7 =	smul.u32 $0x2800, s7;
	s17 =	sadd.s32 s24, s3  }
0xe: {  	s4 =	sshrl.u32 s4, $0x3;
	s2 =	sadd.s32 s11, s2;
	s17 =	sshrl.u32 s17, $0x3  }
0xf: {  	s0 =	sadd.s32 s4, s0;
	s4 =	ssub.s32 s8, s23;
	s10 =	sshrl.u32 s7, $0x3  }
0x10: {  	s7 =	sor.u32 $0x1C06, s25;
	s28 =	sadd.s32 $0x800, s2;
	s2 =	sor.u32 $0x400, s2  }
0x11: {  	s8 =	sadd.s32 s16, s10;
	s26 =	sadd.s32 $0x68600, s0;
	s10 =	sadd.s32 s15, s10  }
0x12: {  	s11 =	sadd.s32 $0x18600, s0;
	s12 =	smax.u32 s4, $0x1;
	s0 =	sshrl.u32 s28, $0x3  }
0x13: {  	s2 =	sshrl.u32 s2, $0x3;
	s4 =	simm.s32 $0x5000;
	[dreg:$0x5] =	wrdreg s26  }
0x14: {  	s13 =	sadd.s32 $0x80, s8;
	s14 =	sadd.s32 s0, s16;
	s25 =	sadd.s32 s2, s15  }
0x15: {  	s24 =	sadd.s32 s2, s16;
	s0 =	simm.s32 $0x800;
	s2 =	simm.s32 $0x1  }
.LBB2_1:
0x16: {  	[spmem:s17], [sflag:s7] =	dma.local [hbm:s6], $0x2800  }
0x17: {  	_ =	swait.ge [sflag:s18], $0x2800  }
0x18: {  	[sflag:s18] =	ssyncset.done $0x0  }
0x19: {  	[sflag:s18] =	ssyncadd.s32 $0xFFFFD800  }
0x1a: {  	s9 =	rddreg [dreg:$0x1]  }
0x1b: {  	[tilespmem:s31], [sflag:$0x6] =	stream.linear.gather [hbm4b:s9+s5], $0x4000, $0x38;
	[tilespmem:$0x1D000] =	vst v63  }
0x1c: {  	_ =	swait.ge [sflag:s18], $0x4000  }
0x1d: {  	[sflag:s18] =	ssyncset.done $0x0  }
0x1e: {  	[sflag:s18] =	ssyncadd.s32 $0xFFFFC000  }
0x1f: {  	[bflag:$0x0] =	sbarrier.arrive $0xFFFF  }
0x20: {  	[tilespmem:s0], [sflag:$0x6] =	stream.linear.gather [hbm4b:s8+s5], $0x400, $0x38;
	[tilespmem:$0x1D000] =	vst v63  }
0x21: {  	_ =	swait.ge [sflag:s18], $0x400  }
0x22: {  	[sflag:s18] =	ssyncset.done $0x0  }
0x23: {  	s23 =	simm.s32 $0xC00;
	[sflag:s18] =	ssyncadd.s32 $0xFFFFFC00  }
0x24: {  	[tilespmem:s23], [sflag:$0x5] =	stream.linear.gather [hbm4b:s13+s5], $0x400, $0x38;
	[tilespmem:$0x1D000] =	vst v63  }
0x25: {  	_ = 	snop  }
0x26: {  	[spmem:s3] =	stream.indirect.scatter.add.f32 [tilespmem:s31], [sflag:$0x3], $0x80, s0, s20, $0xb8;
	[tilespmem:$0x1D000] =	vst v63  }
0x27: {  	s26 =	simm.s32 $0x880  }
0x28: {  	[spmem:s3] =	stream.indirect.scatter.add.f32 [tilespmem:s31], [sflag:$0x3], $0x80, s26, s20, $0xb8;
	[tilespmem:$0x1D000] =	vst v63  }
0x29: {  	s28 =	simm.s32 $0x900  }
0x2a: {  	[spmem:s3] =	stream.indirect.scatter.add.f32 [tilespmem:s31], [sflag:$0x3], $0x80, s28, s20, $0xb8;
	[tilespmem:$0x1D000] =	vst v63  }
0x2b: {  	s15 =	simm.s32 $0x980  }
0x2c: {  	[spmem:s3] =	stream.indirect.scatter.add.f32 [tilespmem:s31], [sflag:$0x3], $0x80, s15, s20, $0xb8;
	[tilespmem:$0x1D000] =	vst v63  }
0x2d: {  	s16 =	simm.s32 $0xA00  }
0x2e: {  	[spmem:s3] =	stream.indirect.scatter.add.f32 [tilespmem:s31], [sflag:$0x3], $0x80, s16, s20, $0xb8;
	[tilespmem:$0x1D000] =	vst v63  }
0x2f: {  	s23 =	simm.s32 $0xA80  }
0x30: {  	[spmem:s3] =	stream.indirect.scatter.add.f32 [tilespmem:s31], [sflag:$0x3], $0x80, s23, s20, $0xb8;
	[tilespmem:$0x1D000] =	vst v63  }
0x31: {  	s26 =	simm.s32 $0xB00  }
0x32: {  	[spmem:s3] =	stream.indirect.scatter.add.f32 [tilespmem:s31], [sflag:$0x3], $0x80, s26, s20, $0xb8;
	[tilespmem:$0x1D000] =	vst v63  }
0x33: {  	s28 =	simm.s32 $0xB80  }
0x34: {  	[spmem:s3] =	stream.indirect.scatter.add.f32 [tilespmem:s31], [sflag:$0x3], $0x80, s28, s20, $0xb8;
	[tilespmem:$0x1D000] =	vst v63  }
0x35: {  	_ =	swait.ge [sflag:s29], $0x400  }
0x36: {  	s15 =	simm.s32 $0x1000;
	[sflag:s29] =	ssyncset.done $0x0  }
0x37: {  	s16 =	smov.u32 s14;
	s23 =	simm.s32 $0x800;
	[sflag:s29] =	ssyncadd.s32 $0xFFFFFC00  }
.LBB2_2:
0x38: {  	_ =	swait.ge [sflag:s30], $0x4000  }
0x39: {  	[sflag:s30] =	ssyncset.done $0x0  }
0x3a: {  	[sflag:s30] =	ssyncadd.s32 $0xFFFFC000  }
0x3b: {  	_ =	swait.ge [sflag:s30], $0x4000  }
0x3c: {  	[sflag:s30] =	ssyncset.done $0x0  }
0x3d: {  	[sflag:s30] =	ssyncadd.s32 $0xFFFFC000  }
0x3e: {  	_ =	swait.ge [sflag:s30], $0x4000  }
0x3f: {  	[sflag:s30] =	ssyncset.done $0x0  }
0x40: {  	[sflag:s30] =	ssyncadd.s32 $0xFFFFC000  }
0x41: {  	_ =	swait.ge [sflag:s30], $0x4000  }
0x42: {  	[sflag:s30] =	ssyncset.done $0x0  }
0x43: {  	[sflag:s30] =	ssyncadd.s32 $0xFFFFC000  }
0x44: {  	_ =	swait.ge [sflag:s30], $0x4000  }
0x45: {  	[sflag:s30] =	ssyncset.done $0x0  }
0x46: {  	[sflag:s30] =	ssyncadd.s32 $0xFFFFC000  }
0x47: {  	_ =	swait.ge [sflag:s30], $0x4000  }
0x48: {  	[sflag:s30] =	ssyncset.done $0x0  }
0x49: {  	[sflag:s30] =	ssyncadd.s32 $0xFFFFC000  }
0x4a: {  	_ =	swait.ge [sflag:s30], $0x4000  }
0x4b: {  	[sflag:s30] =	ssyncset.done $0x0  }
0x4c: {  	[sflag:s30] =	ssyncadd.s32 $0xFFFFC000  }
0x4d: {  	p0 =	seq.s32 s23, $0x2800;
	_ =	swait.ge [sflag:s30], $0x4000  }
0x4e: {  	s26 =	sand.u32 $0x1000, s15;
	s28 =	sand.u32 @!p0 $0x400, s23;
	[sflag:s30] =	ssyncset.done $0x0  }
0x4f: {  	s9 =	simm.s32 @!p0 $0x0;
	s28 =	sor.u32 @!p0 $0x800, s28;
	[sflag:s30] =	ssyncadd.s32 $0xFFFFC000  }
0x50: {  	[tilespmem:s28], [sflag:$0x5] =	stream.linear.gather @!p0 [hbm4b:s16+s9], $0x400, $0x38;
	[tilespmem:$0x1D000] =	vst v63  }
0x51: {  	s9 =	sshrl.u32 s26, $0x2  }
0x52: {  	s26 =	sor.u32 $0x800, s9  }
0x53: {  	[spmem:s3] =	stream.indirect.scatter.add.f32 [tilespmem:s31], [sflag:$0x3], $0x80, s26, s20, $0xb8;
	[tilespmem:$0x1D000] =	vst v63  }
0x54: {  	s28 =	sadd.s32 $0x880, s9  }
0x55: {  	[spmem:s3] =	stream.indirect.scatter.add.f32 [tilespmem:s31], [sflag:$0x3], $0x80, s28, s20, $0xb8;
	[tilespmem:$0x1D000] =	vst v63  }
0x56: {  	s28 =	sadd.s32 $0x900, s9  }
0x57: {  	[spmem:s3] =	stream.indirect.scatter.add.f32 [tilespmem:s31], [sflag:$0x3], $0x80, s28, s20, $0xb8;
	[tilespmem:$0x1D000] =	vst v63  }
0x58: {  	s28 =	sadd.s32 $0x980, s9  }
0x59: {  	[spmem:s3] =	stream.indirect.scatter.add.f32 [tilespmem:s31], [sflag:$0x3], $0x80, s28, s20, $0xb8;
	[tilespmem:$0x1D000] =	vst v63  }
0x5a: {  	s28 =	sadd.s32 $0xA00, s9  }
0x5b: {  	[spmem:s3] =	stream.indirect.scatter.add.f32 [tilespmem:s31], [sflag:$0x3], $0x80, s28, s20, $0xb8;
	[tilespmem:$0x1D000] =	vst v63  }
0x5c: {  	s23 =	sadd.s32 @!p0 $0x400, s23;
	s28 =	sadd.s32 $0xA80, s9  }
0x5d: {  	[spmem:s3] =	stream.indirect.scatter.add.f32 [tilespmem:s31], [sflag:$0x3], $0x80, s28, s20, $0xb8;
	[tilespmem:$0x1D000] =	vst v63  }
0x5e: {  	p1 =	sne.s32 @!p0 s23, $0x2C00;
	s28 =	sadd.s32 $0xB00, s9  }
0x5f: {  	[spmem:s3] =	stream.indirect.scatter.add.f32 [tilespmem:s31], [sflag:$0x3], $0x80, s28, s20, $0xb8;
	[tilespmem:$0x1D000] =	vst v63  }
0x60: {  	p1 =	por p0, !p1;
	s9 =	sadd.s32 $0xB80, s9  }
0x61: {  	[spmem:s3] =	stream.indirect.scatter.add.f32 [tilespmem:s31], [sflag:$0x3], $0x80, s9, s20, $0xb8;
	[tilespmem:$0x1D000] =	vst v63  }
.Ltmp0:
0x62: {  	_ = 	snop;
	(pc) =	sbr.rel @!p1 .LBB2_2-.Ltmp0, $4  }
0x63: {  	s9 =	simm.s32 @!p0 $0x5  }
0x64: {  	_ =	swait.ge @!p0 [sflag:s9], $0x400  }
0x65: {  	[sflag:s9] =	ssyncset.done @!p0 $0x0  }
0x66: {  	s15 =	sadd.s32 @!p0 $0x1000, s15;
	s16 =	sadd.s32 @!p0 $0x80, s16;
	[sflag:s9] =	ssyncadd.s32 @!p0 $0xFFFFFC00  }
0x67: {  	_ =	swait.ge [sflag:s30], $0x4000  }
0x68: {  	[sflag:s30] =	ssyncset.done $0x0  }
0x69: {  	[sflag:s30] =	ssyncadd.s32 $0xFFFFC000  }
0x6a: {  	_ =	swait.ge [sflag:s30], $0x4000  }
0x6b: {  	[sflag:s30] =	ssyncset.done $0x0  }
0x6c: {  	[sflag:s30] =	ssyncadd.s32 $0xFFFFC000  }
0x6d: {  	_ =	swait.ge [sflag:s30], $0x4000  }
0x6e: {  	[sflag:s30] =	ssyncset.done $0x0  }
0x6f: {  	[sflag:s30] =	ssyncadd.s32 $0xFFFFC000  }
0x70: {  	_ =	swait.ge [sflag:s30], $0x4000  }
0x71: {  	[sflag:s30] =	ssyncset.done $0x0  }
0x72: {  	[sflag:s30] =	ssyncadd.s32 $0xFFFFC000  }
0x73: {  	_ =	swait.ge [sflag:s30], $0x4000  }
0x74: {  	[sflag:s30] =	ssyncset.done $0x0  }
0x75: {  	[sflag:s30] =	ssyncadd.s32 $0xFFFFC000  }
0x76: {  	_ =	swait.ge [sflag:s30], $0x4000  }
0x77: {  	[sflag:s30] =	ssyncset.done $0x0  }
0x78: {  	[sflag:s30] =	ssyncadd.s32 $0xFFFFC000  }
0x79: {  	_ =	swait.ge [sflag:s30], $0x4000  }
0x7a: {  	[sflag:s30] =	ssyncset.done $0x0  }
0x7b: {  	[sflag:s30] =	ssyncadd.s32 $0xFFFFC000  }
0x7c: {  	_ =	swait.ge [sflag:s30], $0x4000  }
0x7d: {  	[sflag:s30] =	ssyncset.done $0x0  }
0x7e: {  	[sflag:s30] =	ssyncadd.s32 $0xFFFFC000  }
0x7f: {  	[bflag:$0x0] =	sbarrier.arrive $0xFFFF  }
0x80: {  	s9 =	rddreg [dreg:$0x5]  }
0x81: {  	[hbm:s9], [sflag:s7] =	dma.local [spmem:s17], $0x2800  }
0x82: {  	_ =	swait.ge [sflag:s18], $0x2800  }
0x83: {  	[sflag:s18] =	ssyncset.done $0x0  }
0x84: {  	[sflag:s18] =	ssyncadd.s32 $0xFFFFD800  }
0x85: {  	[spmem:s17], [sflag:s7] =	dma.local [hbm:s6], $0x2800  }
0x86: {  	_ =	swait.ge [sflag:s18], $0x2800  }
0x87: {  	[sflag:s18] =	ssyncset.done $0x0  }
0x88: {  	[sflag:s18] =	ssyncadd.s32 $0xFFFFD800  }
0x89: {  	[bflag:$0x0] =	sbarrier.arrive $0xFFFF  }
0x8a: {  	[tilespmem:s0], [sflag:$0x6] =	stream.linear.gather [hbm4b:s8+s5], $0x400, $0x38;
	[tilespmem:$0x1D000] =	vst v63  }
0x8b: {  	_ =	swait.ge [sflag:s18], $0x400  }
0x8c: {  	[sflag:s18] =	ssyncset.done $0x0  }
0x8d: {  	[sflag:s18] =	ssyncadd.s32 $0xFFFFFC00  }
0x8e: {  	[tilespmem:s5], [sflag:$0x6] =	stream.linear.gather [hbm4b:s10+s5], $0x400, $0x38;
	[tilespmem:$0x1D000] =	vst v63  }
0x8f: {  	_ =	swait.ge [sflag:s18], $0x400  }
0x90: {  	s23 =	simm.s32 $0x8;
	[sflag:s18] =	ssyncset.done $0x0  }
0x91: {  	s16 =	smov.u32 s24;
	s15 =	smov.u32 s25;
	[sflag:s18] =	ssyncadd.s32 $0xFFFFFC00  }
0x92: {  	[tilespmem:s31], [sflag:$0x1] =	stream.indirect.gather [hbm4b:s1+s20], $0x80, s5, s20, $0xb8;
	[tilespmem:$0x1D000] =	vst v63  }
.LBB2_4:
0x93: {  	p0 =	seq.s32 s23, $0x8  }
0x94: {  	s9 =	simm.s32 @!p0 $0x4  }
0x95: {  	p1 =	seq.s32 @!p0 s23, $0x50;
	_ =	swait.ge @!p0 [sflag:s9], $0x4000  }
0x96: {  	s26 =	sand.u32 $0x8, s23;
	p1 =	por p0, !p1;
	[sflag:s9] =	ssyncset.done @!p0 $0x0  }
0x97: {  	[sflag:s9] =	ssyncadd.s32 @!p0 $0xFFFFC000;
	s9 =	sshll.u32 @p1 s26, $0x7  }
0x98: {  	s28 =	sor.u32 @p1 $0x800, s9  }
0x99: {  	[tilespmem:s28], [sflag:$0x5] =	stream.linear.gather @p1 [hbm4b:s16+s5], $0x400, $0x38;
	[tilespmem:$0x1D000] =	vst v63  }
0x9a: {  	s28 =	sadd.s32 $0xFFFFFFF8, s23  }
0x9b: {  	[tilespmem:s9], [sflag:$0x5] =	stream.linear.gather @p1 [hbm4b:s15+s5], $0x400, $0x38;
	[tilespmem:$0x1D000] =	vst v63  }
0x9c: {  	s9 =	sand.u32 $0x8, s28  }
0x9d: {  	s28 =	sshll.u32 s9, $0x7  }
0x9e: {  	s9 =	sor.u32 $0x80, s28  }
0x9f: {  	[tilespmem:s4], [sflag:$0x2] =	stream.indirect.gather [hbm4b:s1+s20], $0x80, s9, s20, $0xb8;
	[tilespmem:$0x1D000] =	vst v63  }
0xa0: {  	_ =	swait.ge [sflag:s2], $0x4000  }
0xa1: {  	[sflag:s2] =	ssyncset.done $0x0  }
0xa2: {  	s9 =	sor.u32 $0x800, s28;
	[sflag:s2] =	ssyncadd.s32 $0xFFFFC000  }
0xa3: {  	[spmem:s3] =	stream.indirect.scatter.add.f32 [tilespmem:s31], [sflag:$0x3], $0x80, s9, s20, $0xb8;
	[tilespmem:$0x1D000] =	vst v63  }
0xa4: {  	_ =	swait.ge [sflag:s30], $0x4000  }
0xa5: {  	[sflag:s30] =	ssyncset.done $0x0  }
0xa6: {  	s9 =	sor.u32 $0x100, s28;
	[sflag:s30] =	ssyncadd.s32 $0xFFFFC000  }
0xa7: {  	[tilespmem:s31], [sflag:$0x1] =	stream.indirect.gather [hbm4b:s1+s20], $0x80, s9, s20, $0xb8;
	[tilespmem:$0x1D000] =	vst v63  }
0xa8: {  	_ =	swait.ge [sflag:s19], $0x4000  }
0xa9: {  	[sflag:s19] =	ssyncset.done $0x0  }
0xaa: {  	s9 =	sor.u32 $0x880, s28;
	[sflag:s19] =	ssyncadd.s32 $0xFFFFC000  }
0xab: {  	[spmem:s3] =	stream.indirect.scatter.add.f32 [tilespmem:s4], [sflag:$0x4], $0x80, s9, s20, $0xb8;
	[tilespmem:$0x1D000] =	vst v63  }
0xac: {  	_ =	swait.ge [sflag:s21], $0x4000  }
0xad: {  	[sflag:s21] =	ssyncset.done $0x0  }
0xae: {  	s9 =	sor.u32 $0x180, s28;
	[sflag:s21] =	ssyncadd.s32 $0xFFFFC000  }
0xaf: {  	[tilespmem:s4], [sflag:$0x2] =	stream.indirect.gather [hbm4b:s1+s20], $0x80, s9, s20, $0xb8;
	[tilespmem:$0x1D000] =	vst v63  }
0xb0: {  	_ =	swait.ge [sflag:s2], $0x4000  }
0xb1: {  	[sflag:s2] =	ssyncset.done $0x0  }
0xb2: {  	s9 =	sor.u32 $0x900, s28;
	[sflag:s2] =	ssyncadd.s32 $0xFFFFC000  }
0xb3: {  	[spmem:s3] =	stream.indirect.scatter.add.f32 [tilespmem:s31], [sflag:$0x3], $0x80, s9, s20, $0xb8;
	[tilespmem:$0x1D000] =	vst v63  }
0xb4: {  	_ =	swait.ge [sflag:s30], $0x4000  }
0xb5: {  	[sflag:s30] =	ssyncset.done $0x0  }
0xb6: {  	s9 =	sor.u32 $0x200, s28;
	[sflag:s30] =	ssyncadd.s32 $0xFFFFC000  }
0xb7: {  	[tilespmem:s31], [sflag:$0x1] =	stream.indirect.gather [hbm4b:s1+s20], $0x80, s9, s20, $0xb8;
	[tilespmem:$0x1D000] =	vst v63  }
0xb8: {  	_ =	swait.ge [sflag:s19], $0x4000  }
0xb9: {  	[sflag:s19] =	ssyncset.done $0x0  }
0xba: {  	s9 =	sor.u32 $0x980, s28;
	[sflag:s19] =	ssyncadd.s32 $0xFFFFC000  }
0xbb: {  	[spmem:s3] =	stream.indirect.scatter.add.f32 [tilespmem:s4], [sflag:$0x4], $0x80, s9, s20, $0xb8;
	[tilespmem:$0x1D000] =	vst v63  }
0xbc: {  	_ =	swait.ge [sflag:s21], $0x4000  }
0xbd: {  	[sflag:s21] =	ssyncset.done $0x0  }
0xbe: {  	s9 =	sor.u32 $0x280, s28;
	[sflag:s21] =	ssyncadd.s32 $0xFFFFC000  }
0xbf: {  	[tilespmem:s4], [sflag:$0x2] =	stream.indirect.gather [hbm4b:s1+s20], $0x80, s9, s20, $0xb8;
	[tilespmem:$0x1D000] =	vst v63  }
0xc0: {  	_ =	swait.ge [sflag:s2], $0x4000  }
0xc1: {  	[sflag:s2] =	ssyncset.done $0x0  }
0xc2: {  	s9 =	sor.u32 $0xA00, s28;
	[sflag:s2] =	ssyncadd.s32 $0xFFFFC000  }
0xc3: {  	[spmem:s3] =	stream.indirect.scatter.add.f32 [tilespmem:s31], [sflag:$0x3], $0x80, s9, s20, $0xb8;
	[tilespmem:$0x1D000] =	vst v63  }
0xc4: {  	_ =	swait.ge [sflag:s30], $0x4000  }
0xc5: {  	[sflag:s30] =	ssyncset.done $0x0  }
0xc6: {  	s9 =	sor.u32 $0x300, s28;
	[sflag:s30] =	ssyncadd.s32 $0xFFFFC000  }
0xc7: {  	[tilespmem:s31], [sflag:$0x1] =	stream.indirect.gather [hbm4b:s1+s20], $0x80, s9, s20, $0xb8;
	[tilespmem:$0x1D000] =	vst v63  }
0xc8: {  	_ =	swait.ge [sflag:s19], $0x4000  }
0xc9: {  	[sflag:s19] =	ssyncset.done $0x0  }
0xca: {  	s9 =	sor.u32 $0xA80, s28;
	[sflag:s19] =	ssyncadd.s32 $0xFFFFC000  }
0xcb: {  	[spmem:s3] =	stream.indirect.scatter.add.f32 [tilespmem:s4], [sflag:$0x4], $0x80, s9, s20, $0xb8;
	[tilespmem:$0x1D000] =	vst v63  }
0xcc: {  	_ =	swait.ge [sflag:s21], $0x4000  }
0xcd: {  	[sflag:s21] =	ssyncset.done $0x0  }
0xce: {  	s9 =	sor.u32 $0x380, s28;
	[sflag:s21] =	ssyncadd.s32 $0xFFFFC000  }
0xcf: {  	[tilespmem:s4], [sflag:$0x2] =	stream.indirect.gather [hbm4b:s1+s20], $0x80, s9, s20, $0xb8;
	[tilespmem:$0x1D000] =	vst v63  }
0xd0: {  	_ =	swait.ge [sflag:s2], $0x4000  }
0xd1: {  	[sflag:s2] =	ssyncset.done $0x0  }
0xd2: {  	s28 =	sor.u32 $0xB00, s28;
	[sflag:s2] =	ssyncadd.s32 $0xFFFFC000  }
0xd3: {  	[spmem:s3] =	stream.indirect.scatter.add.f32 [tilespmem:s31], [sflag:$0x3], $0x80, s28, s20, $0xb8;
	[tilespmem:$0x1D000] =	vst v63  }
0xd4: {  	p0 =	por @!p0 $0x1, $0x1;
	_ =	swait.ge [sflag:s30], $0x4000  }
0xd5: {  	p0 =	por @p1 $0x0, $0x0;
	[sflag:s30] =	ssyncset.done $0x0  }
0xd6: {  	s28 =	simm.s32 @!p0 $0x5;
	[sflag:s30] =	ssyncadd.s32 $0xFFFFC000  }
0xd7: {  	_ =	swait.ge @!p0 [sflag:s28], $0x400  }
0xd8: {  	[sflag:s28] =	ssyncset.done @!p0 $0x0  }
0xd9: {  	[sflag:s28] =	ssyncadd.s32 @!p0 $0xFFFFFC00  }
0xda: {  	_ =	swait.ge @!p0 [sflag:s28], $0x400  }
0xdb: {  	s23 =	sadd.s32 $0x8, s23;
	[sflag:s28] =	ssyncset.done @!p0 $0x0  }
0xdc: {  	s26 =	sshll.u32 s26, $0x7;
	[sflag:s28] =	ssyncadd.s32 @!p0 $0xFFFFFC00;
	p0 =	sne.s32 s23, $0x58  }
0xdd: {  	[tilespmem:s31], [sflag:$0x1] =	stream.indirect.gather [hbm4b:s1+s20], $0x80, s26, s20, $0xb8;
	[tilespmem:$0x1D000] =	vst v63  }
.Ltmp1:
0xde: {  	_ = 	snop;
	(pc) =	sbr.rel @p0 .LBB2_4-.Ltmp1, $4  }
0xdf: {  	_ =	swait.ge [sflag:s19], $0x4000  }
0xe0: {  	s16 =	sadd.s32 $0x80, s16;
	[sflag:s19] =	ssyncset.done $0x0  }
0xe1: {  	s15 =	sadd.s32 $0x80, s15;
	s9 =	sor.u32 $0x800, s9;
	[sflag:s19] =	ssyncadd.s32 $0xFFFFC000  }
0xe2: {  	[spmem:s3] =	stream.indirect.scatter.add.f32 [tilespmem:s4], [sflag:$0x4], $0x80, s9, s20, $0xb8;
	[tilespmem:$0x1D000] =	vst v63  }
0xe3: {  	_ =	swait.ge [sflag:s2], $0x4000  }
0xe4: {  	[sflag:s2] =	ssyncset.done $0x0  }
0xe5: {  	[sflag:s2] =	ssyncadd.s32 $0xFFFFC000  }
0xe6: {  	_ =	swait.ge [sflag:s21], $0x4000  }
0xe7: {  	s22 =	sadd.s32 $0x1, s22;
	[sflag:s21] =	ssyncset.done $0x0  }
0xe8: {  	p0 =	sne.s32 s22, s12;
	[sflag:s21] =	ssyncadd.s32 $0xFFFFC000  }
.Ltmp2:
0xe9: {  	[bflag:$0x0] =	sbarrier.arrive $0xFFFF;
	(pc) =	sbr.rel @p0 .LBB2_1-.Ltmp2, $4  }
0xea: {  	[hbm:s11], [sflag:s7] =	dma.local [spmem:s17], $0x2800  }
0xeb: {  	_ =	swait.ge [sflag:s18], $0x2800  }
0xec: {  	[sflag:s18] =	ssyncset.done $0x0  }
0xed: {  	[sflag:s18] =	ssyncadd.s32 $0xFFFFD800  }
0xee: {  	_ =	sfence.sel $0x180000  }
0xef: {  	[bflag:$0x0] =	sbarrier.arrive $0xFFFF  }
0xf0: {  	_ =	strace $0x90000047  }
0xf1: {  	s0 =	stileid.u32;
	[bflag:$0x2] =	sbarrier.arrive $0xFFFF  }
0xf2: {  	p0 =	sne.s32 s0, $0x0;
	s0 =	rddreg [dreg:$0x4]  }
0xf3: {  	s0 =	sadd.s32 @!p0 $0x100000, s0  }
0xf4: {  	[sflag:s0] =	ssyncadd.tile.s32 @!p0 $0x1;
	_ =	shalt  }
.Lfunc_end2:
_tile_overlayer_lowered:
.L_overlay_start_2:
0xf5: {  	(tag) =	ssettag $0x2  }
0xf6: {  	s0 =	rddreg [dreg:$0x0];
	s2 =	stileid.u32  }
0xf7: {  	s1 =	rddreg [dreg:$0x1];
	p0 =	sne.s32 s2, $0x0  }
0xf8: {  	s3 =	rddreg [dreg:$0x2];
	[bflag:$0x3] =	sbarrier.arrive $0xFFFF;
	s2 =	simm.s32 @!p0 $0x1C06  }
0xf9: {  	[timem:s3], [sflag:s2] =	dma.local @!p0 [hbm:s0], s1  }
0xfa: {  	s0 =	simm.s32 @!p0 $0x6  }
0xfb: {  	_ =	swait.ge @!p0 [sflag:s0], s1  }
0xfc: {  	s1 =	ssub.s32 @!p0 $0x0, s1;
	[sflag:s0] =	ssyncset.done @!p0 $0x0  }
0xfd: {  	[sflag:s0] =	ssyncadd.s32 @!p0 s1  }
0xfe: {  	[bflag:$0x3] =	sbarrier.arrive $0xFFFF  }
0xff: {  	_ =	shalt  }

// kernel: kernel.9.cloned.1.call-start
scs
__scs_entry_jumppad:
0x0: {  	(pc) =	sbr.rel $0x88, $3  }
0x1: {  	(tag) =	ssettag $0x0;
	lr =	simm.s32 $0x1  }
0x2: {  	[smem:$0x3F9B] =	sst lr;
	_ =	strace $0xD0000000  }
0x3: {  	_ = 	snop  }
0x4: {  	_ = 	snop  }
0x5: {  	_ = 	snop  }
0x6: {  	_ = 	snop  }
0x7: {  	_ = 	snop  }
__scs_overlays_trampoline_lowered:
0x8: {  	[smem:$0x3FAA] =	sst s0  }
0x9: {  	[smem:$0x3FAB] =	sst s1  }
0xa: {  	[smem:$0x3FAC] =	sst s2  }
0xb: {  	[smem:$0x3FAD] =	sst s3  }
0xc: {  	[smem:$0x3FAE] =	sst s4  }
0xd: {  	[smem:$0x3FAF] =	sst s5  }
0xe: {  	[smem:$0x3FB0] =	sst s6  }
0xf: {  	[smem:$0x3FB1] =	sst s7  }
0x10: {  	[smem:$0x3FB2] =	sst s8  }
0x11: {  	[smem:$0x3FB3] =	sst s9;
	s0 =	simm.s32 @!p0 $0x0  }
0x12: {  	s1 =	sld [smem:$0x3F99];
	s0 =	simm.s32 @p0 $0x1  }
0x13: {  	[smem:$0x3FB4] =	sst s0;
	s0 =	simm.s32 @!p1 $0x0  }
0x14: {  	s2 =	sld [smem:$0x3F98];
	s0 =	simm.s32 @p1 $0x1  }
0x15: {  	[smem:$0x3FB5] =	sst s0;
	s0 =	simm.s32 @!p2 $0x0  }
0x16: {  	s3 =	sld [smem:$0x3FDB];
	s0 =	simm.s32 @p2 $0x1  }
0x17: {  	s4 =	simm.s32 $0x1BF5;
	[smem:$0x3FB7] =	sst s0  }
0x18: {  	s0 =	sld [smem:$0x3F9A];
	_ =	swait.ge [sflag:s4], $0x0  }
0x19: {  	s7 =	sld [smem:$0x3F9B]  }
0x1a: {  	s8 =	sadd.s32 $0xFFFFE003, lr  }
0x1b: {  	s9 =	sadd.s32 $0xFFFFFEF7, lr;
	s5 =	simm.s32 $0xFFFFFFFF;
	p2 =	slt.u32 s8, $0xFFFFF086  }
0x1c: {  	p1 =	slt.u32 s9, $0xF7A;
	s5 =	simm.s32 @!p2 $0x0  }
0x1d: {  	s5 =	simm.s32 @p1 $0x1;
	p0 =	seq.s32 s7, s2  }
0x1e: {  	s7 =	smul.u32 @!p0 $0xF7A, s2;
	p2 =	seq.s32 @!p0 s5, $0x0  }
0x1f: {  	s9 =	smul.u32 $0xF7A, s1;
	s8 =	simm.s32 @!p0 $0x1BF5;
	p2 =	por !p2, p0  }
0x20: {  	[sflag:s8] =	ssyncset.s32 @!p0 $0xFFFFF086;
	s6 =	sadd.s32 @!p0 s3, s7;
	s7 =	simm.s32 @!p0 $0x108  }
0x21: {  	s3 =	sadd.s32 s3, s9;
	s6 =	sadd.s32 @!p0 $0x88, s6;
	s7 =	simm.s32 @p2 $0x1082  }
0x22: {  	[simem:s7], [sflag:s8] =	dma.local @!p0 [hbm:s6], $0xF7A  }
0x23: {  	s9 =	sor.u32 $0xD0000000, s2;
	s6 =	simm.s32 $0x108;
	_ =	swait.ge @!p0 [sflag:s8], $0x0  }
0x24: {  	s3 =	sadd.s32 $0x88, s3;
	s6 =	simm.s32 @!p1 $0x1082;
	[sflag:s4] =	ssyncset.s32 $0xFFFFF086  }
0x25: {  	[simem:s6], [sflag:s4] =	dma.local [hbm:s3], $0xF7A  }
0x26: {  	[smem:$0x3F9B] =	sst s1;
	(tag) =	ssettag s2;
	_ =	strace s9  }
0x27: {  	s1 =	sld [smem:$0x3FAB]  }
0x28: {  	s2 =	sld [smem:$0x3FAC]  }
0x29: {  	s4 =	sld [smem:$0x3FAE]  }
0x2a: {  	p0 =	seq.s32 s5, $0x0;
	s5 =	sld [smem:$0x3FAF]  }
0x2b: {  	s6 =	sld [smem:$0x3FB0]  }
0x2c: {  	s7 =	sld [smem:$0x3FB1]  }
0x2d: {  	s3 =	simm.s32 $0x108;
	s8 =	sld [smem:$0x3FB2]  }
0x2e: {  	s3 =	simm.s32 @!p0 $0x1082;
	s9 =	sld [smem:$0x3FB3]  }
0x2f: {  	lr =	sadd.s32 s0, s3;
	s0 =	sld [smem:$0x3FAA]  }
0x30: {  	s3 =	sld [smem:$0x3FAD]  }
0x31: {  	[smem:$0x3FB6] =	sst s10  }
0x32: {  	s10 =	sld [smem:$0x3FB4];
	_ =	sdelay $0x3  }
0x33: {  	p0 =	seq.s32 s10, $0x1;
	s10 =	sld [smem:$0x3FB6];
	_ =	sdelay $0x3  }
0x34: {  	[smem:$0x3FB6] =	sst s10  }
0x35: {  	s10 =	sld [smem:$0x3FB5];
	_ =	sdelay $0x3  }
0x36: {  	p1 =	seq.s32 s10, $0x1;
	s10 =	sld [smem:$0x3FB6];
	_ =	sdelay $0x3  }
0x37: {  	[smem:$0x3FB6] =	sst s10  }
0x38: {  	s10 =	sld [smem:$0x3FB7]  }
0x39: {  	_ = 	snop;
	(pc) =	sbr.ind lr, $3  }
0x3a: {  	_ = 	snop  }
0x3b: {  	_ = 	snop  }
0x3c: {  	p2 =	seq.s32 s10, $0x1;
	s10 =	sld [smem:$0x3FB6]  }
0x3d: {  	_ =	shalt  }
0x3e: {  	_ =	shalt  }
0x3f: {  	_ =	shalt  }
0x40: {  	_ =	shalt  }
0x41: {  	_ =	shalt  }
0x42: {  	_ =	shalt  }
0x43: {  	_ =	shalt  }
0x44: {  	_ =	shalt  }
0x45: {  	_ =	shalt  }
0x46: {  	_ =	shalt  }
0x47: {  	_ =	shalt  }
0x48: {  	_ =	shalt  }
0x49: {  	_ =	shalt  }
0x4a: {  	_ =	shalt  }
0x4b: {  	_ =	shalt  }
0x4c: {  	_ =	shalt  }
0x4d: {  	_ =	shalt  }
0x4e: {  	_ =	shalt  }
0x4f: {  	_ =	shalt  }
0x50: {  	_ =	shalt  }
0x51: {  	_ =	shalt  }
0x52: {  	_ =	shalt  }
0x53: {  	_ =	shalt  }
0x54: {  	_ =	shalt  }
0x55: {  	_ =	shalt  }
0x56: {  	_ =	shalt  }
0x57: {  	_ =	shalt  }
0x58: {  	_ =	shalt  }
0x59: {  	_ =	shalt  }
0x5a: {  	_ =	shalt  }
0x5b: {  	_ =	shalt  }
0x5c: {  	_ =	shalt  }
0x5d: {  	_ =	shalt  }
0x5e: {  	_ =	shalt  }
0x5f: {  	_ =	shalt  }
0x60: {  	_ =	shalt  }
0x61: {  	_ =	shalt  }
0x62: {  	_ =	shalt  }
0x63: {  	_ =	shalt  }
0x64: {  	_ =	shalt  }
0x65: {  	_ =	shalt  }
0x66: {  	_ =	shalt  }
0x67: {  	_ =	shalt  }
0x68: {  	_ =	shalt  }
0x69: {  	_ =	shalt  }
0x6a: {  	_ =	shalt  }
0x6b: {  	_ =	shalt  }
0x6c: {  	_ =	shalt  }
0x6d: {  	_ =	shalt  }
0x6e: {  	_ =	shalt  }
0x6f: {  	_ =	shalt  }
0x70: {  	_ =	shalt  }
0x71: {  	_ =	shalt  }
0x72: {  	_ =	shalt  }
0x73: {  	_ =	shalt  }
0x74: {  	_ =	shalt  }
0x75: {  	_ =	shalt  }
0x76: {  	_ =	shalt  }
0x77: {  	_ =	shalt  }
0x78: {  	_ =	shalt  }
0x79: {  	_ =	shalt  }
0x7a: {  	_ =	shalt  }
0x7b: {  	_ =	shalt  }
0x7c: {  	_ =	shalt  }
0x7d: {  	_ =	shalt  }
0x7e: {  	_ =	shalt  }
0x7f: {  	_ =	shalt  }
0x80: {  	_ =	shalt  }
0x81: {  	_ =	shalt  }
0x82: {  	_ =	shalt  }
0x83: {  	_ =	shalt  }
0x84: {  	_ =	shalt  }
0x85: {  	_ =	shalt  }
0x86: {  	_ =	shalt  }
0x87: {  	_ =	shalt  }
.Lfunc_end0:
.L_simem_size_0:
called_computation.1_lowered:
.L_overlay_start_0:
0x88: {  	s2 =	sld [smem:$0x3FD9]  }
0x89: {  	s3 =	sld [smem:$0x3FFE];
	_ =	sdelay $0x1  }
0x8a: {  	s1 =	srdreg.scid  }
0x8b: {  	s0 =	sand.u32 $0x1, s1  }
0x8c: {  	s16 =	sshll.u32 s0, $0xA;
	s2 =	sadd.s32 s3, s2  }
0x8d: {  	s2 =	sadd.s32 s2, s16  }
0x8e: {  	[smem:$0x3FC2] =	sst s2  }
0x8f: {  	_ = 	snop  }
0x90: {  	(tm) =	ssettm $0x1  }
0x91: {  	s17 =	sld [smem:$0x3FFB];
	_ =	sdelay $0x3  }
0x92: {  	_ =	strace s17  }
0x93: {  	s2 =	sld [smem:$0x3FFC];
	_ =	sdelay $0x3  }
0x94: {  	_ =	strace s2  }
0x95: {  	s2 =	sld [smem:$0x3FFD];
	_ =	sdelay $0x3  }
0x96: {  	_ =	strace s2  }
0x97: {  	_ =	strace $0x8FFFFFFF  }
0x98: {  	s18 =	sld [smem:$0x3FDB];
	_ =	sdelay $0x1  }
0x99: {  	s19 =	simm.s32 $_scs_section_size  }
0x9a: {  	s4 =	simm.s32 $_size__tile_overlayer_lowered;
	s5 =	simm.s32 $_tile_overlayer_lowered  }
0x9b: {  	s22 =	simm.s32 $0x1BFF;
	s21 =	sshll.u32 s5, $0x1;
	s2 =	sadd.s32 s19, s18  }
0x9c: {  	s6 =	simm.s32 $0x0;
	s20 =	sshll.u32 s4, $0x1;
	s4 =	sadd.s32 s21, s2  }
0x9d: {  	[timem:s6], [sflag:s22] =	dma.local [hbm:s4], s20  }
0x9e: {  	_ =	swait.ge [sflag:s22], s20  }
0x9f: {  	s3 =	ssub.s32 $0x0, s20;
	[sflag:s22] =	ssyncset.done $0x0  }
0xa0: {  	[sflag:s22] =	ssyncadd.s32 s3;
	_ =	sdelay $0x1  }
0xa1: {  	s23 =	simm.s32 $0x1B8B  }
0xa2: {  	_ =	swait.ge [sflag:s23], $0x1  }
0xa3: {  	[sflag:s23] =	ssyncset.done $0x0  }
0xa4: {  	s25 =	simm.s32 $0x1B8E;
	s24 =	sld [smem:$0x3FFE];
	[sflag:s23] =	ssyncadd.s32 $0xFFFFFFFF  }
0xa5: {  	s26 =	simm.s32 $execute0_lowered;
	[smem:$0x3FD2] =	sst s25  }
0xa6: {  	s4 =	sshll.u32 s26, $0x1;
	_ =	strace $0x80000049;
	[dreg:$0x1] =	wrdreg $0xFFFFFFFF  }
0xa7: {  	s28 =	simm.s32 $_size_execute0_lowered;
	s2 =	sadd.s32 s2, s4;
	[dreg:$0x0] =	wrdreg $0x0  }
0xa8: {  	s4 =	sshll.u32 s28, $0x1;
	[dreg:$0x2] =	wrdreg s2  }
0xa9: {  	[dreg:$0x3] =	wrdreg s4  }
0xaa: {  	[dreg:$0x4] =	wrdreg $0xC0  }
0xab: {  	_ =	task [dreg:s6], $0x5FFFF  }
0xac: {  	[dreg:$0x1] =	wrdreg $0xFFFFFFFF  }
0xad: {  	[dreg:$0x0] =	wrdreg $0x60  }
0xae: {  	[dreg:$0x2] =	wrdreg s24  }
0xaf: {  	[dreg:$0x3] =	wrdreg $0x90000  }
0xb0: {  	[dreg:$0x4] =	wrdreg $0x9  }
0xb1: {  	_ =	task.clear_ibuf [dreg:s6], $0x5FFFF;
	_ =	strace $0x90000049  }
0xb2: {  	s29 =	simm.s32 $0x9;
	_ =	strace $0x8000004B  }
0xb3: {  	_ =	swait.ge [sflag:s29], $0x1  }
0xb4: {  	[sflag:s29] =	ssyncadd.s32 $0xFFFFFFFF  }
0xb5: {  	_ =	strace $0x9000004B  }
0xb6: {  	_ =	sfence  }
0xb7: {  	s30 =	sld [smem:$0x0];
	_ =	sdelay $0x2  }
0xb8: {  	s31 =	sshll.u32 s1, $0xD;
	s1 =	sshrl.u32 s1, $0x2  }
0xb9: {  	s3 =	sand.u32 $0x4000, s31;
	s1 =	sadd.s32 s1, s30  }
0xba: {  	s0 =	sor.u32 s3, s0;
	s1 =	sshll.u32 s1, $0x11  }
0xbb: {  	s0 =	sor.u32 s1, s0  }
0xbc: {  	s0 =	sadd.s32 $0x8F2B, s0  }
0xbd: {  	[sflag:s0] =	ssyncadd.remote.s32 $0x1  }
0xbe: {  	_ =	sfence.sel $0xFFFF  }
0xbf: {  	[dreg:$0x0] =	wrdreg $0xFFFFFFFF;
	(pc) =	sbr.abs _section_cstart, $3  }
0xc0: {  	[dreg:$0x1] =	wrdreg $0xFFFFFFFF  }
0xc1: {  	_ =	task.clear_ibuf [dreg:s6], $0x2FFFF;
	_ =	strace $0x9FFFFFFF  }
0xc2: {  	(tm) =	ssettm $0x7FFFFFFF  }
0xc3: {  	_ =	shalt  }
tec
execute0_lowered:
.L_overlay_start_1:
0x0: {  	(tag) =	ssettag $0x1  }
0x1: {  	s6 =	rddreg [dreg:$0x0];
	s0 =	srdreg.scid  }
0x2: {  	s2 =	rddreg [dreg:$0x1];
	s1 =	stileid.u32  }
0x3: {  	s3 =	simm.s32 $0x0;
	s16 =	simm.s32 $0x80;
	s17 =	simm.s32 $0x1000  }
0x4: {  	s18 =	simm.s32 $0x5000;
	s19 =	simm.s32 $0x1;
	s20 =	simm.s32 $0x3  }
0x5: {  	s21 =	simm.s32 $0x2;
	s22 =	simm.s32 $0x4;
	s23 =	simm.s32 $0x0  }
0x6: {  	s7 =	sand.u32 $0x1, s0;
	s0 =	rddreg [dreg:$0x2];
	s8 =	smul.u32 $0x14000, s1  }
0x7: {  	[smem:$0x7FF] =	sst s3;
	s4 =	sadd.s32 $0x18600, s6;
	s25 =	smul.u32 $0x50000, s1  }
0x8: {  	s11 =	sadd.s32 $0x1E00, s6;
	s12 =	sadd.s32 $0xBE00, s6;
	s14 =	smul.u32 $0x2800, s1  }
0x9: {  	s29 =	sshll.u32 s1, $0x6;
	s5 =	smul.u32 $0x140000, s7;
	_ =	strace $0x8000004A  }
0xa: {  	s26 =	ssub.s32 $0x2, s7;
	s10 =	sshll.u32 s7, $0x4;
	s7 =	smul.u32 $0x28000, s7  }
0xb: {  	s13 =	sshrl.u32 s26, $0x1;
	s10 =	sor.u32 s1, s10;
	s5 =	sadd.s32 s8, s5  }
0xc: {  	s13 =	ssub.s32 s26, s13;
	s28 =	smul.u32 $0x2800, s10;
	s7 =	sadd.s32 s14, s7  }
0xd: {  	s14 =	simm.s32 $0x6;
	s8 =	sshrl.u32 s5, $0x3;
	s5 =	sadd.s32 $0x15E00, s6  }
0xe: {  	s30 =	sor.u32 $0x400, s7;
	s10 =	smax.u32 s13, $0x1;
	s9 =	sadd.s32 s8, s6  }
0xf: {  	s6 =	sshrl.u32 s25, $0x2;
	s8 =	sshrl.u32 s28, $0x3;
	s31 =	sshrl.u32 s30, $0x3  }
0x10: {  	s15 =	sadd.s32 s6, s2;
	s6 =	sor.u32 $0x1C06, s29;
	s7 =	sadd.s32 s12, s8  }
0x11: {  	s8 =	sadd.s32 s11, s8;
	s9 =	sadd.s32 $0xB8600, s9;
	s11 =	sadd.s32 s31, s11  }
0x12: {  	s12 =	sadd.s32 s31, s12;
	s13 =	sshrl.u32 s15, $0x3;
	s15 =	simm.s32 $0x800  }
.LBB2_1:
0x13: {  	[spmem:s13], [sflag:s6] =	dma.local [hbm:s5], $0x2800  }
0x14: {  	_ =	swait.ge [sflag:s14], $0x2800  }
0x15: {  	[sflag:s14] =	ssyncset.done $0x0  }
0x16: {  	[sflag:s14] =	ssyncadd.s32 $0xFFFFD800  }
0x17: {  	[bflag:$0x0] =	sbarrier.arrive $0xFFFF  }
0x18: {  	[tilespmem:s15], [sflag:$0x6] =	stream.linear.gather [hbm4b:s7+s3], $0x400, $0x38;
	[tilespmem:$0x1D000] =	vst v63  }
0x19: {  	_ =	swait.ge [sflag:s14], $0x400  }
0x1a: {  	[sflag:s14] =	ssyncset.done $0x0  }
0x1b: {  	[sflag:s14] =	ssyncadd.s32 $0xFFFFFC00  }
0x1c: {  	[tilespmem:s3], [sflag:$0x6] =	stream.linear.gather [hbm4b:s8+s3], $0x400, $0x38;
	[tilespmem:$0x1D000] =	vst v63  }
0x1d: {  	_ =	swait.ge [sflag:s14], $0x400  }
0x1e: {  	s24 =	simm.s32 $0x8;
	[sflag:s14] =	ssyncset.done $0x0  }
0x1f: {  	s25 =	smov.u32 s12;
	s26 =	smov.u32 s11;
	[sflag:s14] =	ssyncadd.s32 $0xFFFFFC00  }
0x20: {  	[tilespmem:s17], [sflag:$0x1] =	stream.indirect.gather [hbm4b:s4+s16], $0x80, s3, s16, $0xb8;
	[tilespmem:$0x1D000] =	vst v63  }
.LBB2_2:
0x21: {  	p0 =	seq.s32 s24, $0x8  }
0x22: {  	s29 =	simm.s32 @!p0 $0x4  }
0x23: {  	p1 =	seq.s32 @!p0 s24, $0x50;
	_ =	swait.ge @!p0 [sflag:s29], $0x4000  }
0x24: {  	s28 =	sand.u32 $0x8, s24;
	p1 =	por p0, !p1;
	[sflag:s29] =	ssyncset.done @!p0 $0x0  }
0x25: {  	[sflag:s29] =	ssyncadd.s32 @!p0 $0xFFFFC000;
	s29 =	sshll.u32 @p1 s28, $0x7  }
0x26: {  	s30 =	sor.u32 @p1 $0x800, s29  }
0x27: {  	[tilespmem:s30], [sflag:$0x5] =	stream.linear.gather @p1 [hbm4b:s25+s3], $0x400, $0x38;
	[tilespmem:$0x1D000] =	vst v63  }
0x28: {  	s30 =	sadd.s32 $0xFFFFFFF8, s24  }
0x29: {  	[tilespmem:s29], [sflag:$0x5] =	stream.linear.gather @p1 [hbm4b:s26+s3], $0x400, $0x38;
	[tilespmem:$0x1D000] =	vst v63  }
0x2a: {  	s29 =	sand.u32 $0x8, s30  }
0x2b: {  	s29 =	sshll.u32 s29, $0x7  }
0x2c: {  	s31 =	sor.u32 $0x80, s29  }
0x2d: {  	[tilespmem:s18], [sflag:$0x2] =	stream.indirect.gather [hbm4b:s4+s16], $0x80, s31, s16, $0xb8;
	[tilespmem:$0x1D000] =	vst v63  }
0x2e: {  	_ =	swait.ge [sflag:s19], $0x4000  }
0x2f: {  	[sflag:s19] =	ssyncset.done $0x0  }
0x30: {  	s31 =	sor.u32 $0x800, s29;
	[sflag:s19] =	ssyncadd.s32 $0xFFFFC000  }
0x31: {  	[spmem:s2] =	stream.indirect.scatter.add.f32 [tilespmem:s17], [sflag:$0x3], $0x80, s31, s16, $0xb8;
	[tilespmem:$0x1D000] =	vst v63  }
0x32: {  	_ =	swait.ge [sflag:s20], $0x4000  }
0x33: {  	[sflag:s20] =	ssyncset.done $0x0  }
0x34: {  	s31 =	sor.u32 $0x100, s29;
	[sflag:s20] =	ssyncadd.s32 $0xFFFFC000  }
0x35: {  	[tilespmem:s17], [sflag:$0x1] =	stream.indirect.gather [hbm4b:s4+s16], $0x80, s31, s16, $0xb8;
	[tilespmem:$0x1D000] =	vst v63  }
0x36: {  	_ =	swait.ge [sflag:s21], $0x4000  }
0x37: {  	[sflag:s21] =	ssyncset.done $0x0  }
0x38: {  	s31 =	sor.u32 $0x880, s29;
	[sflag:s21] =	ssyncadd.s32 $0xFFFFC000  }
0x39: {  	[spmem:s2] =	stream.indirect.scatter.add.f32 [tilespmem:s18], [sflag:$0x4], $0x80, s31, s16, $0xb8;
	[tilespmem:$0x1D000] =	vst v63  }
0x3a: {  	_ =	swait.ge [sflag:s22], $0x4000  }
0x3b: {  	[sflag:s22] =	ssyncset.done $0x0  }
0x3c: {  	s31 =	sor.u32 $0x180, s29;
	[sflag:s22] =	ssyncadd.s32 $0xFFFFC000  }
0x3d: {  	[tilespmem:s18], [sflag:$0x2] =	stream.indirect.gather [hbm4b:s4+s16], $0x80, s31, s16, $0xb8;
	[tilespmem:$0x1D000] =	vst v63  }
0x3e: {  	_ =	swait.ge [sflag:s19], $0x4000  }
0x3f: {  	[sflag:s19] =	ssyncset.done $0x0  }
0x40: {  	s31 =	sor.u32 $0x900, s29;
	[sflag:s19] =	ssyncadd.s32 $0xFFFFC000  }
0x41: {  	[spmem:s2] =	stream.indirect.scatter.add.f32 [tilespmem:s17], [sflag:$0x3], $0x80, s31, s16, $0xb8;
	[tilespmem:$0x1D000] =	vst v63  }
0x42: {  	_ =	swait.ge [sflag:s20], $0x4000  }
0x43: {  	[sflag:s20] =	ssyncset.done $0x0  }
0x44: {  	s31 =	sor.u32 $0x200, s29;
	[sflag:s20] =	ssyncadd.s32 $0xFFFFC000  }
0x45: {  	[tilespmem:s17], [sflag:$0x1] =	stream.indirect.gather [hbm4b:s4+s16], $0x80, s31, s16, $0xb8;
	[tilespmem:$0x1D000] =	vst v63  }
0x46: {  	_ =	swait.ge [sflag:s21], $0x4000  }
0x47: {  	[sflag:s21] =	ssyncset.done $0x0  }
0x48: {  	s31 =	sor.u32 $0x980, s29;
	[sflag:s21] =	ssyncadd.s32 $0xFFFFC000  }
0x49: {  	[spmem:s2] =	stream.indirect.scatter.add.f32 [tilespmem:s18], [sflag:$0x4], $0x80, s31, s16, $0xb8;
	[tilespmem:$0x1D000] =	vst v63  }
0x4a: {  	_ =	swait.ge [sflag:s22], $0x4000  }
0x4b: {  	[sflag:s22] =	ssyncset.done $0x0  }
0x4c: {  	s31 =	sor.u32 $0x280, s29;
	[sflag:s22] =	ssyncadd.s32 $0xFFFFC000  }
0x4d: {  	[tilespmem:s18], [sflag:$0x2] =	stream.indirect.gather [hbm4b:s4+s16], $0x80, s31, s16, $0xb8;
	[tilespmem:$0x1D000] =	vst v63  }
0x4e: {  	_ =	swait.ge [sflag:s19], $0x4000  }
0x4f: {  	[sflag:s19] =	ssyncset.done $0x0  }
0x50: {  	s31 =	sor.u32 $0xA00, s29;
	[sflag:s19] =	ssyncadd.s32 $0xFFFFC000  }
0x51: {  	[spmem:s2] =	stream.indirect.scatter.add.f32 [tilespmem:s17], [sflag:$0x3], $0x80, s31, s16, $0xb8;
	[tilespmem:$0x1D000] =	vst v63  }
0x52: {  	_ =	swait.ge [sflag:s20], $0x4000  }
0x53: {  	[sflag:s20] =	ssyncset.done $0x0  }
0x54: {  	s31 =	sor.u32 $0x300, s29;
	[sflag:s20] =	ssyncadd.s32 $0xFFFFC000  }
0x55: {  	[tilespmem:s17], [sflag:$0x1] =	stream.indirect.gather [hbm4b:s4+s16], $0x80, s31, s16, $0xb8;
	[tilespmem:$0x1D000] =	vst v63  }
0x56: {  	_ =	swait.ge [sflag:s21], $0x4000  }
0x57: {  	[sflag:s21] =	ssyncset.done $0x0  }
0x58: {  	s31 =	sor.u32 $0xA80, s29;
	[sflag:s21] =	ssyncadd.s32 $0xFFFFC000  }
0x59: {  	[spmem:s2] =	stream.indirect.scatter.add.f32 [tilespmem:s18], [sflag:$0x4], $0x80, s31, s16, $0xb8;
	[tilespmem:$0x1D000] =	vst v63  }
0x5a: {  	_ =	swait.ge [sflag:s22], $0x4000  }
0x5b: {  	[sflag:s22] =	ssyncset.done $0x0  }
0x5c: {  	s31 =	sor.u32 $0x380, s29;
	[sflag:s22] =	ssyncadd.s32 $0xFFFFC000  }
0x5d: {  	[tilespmem:s18], [sflag:$0x2] =	stream.indirect.gather [hbm4b:s4+s16], $0x80, s31, s16, $0xb8;
	[tilespmem:$0x1D000] =	vst v63  }
0x5e: {  	_ =	swait.ge [sflag:s19], $0x4000  }
0x5f: {  	[sflag:s19] =	ssyncset.done $0x0  }
0x60: {  	s29 =	sor.u32 $0xB00, s29;
	[sflag:s19] =	ssyncadd.s32 $0xFFFFC000  }
0x61: {  	[spmem:s2] =	stream.indirect.scatter.add.f32 [tilespmem:s17], [sflag:$0x3], $0x80, s29, s16, $0xb8;
	[tilespmem:$0x1D000] =	vst v63  }
0x62: {  	p0 =	por @!p0 $0x1, $0x1;
	_ =	swait.ge [sflag:s20], $0x4000  }
0x63: {  	p0 =	por @p1 $0x0, $0x0;
	[sflag:s20] =	ssyncset.done $0x0  }
0x64: {  	s29 =	simm.s32 @!p0 $0x5;
	[sflag:s20] =	ssyncadd.s32 $0xFFFFC000  }
0x65: {  	_ =	swait.ge @!p0 [sflag:s29], $0x400  }
0x66: {  	[sflag:s29] =	ssyncset.done @!p0 $0x0  }
0x67: {  	[sflag:s29] =	ssyncadd.s32 @!p0 $0xFFFFFC00  }
0x68: {  	_ =	swait.ge @!p0 [sflag:s29], $0x400  }
0x69: {  	s24 =	sadd.s32 $0x8, s24;
	[sflag:s29] =	ssyncset.done @!p0 $0x0  }
0x6a: {  	s28 =	sshll.u32 s28, $0x7;
	[sflag:s29] =	ssyncadd.s32 @!p0 $0xFFFFFC00;
	p0 =	sne.s32 s24, $0x58  }
0x6b: {  	[tilespmem:s17], [sflag:$0x1] =	stream.indirect.gather [hbm4b:s4+s16], $0x80, s28, s16, $0xb8;
	[tilespmem:$0x1D000] =	vst v63  }
.Ltmp0:
0x6c: {  	_ = 	snop;
	(pc) =	sbr.rel @p0 .LBB2_2-.Ltmp0, $4  }
0x6d: {  	_ =	swait.ge [sflag:s21], $0x4000  }
0x6e: {  	s25 =	sadd.s32 $0x80, s25;
	[sflag:s21] =	ssyncset.done $0x0  }
0x6f: {  	s26 =	sadd.s32 $0x80, s26;
	s31 =	sor.u32 $0x800, s31;
	[sflag:s21] =	ssyncadd.s32 $0xFFFFC000  }
0x70: {  	[spmem:s2] =	stream.indirect.scatter.add.f32 [tilespmem:s18], [sflag:$0x4], $0x80, s31, s16, $0xb8;
	[tilespmem:$0x1D000] =	vst v63  }
0x71: {  	_ =	swait.ge [sflag:s19], $0x4000  }
0x72: {  	[sflag:s19] =	ssyncset.done $0x0  }
0x73: {  	[sflag:s19] =	ssyncadd.s32 $0xFFFFC000  }
0x74: {  	_ =	swait.ge [sflag:s22], $0x4000  }
0x75: {  	s23 =	sadd.s32 $0x1, s23;
	[sflag:s22] =	ssyncset.done $0x0  }
0x76: {  	p0 =	sne.s32 s23, s10;
	[sflag:s22] =	ssyncadd.s32 $0xFFFFC000  }
.Ltmp1:
0x77: {  	[bflag:$0x0] =	sbarrier.arrive $0xFFFF;
	(pc) =	sbr.rel @p0 .LBB2_1-.Ltmp1, $4  }
0x78: {  	[hbm:s9], [sflag:s6] =	dma.local [spmem:s13], $0x2800  }
0x79: {  	_ =	swait.ge [sflag:s14], $0x2800  }
0x7a: {  	[sflag:s14] =	ssyncset.done $0x0  }
0x7b: {  	[sflag:s14] =	ssyncadd.s32 $0xFFFFD800  }
0x7c: {  	_ =	sfence.sel $0x180000  }
0x7d: {  	[bflag:$0x0] =	sbarrier.arrive $0xFFFF  }
0x7e: {  	p0 =	sne.s32 s1, $0x0;
	_ =	strace $0x9000004A  }
0x7f: {  	s0 =	sadd.s32 @!p0 $0x100000, s0;
	[bflag:$0x2] =	sbarrier.arrive $0xFFFF  }
0x80: {  	[sflag:s0] =	ssyncadd.tile.s32 @!p0 $0x1;
	_ =	shalt  }
.Lfunc_end2:
_tile_overlayer_lowered:
.L_overlay_start_2:
0x81: {  	(tag) =	ssettag $0x2  }
0x82: {  	s0 =	rddreg [dreg:$0x0];
	s2 =	stileid.u32  }
0x83: {  	s1 =	rddreg [dreg:$0x1];
	p0 =	sne.s32 s2, $0x0  }
0x84: {  	s3 =	rddreg [dreg:$0x2];
	[bflag:$0x3] =	sbarrier.arrive $0xFFFF;
	s2 =	simm.s32 @!p0 $0x1C06  }
0x85: {  	[timem:s3], [sflag:s2] =	dma.local @!p0 [hbm:s0], s1  }
0x86: {  	s0 =	simm.s32 @!p0 $0x6  }
0x87: {  	_ =	swait.ge @!p0 [sflag:s0], s1  }
0x88: {  	s1 =	ssub.s32 @!p0 $0x0, s1;
	[sflag:s0] =	ssyncset.done @!p0 $0x0  }
0x89: {  	[sflag:s0] =	ssyncadd.s32 @!p0 s1  }
0x8a: {  	[bflag:$0x3] =	sbarrier.arrive $0xFFFF  }
0x8b: {  	_ =	shalt  }

</sc_bundles>
